<compile_context>
chip_gen: v7x
topology: tpu7x:2x2x1
jax: 0.10.2.dev20260603
libtpu: 0.0.44.dev20260713+nightly
codegen_flags: <defaults>
</compile_context>

<pallas_src>
import functools

import jax
import jax.numpy as jnp
from jax import lax
from jax.experimental import pallas as pl
from jax.experimental.pallas import tpu as pltpu
from jax.experimental.pallas import tpu_sc as plsc

K_TOP = 971
N = 10000
EMB = 128
NB = 79
NPAD = NB * 128

NE = 320000
E_ROWS_W = 80
E_ROWS = 32 * E_ROWS_W
NE_PAD = E_ROWS * 128
ACC_ROWS = 10240
ACC_ZROWS = ACC_ROWS // 16

NI = 224000
NI_ROWS_W = 112
NI_ROWS = 16 * NI_ROWS_W
NI_PAD = NI_ROWS * 128
FLAG_LEN = 321536
FLAG_ZLEN = FLAG_LEN // 16
E_W = NE // 32
E_CHUNK = 2000



def _topk_body(xp_ref, w1_ref, b1_ref, w2_ref, b2_ref, me_ref,
               xm_ref, idx_ref, srow_ref, swide_ref):
    f32 = jnp.float32
    w1 = w1_ref[...]
    b1 = b1_ref[...]
    w2 = w2_ref[...]
    b2 = b2_ref[...]
    eye = (lax.broadcasted_iota(jnp.int32, (128, 128), 0)
           == lax.broadcasted_iota(jnp.int32, (128, 128), 1)).astype(f32)
    sub128 = lax.broadcasted_iota(jnp.int32, (128, 1), 0)
    row16 = lax.broadcasted_iota(jnp.int32, (16, 1), 0)
    blk1024 = lax.broadcasted_iota(jnp.int32, (1, 1024), 1) // 128

    def score_blk(i, carry):
        srow2, swide2 = carry
        xb = xp_ref[pl.ds(i * 128, 128), :]
        h0 = jnp.maximum(
            jnp.dot(xb, w1, preferred_element_type=f32) + b1[None, :], 0.0)
        logit = jnp.dot(h0, w2, preferred_element_type=f32) + b2
        s = jax.nn.sigmoid(logit)
        gid = i * 128 + sub128
        s = jnp.where(gid < N, s, 0.0)
        s_row = lax.dot_general(
            s, eye, (((0,), (0,)), ((), ())), preferred_element_type=f32,
            precision=lax.Precision.HIGHEST)
        srow2 = jnp.where(sub128 == i, s_row, srow2)
        s_big = jnp.concatenate([s_row] * 8, axis=1)
        pos = (row16 == i // 8) & (blk1024 == i % 8)
        swide2 = jnp.where(pos, s_big, swide2)
        return srow2, swide2

    srow2, swide2 = lax.fori_loop(
        0, NB, score_blk,
        (jnp.zeros((128, 128), f32), jnp.zeros((16, 1024), f32)))
    srow_ref[...] = srow2
    swide_ref[...] = swide2

    ones_k = jnp.ones((1024, 1), f32)
    me_row = me_ref[...][None, :]
    tgt = lax.broadcasted_iota(jnp.int32, (1, 1024), 1).astype(f32)
    lane_k = lax.broadcasted_iota(jnp.int32, (1, 1024), 1)

    def rank_i(i, idx_acc):
        row_i = srow_ref[pl.ds(i, 1), :]
        si = lax.dot_general(
            eye, row_i, (((1,), (1,)), ((), ())), preferred_element_type=f32,
            precision=lax.Precision.HIGHEST)
        gi = i * 128 + sub128

        def rank_j(jj, acc):
            sj = swide_ref[pl.ds(jj, 1), :]
            gj = jj * 1024 + lane_k
            cmp = jnp.where((sj > si) | ((sj == si) & (gj < gi)), 1.0, 0.0)
            return acc + jnp.dot(cmp, ones_k, preferred_element_type=f32)

        acc = lax.fori_loop(0, 16, rank_j, jnp.zeros((128, 1), f32))
        mask = acc < float(K_TOP)
        xb = xp_ref[pl.ds(i * 128, 128), :]
        xm_ref[pl.ds(i * 128, 128), :] = jnp.where(mask, me_row, xb)
        m = jnp.where(acc == tgt, 1.0, 0.0)
        return idx_acc + jnp.sum(m * gi.astype(f32), axis=0, keepdims=True)

    idxf = lax.fori_loop(0, NB, rank_i, jnp.zeros((1, 1024), f32))
    idx_ref[...] = idxf.astype(jnp.int32)


def _topk_mask(xp, W1, b1, W2, b2, mask_emb):
    return pl.pallas_call(
        _topk_body,
        out_shape=(jax.ShapeDtypeStruct((NPAD, EMB), jnp.float32),
                   jax.ShapeDtypeStruct((1, 1024), jnp.int32)),
        scratch_shapes=[pltpu.VMEM((128, 128), jnp.float32),
                        pltpu.VMEM((16, 1024), jnp.float32)],
    )(xp, W1, b1, W2, b2, mask_emb)



def _lin_body(p_ref, wg_ref, bg_ref, o_ref):
    a = p_ref[0, :, :] + p_ref[1, :, :]
    h = jnp.dot(a, wg_ref[...], preferred_element_type=jnp.float32) + bg_ref[...][None, :]
    o_ref[...] = jnp.maximum(h, 0.0)


def _linear(parts, Wg, bg):
    BR = 400
    return pl.pallas_call(
        _lin_body,
        grid=(N // BR,),
        in_specs=[pl.BlockSpec((2, BR, EMB), lambda i: (0, i, 0)),
                  pl.BlockSpec((EMB, EMB), lambda i: (0, 0)),
                  pl.BlockSpec((EMB,), lambda i: (0,))],
        out_specs=pl.BlockSpec((BR, EMB), lambda i: (i, 0)),
        out_shape=jax.ShapeDtypeStruct((N, EMB), jnp.float32),
    )(parts, Wg, bg)



@functools.cache
def _sc_mesh():
    return plsc.VectorSubcoreMesh(core_axis_name="c", subcore_axis_name="s",
                                  num_cores=2, num_subcores=16)


def _seg_sum(feat, src, dst):
    call = pl.kernel(
        _seg_sum_body,
        out_type=jax.ShapeDtypeStruct((2, ACC_ROWS, EMB), jnp.float32),
        mesh=_sc_mesh(),
        scratch_types=[
            pltpu.VMEM((E_ROWS_W // 2, 128), jnp.int32),
            pltpu.VMEM((E_ROWS_W // 2, 128), jnp.int32),
            pltpu.VMEM((128, EMB), jnp.float32),
            pltpu.VMEM((128, EMB), jnp.float32),
            pltpu.VMEM_SHARED((ACC_ROWS, EMB), jnp.float32),
            pltpu.SemaphoreType.DMA,
            pltpu.SemaphoreType.DMA,
        ],
    )
    return call(feat, src, dst)


def _seg_sum_body(feat_hbm, src_hbm, dst_hbm, out_hbm,
                  srcv, dstv, rows_a, rows_b, acc_sh, sem_a, sem_b):
    c = lax.axis_index("c")
    s = lax.axis_index("s")
    wid = s * 2 + c
    half_rows = E_ROWS_W // 2

    def zfill(i, _):
        rows_a[i // 8, pl.ds((i % 8) * 16, 16)] = jnp.zeros((16,), jnp.float32)
        return 0

    lax.fori_loop(0, 128 * 8, zfill, 0)
    zbase = s * ACC_ZROWS
    for k in range(ACC_ZROWS // 128):
        pltpu.sync_copy(rows_a, acc_sh.at[pl.ds(zbase + k * 128, 128)])
    plsc.subcore_barrier()

    for half in range(2):
        row0 = wid * E_ROWS_W + half * half_rows
        pltpu.sync_copy(src_hbm.at[pl.ds(row0, half_rows)], srcv)
        pltpu.sync_copy(dst_hbm.at[pl.ds(row0, half_rows)], dstv)
        pltpu.async_copy(feat_hbm.at[srcv.at[0]], rows_a, sem_a)

        def pair(p, _):
            j = p * 2
            pltpu.async_copy(feat_hbm.at[srcv.at[j + 1]], rows_b, sem_b)
            pltpu.make_async_copy(feat_hbm.at[srcv.at[j]], rows_a, sem_a).wait()
            pltpu.sync_copy(rows_a, acc_sh.at[dstv.at[j]], add=True)

            @pl.when(j + 2 < half_rows)
            def _start_next():
                pltpu.async_copy(feat_hbm.at[srcv.at[j + 2]], rows_a, sem_a)

            pltpu.make_async_copy(feat_hbm.at[srcv.at[j + 1]], rows_b, sem_b).wait()
            pltpu.sync_copy(rows_b, acc_sh.at[dstv.at[j + 1]], add=True)
            return 0

        lax.fori_loop(0, half_rows // 2, pair, 0)

    plsc.subcore_barrier()
    obase = s * ACC_ZROWS
    pltpu.sync_copy(acc_sh.at[pl.ds(obase, ACC_ZROWS)],
                    out_hbm.at[c, pl.ds(obase, ACC_ZROWS)])



def _edge_mask(ea, et, nidx, ma, mt):
    call = pl.kernel(
        _edge_mask_body,
        out_type=(jax.ShapeDtypeStruct((NE * 4,), jnp.float32),
                  jax.ShapeDtypeStruct((NE,), jnp.float32)),
        mesh=_sc_mesh(),
        scratch_types=[
            pltpu.VMEM((NI_ROWS_W, 128), jnp.int32),
            pltpu.VMEM((128,), jnp.int32),
            pltpu.VMEM((FLAG_ZLEN // 8,), jnp.int32),
            pltpu.VMEM((E_CHUNK,), jnp.int32),
            pltpu.VMEM((E_CHUNK * 4,), jnp.float32),
            pltpu.VMEM((E_CHUNK * 4,), jnp.float32),
            pltpu.VMEM((E_CHUNK,), jnp.float32),
            pltpu.VMEM((E_CHUNK,), jnp.float32),
            pltpu.VMEM((16,), jnp.float32),
            pltpu.VMEM((16,), jnp.float32),
            pltpu.VMEM_SHARED((FLAG_LEN,), jnp.int32),
            pltpu.SemaphoreType.DMA,
        ],
    )
    return call(ea, et, nidx, ma, mt)


def _edge_mask_body(ea_hbm, et_hbm, nidx_hbm, ma_hbm, mt_hbm, oa_hbm, ot_hbm,
               idxv, onesv, zerov, flagv, eav, oav, etv, otv, mav, mtv,
               flag_sh, sem):
    c = lax.axis_index("c")
    s = lax.axis_index("s")
    wid = s * 2 + c

    zlen = FLAG_ZLEN // 8

    def zfill(i, _):
        zerov[pl.ds(i * 16, 16)] = jnp.zeros((16,), jnp.int32)
        return 0

    lax.fori_loop(0, zlen // 16, zfill, 0)

    def ofill(i, _):
        onesv[pl.ds(i * 16, 16)] = jnp.ones((16,), jnp.int32)
        return 0

    lax.fori_loop(0, 8, ofill, 0)

    fbase = s * FLAG_ZLEN
    for k in range(8):
        pltpu.sync_copy(zerov, flag_sh.at[pl.ds(fbase + k * zlen, zlen)])
    plsc.subcore_barrier()

    pltpu.sync_copy(nidx_hbm.at[pl.ds(s * NI_ROWS_W, NI_ROWS_W)], idxv)

    def scat(r, _):
        pltpu.async_copy(onesv, flag_sh.at[idxv.at[r]], sem)
        return 0

    lax.fori_loop(0, NI_ROWS_W, scat, 0)

    def drain(r, _):
        pltpu.make_async_copy(onesv, flag_sh.at[idxv.at[0]], sem).wait()
        return 0

    lax.fori_loop(0, NI_ROWS_W, drain, 0)
    plsc.subcore_barrier()

    pltpu.sync_copy(ma_hbm, mav)
    pltpu.sync_copy(mt_hbm, mtv)
    ma_vec = mav[...]
    mt_vec = mtv[...]
    lanes = lax.broadcasted_iota(jnp.int32, (16,), 0)
    rep_idx = [lax.shift_right_logical(lanes, 2) + 4 * b for b in range(4)]
    gdn = lax.GatherDimensionNumbers(
        offset_dims=(), collapsed_slice_dims=(0,), start_index_map=(0,))

    ebase = wid * E_W

    def chunk(q, _):
        e0 = ebase + q * E_CHUNK
        pltpu.sync_copy(flag_sh.at[pl.ds(e0, E_CHUNK)], flagv)
        pltpu.sync_copy(ea_hbm.at[pl.ds(e0 * 4, E_CHUNK * 4)], eav)
        pltpu.sync_copy(et_hbm.at[pl.ds(e0, E_CHUNK)], etv)

        def grp(g, _):
            fo = g * 16
            f = flagv[pl.ds(fo, 16)]
            ev = etv[pl.ds(fo, 16)]
            otv[pl.ds(fo, 16)] = jnp.where(f > 0, mt_vec, ev)
            for b in range(4):
                fexp = lax.gather(
                    f, rep_idx[b][:, None], gdn, (1,),
                    mode=lax.GatherScatterMode.PROMISE_IN_BOUNDS)
                o = fo * 4 + b * 16
                v = eav[pl.ds(o, 16)]
                oav[pl.ds(o, 16)] = jnp.where(fexp > 0, ma_vec, v)
            return 0

        lax.fori_loop(0, E_CHUNK // 16, grp, 0)

        pltpu.sync_copy(oav, oa_hbm.at[pl.ds(e0 * 4, E_CHUNK * 4)])
        pltpu.sync_copy(otv, ot_hbm.at[pl.ds(e0, E_CHUNK)])
        return 0

    lax.fori_loop(0, E_W // E_CHUNK, chunk, 0)



def kernel(x, edge_index, edge_attr, edge_type, batch, nindex,
           W1, b1, W2, b2, Wg, bg, mask_emb, mask_attr, mask_type):
    f32 = jnp.float32
    xp = jnp.pad(x, ((0, NPAD - N), (0, 0)))
    xm_tab, idx2d = _topk_mask(xp, W1, b1, W2, b2, mask_emb)
    idx = idx2d.reshape(1024)[:K_TOP]

    pad_e = NE_PAD - NE
    pad_i = jnp.arange(pad_e, dtype=jnp.int32)
    srcp = jnp.concatenate([edge_index[0], pad_i % N]).reshape(E_ROWS, 128)
    dstp = jnp.concatenate([edge_index[1], N + pad_i % (ACC_ROWS - N)]
                           ).reshape(E_ROWS, 128)

    p1 = _seg_sum(xm_tab, srcp, dstp)
    h = _linear(p1, Wg, bg)
    p2 = _seg_sum(h, srcp, dstp)
    hnew = _linear(p2, Wg, bg)

    pad_n = NI_PAD - NI
    nidxp = jnp.concatenate(
        [nindex.astype(jnp.int32),
         NE + jnp.arange(pad_n, dtype=jnp.int32) % (FLAG_LEN - NE)]
    ).reshape(NI_ROWS, 128)
    oa, ot = _edge_mask(edge_attr.reshape(NE * 4), edge_type.reshape(NE),
                        nidxp, jnp.tile(mask_attr, 4).astype(f32),
                        jnp.tile(mask_type, 16).astype(f32))
    edge_attr_new = oa.reshape(NE, 4)
    edge_type_new = ot.reshape(NE, 1)
    return (hnew, h, idx, edge_attr_new, edge_type_new)

# --- scband reference (transcript-rebuilt; emitter-appended) ---
"""Pipeline reference for scband-graphcl-30588757082541 (READ-ONLY COPY).

The authoritative reference and input builder live on the scoring server;
editing this copy changes nothing except your own understanding.
"""

import jax, jax.numpy as jnp
import numpy as np

K_TOP = int(0.7 * 1388)  # 971, matches module-level constant k
PERCENT = 0.7
N_NODES = 10000
N_EDGES = 320000
EMB_DIM = 128


def setup_inputs(seed: int = 0) -> dict:
    key = jax.random.key(seed)
    ks = jax.random.split(key, 16)
    x = jax.random.normal(ks[0], (N_NODES, EMB_DIM), dtype=jnp.float32)
    edge_index = jax.random.randint(ks[1], (2, N_EDGES), 0, N_NODES)
    edge_attr = jax.random.uniform(ks[2], (N_EDGES, 4), dtype=jnp.float32)
    edge_type = jax.random.uniform(ks[3], (N_EDGES, 1), dtype=jnp.float32)
    batch = jnp.sort(jax.random.randint(ks[4], (N_NODES,), 0, 128))
    # deterministic stand-in for random.sample over edges (70% of edges masked)
    n_mask = int(N_EDGES * PERCENT)
    nindex = jax.random.permutation(ks[5], N_EDGES)[:n_mask]
    # projection head params: Linear(emb,emb) -> ReLU -> Linear(emb,1)
    W1 = jax.random.normal(ks[6], (EMB_DIM, EMB_DIM), dtype=jnp.float32) * 0.02
    b1 = jnp.zeros((EMB_DIM,), dtype=jnp.float32)
    W2 = jax.random.normal(ks[7], (EMB_DIM, 1), dtype=jnp.float32) * 0.02
    b2 = jnp.zeros((1,), dtype=jnp.float32)
    # minimal one-layer message-passing GNN (scatter-add aggregation + linear + relu)
    Wg = jax.random.normal(ks[8], (EMB_DIM, EMB_DIM), dtype=jnp.float32) * 0.02
    bg = jnp.zeros((EMB_DIM,), dtype=jnp.float32)
    mask_emb = jax.random.normal(ks[9], (EMB_DIM,), dtype=jnp.float32)
    mask_attr = jax.random.normal(ks[10], (4,), dtype=jnp.float32)
    mask_type = jax.random.normal(ks[11], (1,), dtype=jnp.float32)
    return {
        'x': x, 'edge_index': edge_index, 'edge_attr': edge_attr,
        'edge_type': edge_type, 'batch': batch, 'nindex': nindex,
        'W1': W1, 'b1': b1, 'W2': W2, 'b2': b2, 'Wg': Wg, 'bg': bg,
        'mask_emb': mask_emb, 'mask_attr': mask_attr, 'mask_type': mask_type,
    }


def reference(x, edge_index, edge_attr, edge_type, batch, nindex,
              W1, b1, W2, b2, Wg, bg, mask_emb, mask_attr, mask_type):
    # scores_before = squeeze(sigmoid(projection(x)), 1)
    h0 = jax.nn.relu(x @ W1 + b1)
    scores_before = jax.nn.sigmoid(h0 @ W2 + b2)[:, 0]
    # _, idx1 = torch.sort(scores, descending=True); idx = idx1[:k]
    idx1 = jnp.argsort(-scores_before)
    idx = idx1[:K_TOP]
    # x[idx] = mask_emb  (scatter-overwrite)
    x_masked = x.at[idx].set(mask_emb)

    def gnn(feat):
        src = edge_index[0]
        dst = edge_index[1]
        msgs = feat[src]                                  # gather
        agg = jax.ops.segment_sum(msgs, dst, num_segments=feat.shape[0])  # scatter-add
        return jax.nn.relu(agg @ Wg + bg)

    h = gnn(x_masked)
    # edge_attr[nindex, :] = mask_attr; edge_type[nindex, :] = mask_type
    edge_attr_new = edge_attr.at[nindex].set(mask_attr)
    edge_type_new = edge_type.at[nindex].set(mask_type)
    hnew = gnn(h)
    return (hnew, h, idx, edge_attr_new, edge_type_new)

if __name__ == "__main__":
    import jax
    _d = setup_inputs()
    print(jax.jit(kernel)(*tuple(_d.values())))

</pallas_src>

<mosaic_0001>
#map = affine_map<(d0, d1) -> (0, 0)>
#map1 = affine_map<(d0, d1) -> (0, 0, 0)>
module attributes {stable_mosaic.version = 14 : i64} {
  func.func @_seg_sum_body(%arg0: i32, %arg1: i32, %arg2: memref<10112x128xf32, #tpu.memory_space<hbm>>, %arg3: memref<2560x128xi32, #tpu.memory_space<hbm>>, %arg4: memref<2560x128xi32, #tpu.memory_space<hbm>>, %arg5: memref<2x10240x128xf32, #tpu.memory_space<hbm>>, %arg6: memref<40x128xi32, #tpu.memory_space<vmem>>, %arg7: memref<40x128xi32, #tpu.memory_space<vmem>>, %arg8: memref<128x128xf32, #tpu.memory_space<vmem>>, %arg9: memref<128x128xf32, #tpu.memory_space<vmem>>, %arg10: memref<10240x128xf32, #tpu.memory_space<vmem_shared>>, %arg11: memref<!tpu.dma_semaphore, #tpu.memory_space<semaphore_mem>>, %arg12: memref<!tpu.dma_semaphore, #tpu.memory_space<semaphore_mem>>) attributes {dimension_semantics = [#tpu.dimension_semantics<core_parallel>, #tpu.dimension_semantics<subcore_parallel>], iteration_bounds = array<i64: 2, 16>, scalar_prefetch = 0 : i64, scratch_operands = 7 : i64, tpu.core_type = #tpu.core_type<sc_vector_subcore>, window_params = [{transform_indices = #map}, {transform_indices = #map}, {transform_indices = #map}, {transform_indices = #map1}]} {
    %mul3A = arith.constant 2 : i32
    %mul3A_0 = arith.muli %arg1, %mul3A : i32
    %add3A = arith.addi %mul3A_0, %arg0 : i32
    %scan3A = arith.constant 0 : i32
    %scan3A_1 = arith.constant 0 : i32
    %scan3A_2 = arith.constant 1024 : i32
    %scan3A_3 = arith.addi %scan3A_1, %scan3A_2 : i32
    %scan3A_4 = arith.constant 1 : i32
    %scan3A_5 = scf.for %scan3A_57 = %scan3A_1 to %scan3A_3 step %scan3A_4 iter_args(%scan3A_58 = %scan3A) -> (i32)  : i32 {
      %broadcast_in_dim3A = arith.constant 0.000000e+00 : f32
      %broadcast_in_dim3A_59 = vector.broadcast %broadcast_in_dim3A : f32 to vector<16xf32>
      %jit3A = arith.constant 8 : i32
      %div3A = arith.divsi %scan3A_57, %jit3A : i32
      %sign3A = arith.constant 0 : i32
      %sign3A_60 = arith.cmpi sgt, %scan3A_57, %sign3A : i32
      %sign3A_61 = arith.extui %sign3A_60 : i1 to i32
      %sign3A_62 = arith.constant 0 : i32
      %sign3A_63 = arith.cmpi slt, %scan3A_57, %sign3A_62 : i32
      %sign3A_64 = arith.extui %sign3A_63 : i1 to i32
      %sign3A_65 = arith.subi %sign3A_61, %sign3A_64 : i32
      %sign3A_66 = arith.constant 0 : i32
      %sign3A_67 = arith.cmpi sgt, %jit3A, %sign3A_66 : i32
      %sign3A_68 = arith.extui %sign3A_67 : i1 to i32
      %sign3A_69 = arith.constant 0 : i32
      %sign3A_70 = arith.cmpi slt, %jit3A, %sign3A_69 : i32
      %sign3A_71 = arith.extui %sign3A_70 : i1 to i32
      %sign3A_72 = arith.subi %sign3A_68, %sign3A_71 : i32
      %ne3A = arith.cmpi ne, %sign3A_65, %sign3A_72 : i32
      %rem3A = arith.remsi %scan3A_57, %jit3A : i32
      %ne3A_73 = arith.constant 0 : i32
      %ne3A_74 = arith.cmpi ne, %rem3A, %ne3A_73 : i32
      %and3A = arith.andi %ne3A, %ne3A_74 : i1
      %sub3A = arith.constant 1 : i32
      %sub3A_75 = arith.subi %div3A, %sub3A : i32
      %select_n3A = arith.select %and3A, %sub3A_75, %div3A : i32
      %jit3A_76 = arith.constant 8 : i32
      %eq3A = arith.constant 0 : i32
      %eq3A_77 = arith.cmpi eq, %jit3A_76, %eq3A : i32
      %jit3A_78 = arith.constant 1 : i32
      %select_n3A_79 = arith.select %eq3A_77, %jit3A_78, %jit3A_76 : i32
      %rem3A_80 = arith.remsi %scan3A_57, %select_n3A_79 : i32
      %ne3A_81 = arith.constant 0 : i32
      %ne3A_82 = arith.cmpi ne, %rem3A_80, %ne3A_81 : i32
      %lt3A = arith.constant 0 : i32
      %lt3A_83 = arith.cmpi slt, %rem3A_80, %lt3A : i32
      %lt3A_84 = arith.constant 0 : i32
      %lt3A_85 = arith.cmpi slt, %select_n3A_79, %lt3A_84 : i32
      %ne3A_86 = arith.xori %lt3A_83, %lt3A_85 : i1
      %and3A_87 = arith.andi %ne3A_86, %ne3A_82 : i1
      %add3A_88 = arith.addi %rem3A_80, %select_n3A_79 : i32
      %select_n3A_89 = arith.select %and3A_87, %add3A_88, %rem3A_80 : i32
      %mul3A_90 = arith.constant 16 : i32
      %mul3A_91 = arith.muli %select_n3A_89, %mul3A_90 : i32
      %swap3A = arith.index_cast %select_n3A : i32 to index
      %swap3A_92 = arith.index_cast %mul3A_91 : i32 to index
      %swap3A_93 = tpu.vector_load %arg8[%swap3A, %swap3A_92] {strides = array<i32>} : memref<128x128xf32, #tpu.memory_space<vmem>>, vector<1x16xf32>,
      %swap3A_94 = vector.shape_cast %swap3A_93 : vector<1x16xf32> to vector<16xf32>
      %swap3A_95 = vector.shape_cast %broadcast_in_dim3A_59 : vector<16xf32> to vector<1x16xf32>
      tpu.vector_store %arg8[%swap3A, %swap3A_92], %swap3A_95 {strides = array<i32>} : memref<128x128xf32, #tpu.memory_space<vmem>>, vector<1x16xf32>,
      %scan3A_96 = arith.constant 0 : i32
      scf.yield %scan3A_96 : i32
    }
    %scan3A_6 = arith.constant 1024 : i32
    %mul3A_7 = arith.constant 640 : i32
    %mul3A_8 = arith.muli %arg1, %mul3A_7 : i32
    %add3A_9 = arith.constant 0 : i32
    %add3A_10 = arith.addi %mul3A_8, %add3A_9 : i32
    "tpu.region"() ({
      %run_scoped3A = tpu.sem_alloc : memref<!tpu.dma_semaphore, #tpu.memory_space<semaphore_mem>>
      %dma_start3A_57 = arith.constant 0 : i32
      %dma_start3A_58 = tpu.memref_slice %arg10[%add3A_10, %dma_start3A_57] : memref<10240x128xf32, #tpu.memory_space<vmem_shared>> -> memref<128x128xf32, #tpu.memory_space<vmem_shared>>
      %dma_start3A_59 = arith.constant 0 : i32
      %dma_start3A_60 = tpu.memref_slice %arg10[%add3A_10, %dma_start3A_59] : memref<10240x128xf32, #tpu.memory_space<vmem_shared>> -> memref<128x128xf32, #tpu.memory_space<vmem_shared>>
      tpu.enqueue_dma source(%arg8 : memref<128x128xf32, #tpu.memory_space<vmem>>) target(%dma_start3A_60 : memref<128x128xf32, #tpu.memory_space<vmem_shared>>) target_semaphore(%run_scoped3A : memref<!tpu.dma_semaphore, #tpu.memory_space<semaphore_mem>>)
      %dma_wait3A = arith.constant 0 : i32
      %dma_wait3A_61 = tpu.memref_slice %arg10[%add3A_10, %dma_wait3A] : memref<10240x128xf32, #tpu.memory_space<vmem_shared>> -> memref<128x128xf32, #tpu.memory_space<vmem_shared>>
      %dma_wait3A_62 = arith.constant 0 : i32
      %dma_wait3A_63 = tpu.memref_slice %arg10[%add3A_10, %dma_wait3A_62] : memref<10240x128xf32, #tpu.memory_space<vmem_shared>> -> memref<128x128xf32, #tpu.memory_space<vmem_shared>>
      tpu.wait_dma2 semaphore(%run_scoped3A : memref<!tpu.dma_semaphore, #tpu.memory_space<semaphore_mem>>) src(%arg8 : memref<128x128xf32, #tpu.memory_space<vmem>>) dst(%dma_wait3A_63 : memref<128x128xf32, #tpu.memory_space<vmem_shared>>)
      tpu.yield
    }) : () -> ()
    %add3A_11 = arith.constant 128 : i32
    %add3A_12 = arith.addi %mul3A_8, %add3A_11 : i32
    "tpu.region"() ({
      %run_scoped3A = tpu.sem_alloc : memref<!tpu.dma_semaphore, #tpu.memory_space<semaphore_mem>>
      %dma_start3A_57 = arith.constant 0 : i32
      %dma_start3A_58 = tpu.memref_slice %arg10[%add3A_12, %dma_start3A_57] : memref<10240x128xf32, #tpu.memory_space<vmem_shared>> -> memref<128x128xf32, #tpu.memory_space<vmem_shared>>
      %dma_start3A_59 = arith.constant 0 : i32
      %dma_start3A_60 = tpu.memref_slice %arg10[%add3A_12, %dma_start3A_59] : memref<10240x128xf32, #tpu.memory_space<vmem_shared>> -> memref<128x128xf32, #tpu.memory_space<vmem_shared>>
      tpu.enqueue_dma source(%arg8 : memref<128x128xf32, #tpu.memory_space<vmem>>) target(%dma_start3A_60 : memref<128x128xf32, #tpu.memory_space<vmem_shared>>) target_semaphore(%run_scoped3A : memref<!tpu.dma_semaphore, #tpu.memory_space<semaphore_mem>>)
      %dma_wait3A = arith.constant 0 : i32
      %dma_wait3A_61 = tpu.memref_slice %arg10[%add3A_12, %dma_wait3A] : memref<10240x128xf32, #tpu.memory_space<vmem_shared>> -> memref<128x128xf32, #tpu.memory_space<vmem_shared>>
      %dma_wait3A_62 = arith.constant 0 : i32
      %dma_wait3A_63 = tpu.memref_slice %arg10[%add3A_12, %dma_wait3A_62] : memref<10240x128xf32, #tpu.memory_space<vmem_shared>> -> memref<128x128xf32, #tpu.memory_space<vmem_shared>>
      tpu.wait_dma2 semaphore(%run_scoped3A : memref<!tpu.dma_semaphore, #tpu.memory_space<semaphore_mem>>) src(%arg8 : memref<128x128xf32, #tpu.memory_space<vmem>>) dst(%dma_wait3A_63 : memref<128x128xf32, #tpu.memory_space<vmem_shared>>)
      tpu.yield
    }) : () -> ()
    %add3A_13 = arith.constant 256 : i32
    %add3A_14 = arith.addi %mul3A_8, %add3A_13 : i32
    "tpu.region"() ({
      %run_scoped3A = tpu.sem_alloc : memref<!tpu.dma_semaphore, #tpu.memory_space<semaphore_mem>>
      %dma_start3A_57 = arith.constant 0 : i32
      %dma_start3A_58 = tpu.memref_slice %arg10[%add3A_14, %dma_start3A_57] : memref<10240x128xf32, #tpu.memory_space<vmem_shared>> -> memref<128x128xf32, #tpu.memory_space<vmem_shared>>
      %dma_start3A_59 = arith.constant 0 : i32
      %dma_start3A_60 = tpu.memref_slice %arg10[%add3A_14, %dma_start3A_59] : memref<10240x128xf32, #tpu.memory_space<vmem_shared>> -> memref<128x128xf32, #tpu.memory_space<vmem_shared>>
      tpu.enqueue_dma source(%arg8 : memref<128x128xf32, #tpu.memory_space<vmem>>) target(%dma_start3A_60 : memref<128x128xf32, #tpu.memory_space<vmem_shared>>) target_semaphore(%run_scoped3A : memref<!tpu.dma_semaphore, #tpu.memory_space<semaphore_mem>>)
      %dma_wait3A = arith.constant 0 : i32
      %dma_wait3A_61 = tpu.memref_slice %arg10[%add3A_14, %dma_wait3A] : memref<10240x128xf32, #tpu.memory_space<vmem_shared>> -> memref<128x128xf32, #tpu.memory_space<vmem_shared>>
      %dma_wait3A_62 = arith.constant 0 : i32
      %dma_wait3A_63 = tpu.memref_slice %arg10[%add3A_14, %dma_wait3A_62] : memref<10240x128xf32, #tpu.memory_space<vmem_shared>> -> memref<128x128xf32, #tpu.memory_space<vmem_shared>>
      tpu.wait_dma2 semaphore(%run_scoped3A : memref<!tpu.dma_semaphore, #tpu.memory_space<semaphore_mem>>) src(%arg8 : memref<128x128xf32, #tpu.memory_space<vmem>>) dst(%dma_wait3A_63 : memref<128x128xf32, #tpu.memory_space<vmem_shared>>)
      tpu.yield
    }) : () -> ()
    %add3A_15 = arith.constant 384 : i32
    %add3A_16 = arith.addi %mul3A_8, %add3A_15 : i32
    "tpu.region"() ({
      %run_scoped3A = tpu.sem_alloc : memref<!tpu.dma_semaphore, #tpu.memory_space<semaphore_mem>>
      %dma_start3A_57 = arith.constant 0 : i32
      %dma_start3A_58 = tpu.memref_slice %arg10[%add3A_16, %dma_start3A_57] : memref<10240x128xf32, #tpu.memory_space<vmem_shared>> -> memref<128x128xf32, #tpu.memory_space<vmem_shared>>
      %dma_start3A_59 = arith.constant 0 : i32
      %dma_start3A_60 = tpu.memref_slice %arg10[%add3A_16, %dma_start3A_59] : memref<10240x128xf32, #tpu.memory_space<vmem_shared>> -> memref<128x128xf32, #tpu.memory_space<vmem_shared>>
      tpu.enqueue_dma source(%arg8 : memref<128x128xf32, #tpu.memory_space<vmem>>) target(%dma_start3A_60 : memref<128x128xf32, #tpu.memory_space<vmem_shared>>) target_semaphore(%run_scoped3A : memref<!tpu.dma_semaphore, #tpu.memory_space<semaphore_mem>>)
      %dma_wait3A = arith.constant 0 : i32
      %dma_wait3A_61 = tpu.memref_slice %arg10[%add3A_16, %dma_wait3A] : memref<10240x128xf32, #tpu.memory_space<vmem_shared>> -> memref<128x128xf32, #tpu.memory_space<vmem_shared>>
      %dma_wait3A_62 = arith.constant 0 : i32
      %dma_wait3A_63 = tpu.memref_slice %arg10[%add3A_16, %dma_wait3A_62] : memref<10240x128xf32, #tpu.memory_space<vmem_shared>> -> memref<128x128xf32, #tpu.memory_space<vmem_shared>>
      tpu.wait_dma2 semaphore(%run_scoped3A : memref<!tpu.dma_semaphore, #tpu.memory_space<semaphore_mem>>) src(%arg8 : memref<128x128xf32, #tpu.memory_space<vmem>>) dst(%dma_wait3A_63 : memref<128x128xf32, #tpu.memory_space<vmem_shared>>)
      tpu.yield
    }) : () -> ()
    %add3A_17 = arith.constant 512 : i32
    %add3A_18 = arith.addi %mul3A_8, %add3A_17 : i32
    "tpu.region"() ({
      %run_scoped3A = tpu.sem_alloc : memref<!tpu.dma_semaphore, #tpu.memory_space<semaphore_mem>>
      %dma_start3A_57 = arith.constant 0 : i32
      %dma_start3A_58 = tpu.memref_slice %arg10[%add3A_18, %dma_start3A_57] : memref<10240x128xf32, #tpu.memory_space<vmem_shared>> -> memref<128x128xf32, #tpu.memory_space<vmem_shared>>
      %dma_start3A_59 = arith.constant 0 : i32
      %dma_start3A_60 = tpu.memref_slice %arg10[%add3A_18, %dma_start3A_59] : memref<10240x128xf32, #tpu.memory_space<vmem_shared>> -> memref<128x128xf32, #tpu.memory_space<vmem_shared>>
      tpu.enqueue_dma source(%arg8 : memref<128x128xf32, #tpu.memory_space<vmem>>) target(%dma_start3A_60 : memref<128x128xf32, #tpu.memory_space<vmem_shared>>) target_semaphore(%run_scoped3A : memref<!tpu.dma_semaphore, #tpu.memory_space<semaphore_mem>>)
      %dma_wait3A = arith.constant 0 : i32
      %dma_wait3A_61 = tpu.memref_slice %arg10[%add3A_18, %dma_wait3A] : memref<10240x128xf32, #tpu.memory_space<vmem_shared>> -> memref<128x128xf32, #tpu.memory_space<vmem_shared>>
      %dma_wait3A_62 = arith.constant 0 : i32
      %dma_wait3A_63 = tpu.memref_slice %arg10[%add3A_18, %dma_wait3A_62] : memref<10240x128xf32, #tpu.memory_space<vmem_shared>> -> memref<128x128xf32, #tpu.memory_space<vmem_shared>>
      tpu.wait_dma2 semaphore(%run_scoped3A : memref<!tpu.dma_semaphore, #tpu.memory_space<semaphore_mem>>) src(%arg8 : memref<128x128xf32, #tpu.memory_space<vmem>>) dst(%dma_wait3A_63 : memref<128x128xf32, #tpu.memory_space<vmem_shared>>)
      tpu.yield
    }) : () -> ()
    %barrier3A = arith.constant 0 : index
    tpu.barrier barrier_id(%barrier3A)
    %mul3A_19 = arith.constant 80 : i32
    %mul3A_20 = arith.muli %add3A, %mul3A_19 : i32
    %add3A_21 = arith.constant 0 : i32
    %add3A_22 = arith.addi %mul3A_20, %add3A_21 : i32
    "tpu.region"() ({
      %run_scoped3A = tpu.sem_alloc : memref<!tpu.dma_semaphore, #tpu.memory_space<semaphore_mem>>
      %dma_start3A_57 = arith.constant 0 : i32
      %dma_start3A_58 = tpu.memref_slice %arg3[%add3A_22, %dma_start3A_57] : memref<2560x128xi32, #tpu.memory_space<hbm>> -> memref<40x128xi32, #tpu.memory_space<hbm>>
      %dma_start3A_59 = arith.constant 0 : i32
      %dma_start3A_60 = tpu.memref_slice %arg3[%add3A_22, %dma_start3A_59] : memref<2560x128xi32, #tpu.memory_space<hbm>> -> memref<40x128xi32, #tpu.memory_space<hbm>>
      tpu.enqueue_dma source(%dma_start3A_60 : memref<40x128xi32, #tpu.memory_space<hbm>>) target(%arg6 : memref<40x128xi32, #tpu.memory_space<vmem>>) target_semaphore(%run_scoped3A : memref<!tpu.dma_semaphore, #tpu.memory_space<semaphore_mem>>)
      %dma_wait3A = arith.constant 0 : i32
      %dma_wait3A_61 = tpu.memref_slice %arg3[%add3A_22, %dma_wait3A] : memref<2560x128xi32, #tpu.memory_space<hbm>> -> memref<40x128xi32, #tpu.memory_space<hbm>>
      %dma_wait3A_62 = arith.constant 0 : i32
      %dma_wait3A_63 = tpu.memref_slice %arg3[%add3A_22, %dma_wait3A_62] : memref<2560x128xi32, #tpu.memory_space<hbm>> -> memref<40x128xi32, #tpu.memory_space<hbm>>
      tpu.wait_dma2 semaphore(%run_scoped3A : memref<!tpu.dma_semaphore, #tpu.memory_space<semaphore_mem>>) src(%dma_wait3A_63 : memref<40x128xi32, #tpu.memory_space<hbm>>) dst(%arg6 : memref<40x128xi32, #tpu.memory_space<vmem>>)
      tpu.yield
    }) : () -> ()
    "tpu.region"() ({
      %run_scoped3A = tpu.sem_alloc : memref<!tpu.dma_semaphore, #tpu.memory_space<semaphore_mem>>
      %dma_start3A_57 = arith.constant 0 : i32
      %dma_start3A_58 = tpu.memref_slice %arg4[%add3A_22, %dma_start3A_57] : memref<2560x128xi32, #tpu.memory_space<hbm>> -> memref<40x128xi32, #tpu.memory_space<hbm>>
      %dma_start3A_59 = arith.constant 0 : i32
      %dma_start3A_60 = tpu.memref_slice %arg4[%add3A_22, %dma_start3A_59] : memref<2560x128xi32, #tpu.memory_space<hbm>> -> memref<40x128xi32, #tpu.memory_space<hbm>>
      tpu.enqueue_dma source(%dma_start3A_60 : memref<40x128xi32, #tpu.memory_space<hbm>>) target(%arg7 : memref<40x128xi32, #tpu.memory_space<vmem>>) target_semaphore(%run_scoped3A : memref<!tpu.dma_semaphore, #tpu.memory_space<semaphore_mem>>)
      %dma_wait3A = arith.constant 0 : i32
      %dma_wait3A_61 = tpu.memref_slice %arg4[%add3A_22, %dma_wait3A] : memref<2560x128xi32, #tpu.memory_space<hbm>> -> memref<40x128xi32, #tpu.memory_space<hbm>>
      %dma_wait3A_62 = arith.constant 0 : i32
      %dma_wait3A_63 = tpu.memref_slice %arg4[%add3A_22, %dma_wait3A_62] : memref<2560x128xi32, #tpu.memory_space<hbm>> -> memref<40x128xi32, #tpu.memory_space<hbm>>
      tpu.wait_dma2 semaphore(%run_scoped3A : memref<!tpu.dma_semaphore, #tpu.memory_space<semaphore_mem>>) src(%dma_wait3A_63 : memref<40x128xi32, #tpu.memory_space<hbm>>) dst(%arg7 : memref<40x128xi32, #tpu.memory_space<vmem>>)
      tpu.yield
    }) : () -> ()
    %dma_start3A = arith.constant 0 : i32
    %dma_start3A_23 = arith.constant 0 : i32
    %dma_start3A_24 = tpu.memref_slice %arg6[%dma_start3A, %dma_start3A_23] : memref<40x128xi32, #tpu.memory_space<vmem>> -> memref<1x128xi32, #tpu.memory_space<vmem>>
    %dma_start3A_25 = tpu.memref_squeeze %dma_start3A_24 : memref<1x128xi32, #tpu.memory_space<vmem>> -> memref<128xi32, #tpu.memory_space<vmem>>
    %dma_start3A_26 = arith.constant 0 : i32
    %dma_start3A_27 = arith.constant 0 : i32
    %dma_start3A_28 = tpu.memref_slice %arg2[%dma_start3A_26, %dma_start3A_27] : memref<10112x128xf32, #tpu.memory_space<hbm>> -> memref<10112x128xf32, #tpu.memory_space<hbm>>
    tpu.enqueue_indirect_dma source(%dma_start3A_28 : memref<10112x128xf32, #tpu.memory_space<hbm>>) target(%arg8 : memref<128x128xf32, #tpu.memory_space<vmem>>) offsets(%dma_start3A_25 : memref<128xi32, #tpu.memory_space<vmem>>) semaphore(%arg11 : memref<!tpu.dma_semaphore, #tpu.memory_space<semaphore_mem>>)
    %scan3A_29 = arith.constant 0 : i32
    %scan3A_30 = arith.constant 0 : i32
    %scan3A_31 = arith.constant 20 : i32
    %scan3A_32 = arith.addi %scan3A_30, %scan3A_31 : i32
    %scan3A_33 = arith.constant 1 : i32
    %scan3A_34 = scf.for %scan3A_57 = %scan3A_30 to %scan3A_32 step %scan3A_33 iter_args(%scan3A_58 = %scan3A_29) -> (i32)  : i32 {
      %mul3A_59 = arith.constant 2 : i32
      %mul3A_60 = arith.muli %scan3A_57, %mul3A_59 : i32
      %add3A_61 = arith.constant 1 : i32
      %add3A_62 = arith.addi %mul3A_60, %add3A_61 : i32
      %dma_start3A_63 = arith.constant 0 : i32
      %dma_start3A_64 = tpu.memref_slice %arg6[%add3A_62, %dma_start3A_63] : memref<40x128xi32, #tpu.memory_space<vmem>> -> memref<1x128xi32, #tpu.memory_space<vmem>>
      %dma_start3A_65 = tpu.memref_squeeze %dma_start3A_64 : memref<1x128xi32, #tpu.memory_space<vmem>> -> memref<128xi32, #tpu.memory_space<vmem>>
      %dma_start3A_66 = arith.constant 0 : i32
      %dma_start3A_67 = arith.constant 0 : i32
      %dma_start3A_68 = tpu.memref_slice %arg2[%dma_start3A_66, %dma_start3A_67] : memref<10112x128xf32, #tpu.memory_space<hbm>> -> memref<10112x128xf32, #tpu.memory_space<hbm>>
      tpu.enqueue_indirect_dma source(%dma_start3A_68 : memref<10112x128xf32, #tpu.memory_space<hbm>>) target(%arg9 : memref<128x128xf32, #tpu.memory_space<vmem>>) offsets(%dma_start3A_65 : memref<128xi32, #tpu.memory_space<vmem>>) semaphore(%arg12 : memref<!tpu.dma_semaphore, #tpu.memory_space<semaphore_mem>>)
      %dma_wait3A = arith.constant 0 : i32
      %dma_wait3A_69 = tpu.memref_slice %arg6[%mul3A_60, %dma_wait3A] : memref<40x128xi32, #tpu.memory_space<vmem>> -> memref<1x128xi32, #tpu.memory_space<vmem>>
      %dma_wait3A_70 = tpu.memref_squeeze %dma_wait3A_69 : memref<1x128xi32, #tpu.memory_space<vmem>> -> memref<128xi32, #tpu.memory_space<vmem>>
      %dma_wait3A_71 = arith.constant 0 : i32
      %dma_wait3A_72 = arith.constant 0 : i32
      %dma_wait3A_73 = tpu.memref_slice %arg2[%dma_wait3A_71, %dma_wait3A_72] : memref<10112x128xf32, #tpu.memory_space<hbm>> -> memref<10112x128xf32, #tpu.memory_space<hbm>>
      tpu.wait_indirect_dma semaphore(%arg11 : memref<!tpu.dma_semaphore, #tpu.memory_space<semaphore_mem>>) src(%dma_wait3A_73 : memref<10112x128xf32, #tpu.memory_space<hbm>>) dst(%arg8 : memref<128x128xf32, #tpu.memory_space<vmem>>)
      "tpu.region"() ({
        %run_scoped3A = tpu.sem_alloc : memref<!tpu.dma_semaphore, #tpu.memory_space<semaphore_mem>>
        %dma_start3A_89 = arith.constant 0 : i32
        %dma_start3A_90 = tpu.memref_slice %arg7[%mul3A_60, %dma_start3A_89] : memref<40x128xi32, #tpu.memory_space<vmem>> -> memref<1x128xi32, #tpu.memory_space<vmem>>
        %dma_start3A_91 = tpu.memref_squeeze %dma_start3A_90 : memref<1x128xi32, #tpu.memory_space<vmem>> -> memref<128xi32, #tpu.memory_space<vmem>>
        %dma_start3A_92 = arith.constant 0 : i32
        %dma_start3A_93 = arith.constant 0 : i32
        %dma_start3A_94 = tpu.memref_slice %arg10[%dma_start3A_92, %dma_start3A_93] : memref<10240x128xf32, #tpu.memory_space<vmem_shared>> -> memref<10240x128xf32, #tpu.memory_space<vmem_shared>>
        tpu.enqueue_indirect_dma source(%arg8 : memref<128x128xf32, #tpu.memory_space<vmem>>) target(%dma_start3A_94 : memref<10240x128xf32, #tpu.memory_space<vmem_shared>>) offsets(%dma_start3A_91 : memref<128xi32, #tpu.memory_space<vmem>>) semaphore(%run_scoped3A : memref<!tpu.dma_semaphore, #tpu.memory_space<semaphore_mem>>) {add = true}
        %dma_wait3A_95 = arith.constant 0 : i32
        %dma_wait3A_96 = tpu.memref_slice %arg7[%mul3A_60, %dma_wait3A_95] : memref<40x128xi32, #tpu.memory_space<vmem>> -> memref<1x128xi32, #tpu.memory_space<vmem>>
        %dma_wait3A_97 = tpu.memref_squeeze %dma_wait3A_96 : memref<1x128xi32, #tpu.memory_space<vmem>> -> memref<128xi32, #tpu.memory_space<vmem>>
        %dma_wait3A_98 = arith.constant 0 : i32
        %dma_wait3A_99 = arith.constant 0 : i32
        %dma_wait3A_100 = tpu.memref_slice %arg10[%dma_wait3A_98, %dma_wait3A_99] : memref<10240x128xf32, #tpu.memory_space<vmem_shared>> -> memref<10240x128xf32, #tpu.memory_space<vmem_shared>>
        tpu.wait_indirect_dma semaphore(%run_scoped3A : memref<!tpu.dma_semaphore, #tpu.memory_space<semaphore_mem>>) src(%arg8 : memref<128x128xf32, #tpu.memory_space<vmem>>) dst(%dma_wait3A_100 : memref<10240x128xf32, #tpu.memory_space<vmem_shared>>)
        tpu.yield
      }) : () -> ()
      %add3A_74 = arith.constant 2 : i32
      %add3A_75 = arith.addi %mul3A_60, %add3A_74 : i32
      %lt3A = arith.constant 40 : i32
      %lt3A_76 = arith.cmpi slt, %add3A_75, %lt3A : i32
      %convert_element_type3A = arith.extui %lt3A_76 : i1 to i32
      %cond3A = arith.constant 0 : i32
      %cond3A_77 = arith.cmpi ne, %convert_element_type3A, %cond3A : i32
      scf.if %cond3A_77 {
        %add3A_89 = arith.constant 2 : i32
        %add3A_90 = arith.addi %mul3A_60, %add3A_89 : i32
        %dma_start3A_91 = arith.constant 0 : i32
        %dma_start3A_92 = tpu.memref_slice %arg6[%add3A_90, %dma_start3A_91] : memref<40x128xi32, #tpu.memory_space<vmem>> -> memref<1x128xi32, #tpu.memory_space<vmem>>
        %dma_start3A_93 = tpu.memref_squeeze %dma_start3A_92 : memref<1x128xi32, #tpu.memory_space<vmem>> -> memref<128xi32, #tpu.memory_space<vmem>>
        %dma_start3A_94 = arith.constant 0 : i32
        %dma_start3A_95 = arith.constant 0 : i32
        %dma_start3A_96 = tpu.memref_slice %arg2[%dma_start3A_94, %dma_start3A_95] : memref<10112x128xf32, #tpu.memory_space<hbm>> -> memref<10112x128xf32, #tpu.memory_space<hbm>>
        tpu.enqueue_indirect_dma source(%dma_start3A_96 : memref<10112x128xf32, #tpu.memory_space<hbm>>) target(%arg8 : memref<128x128xf32, #tpu.memory_space<vmem>>) offsets(%dma_start3A_93 : memref<128xi32, #tpu.memory_space<vmem>>) semaphore(%arg11 : memref<!tpu.dma_semaphore, #tpu.memory_space<semaphore_mem>>)
      } else {
      }
      %add3A_78 = arith.constant 1 : i32
      %add3A_79 = arith.addi %mul3A_60, %add3A_78 : i32
      %dma_wait3A_80 = arith.constant 0 : i32
      %dma_wait3A_81 = tpu.memref_slice %arg6[%add3A_79, %dma_wait3A_80] : memref<40x128xi32, #tpu.memory_space<vmem>> -> memref<1x128xi32, #tpu.memory_space<vmem>>
      %dma_wait3A_82 = tpu.memref_squeeze %dma_wait3A_81 : memref<1x128xi32, #tpu.memory_space<vmem>> -> memref<128xi32, #tpu.memory_space<vmem>>
      %dma_wait3A_83 = arith.constant 0 : i32
      %dma_wait3A_84 = arith.constant 0 : i32
      %dma_wait3A_85 = tpu.memref_slice %arg2[%dma_wait3A_83, %dma_wait3A_84] : memref<10112x128xf32, #tpu.memory_space<hbm>> -> memref<10112x128xf32, #tpu.memory_space<hbm>>
      tpu.wait_indirect_dma semaphore(%arg12 : memref<!tpu.dma_semaphore, #tpu.memory_space<semaphore_mem>>) src(%dma_wait3A_85 : memref<10112x128xf32, #tpu.memory_space<hbm>>) dst(%arg9 : memref<128x128xf32, #tpu.memory_space<vmem>>)
      %add3A_86 = arith.constant 1 : i32
      %add3A_87 = arith.addi %mul3A_60, %add3A_86 : i32
      "tpu.region"() ({
        %run_scoped3A = tpu.sem_alloc : memref<!tpu.dma_semaphore, #tpu.memory_space<semaphore_mem>>
        %dma_start3A_89 = arith.constant 0 : i32
        %dma_start3A_90 = tpu.memref_slice %arg7[%add3A_87, %dma_start3A_89] : memref<40x128xi32, #tpu.memory_space<vmem>> -> memref<1x128xi32, #tpu.memory_space<vmem>>
        %dma_start3A_91 = tpu.memref_squeeze %dma_start3A_90 : memref<1x128xi32, #tpu.memory_space<vmem>> -> memref<128xi32, #tpu.memory_space<vmem>>
        %dma_start3A_92 = arith.constant 0 : i32
        %dma_start3A_93 = arith.constant 0 : i32
        %dma_start3A_94 = tpu.memref_slice %arg10[%dma_start3A_92, %dma_start3A_93] : memref<10240x128xf32, #tpu.memory_space<vmem_shared>> -> memref<10240x128xf32, #tpu.memory_space<vmem_shared>>
        tpu.enqueue_indirect_dma source(%arg9 : memref<128x128xf32, #tpu.memory_space<vmem>>) target(%dma_start3A_94 : memref<10240x128xf32, #tpu.memory_space<vmem_shared>>) offsets(%dma_start3A_91 : memref<128xi32, #tpu.memory_space<vmem>>) semaphore(%run_scoped3A : memref<!tpu.dma_semaphore, #tpu.memory_space<semaphore_mem>>) {add = true}
        %dma_wait3A_95 = arith.constant 0 : i32
        %dma_wait3A_96 = tpu.memref_slice %arg7[%add3A_87, %dma_wait3A_95] : memref<40x128xi32, #tpu.memory_space<vmem>> -> memref<1x128xi32, #tpu.memory_space<vmem>>
        %dma_wait3A_97 = tpu.memref_squeeze %dma_wait3A_96 : memref<1x128xi32, #tpu.memory_space<vmem>> -> memref<128xi32, #tpu.memory_space<vmem>>
        %dma_wait3A_98 = arith.constant 0 : i32
        %dma_wait3A_99 = arith.constant 0 : i32
        %dma_wait3A_100 = tpu.memref_slice %arg10[%dma_wait3A_98, %dma_wait3A_99] : memref<10240x128xf32, #tpu.memory_space<vmem_shared>> -> memref<10240x128xf32, #tpu.memory_space<vmem_shared>>
        tpu.wait_indirect_dma semaphore(%run_scoped3A : memref<!tpu.dma_semaphore, #tpu.memory_space<semaphore_mem>>) src(%arg9 : memref<128x128xf32, #tpu.memory_space<vmem>>) dst(%dma_wait3A_100 : memref<10240x128xf32, #tpu.memory_space<vmem_shared>>)
        tpu.yield
      }) : () -> ()
      %scan3A_88 = arith.constant 0 : i32
      scf.yield %scan3A_88 : i32
    }
    %scan3A_35 = arith.constant 20 : i32
    %mul3A_36 = arith.constant 80 : i32
    %mul3A_37 = arith.muli %add3A, %mul3A_36 : i32
    %add3A_38 = arith.constant 40 : i32
    %add3A_39 = arith.addi %mul3A_37, %add3A_38 : i32
    "tpu.region"() ({
      %run_scoped3A = tpu.sem_alloc : memref<!tpu.dma_semaphore, #tpu.memory_space<semaphore_mem>>
      %dma_start3A_57 = arith.constant 0 : i32
      %dma_start3A_58 = tpu.memref_slice %arg3[%add3A_39, %dma_start3A_57] : memref<2560x128xi32, #tpu.memory_space<hbm>> -> memref<40x128xi32, #tpu.memory_space<hbm>>
      %dma_start3A_59 = arith.constant 0 : i32
      %dma_start3A_60 = tpu.memref_slice %arg3[%add3A_39, %dma_start3A_59] : memref<2560x128xi32, #tpu.memory_space<hbm>> -> memref<40x128xi32, #tpu.memory_space<hbm>>
      tpu.enqueue_dma source(%dma_start3A_60 : memref<40x128xi32, #tpu.memory_space<hbm>>) target(%arg6 : memref<40x128xi32, #tpu.memory_space<vmem>>) target_semaphore(%run_scoped3A : memref<!tpu.dma_semaphore, #tpu.memory_space<semaphore_mem>>)
      %dma_wait3A = arith.constant 0 : i32
      %dma_wait3A_61 = tpu.memref_slice %arg3[%add3A_39, %dma_wait3A] : memref<2560x128xi32, #tpu.memory_space<hbm>> -> memref<40x128xi32, #tpu.memory_space<hbm>>
      %dma_wait3A_62 = arith.constant 0 : i32
      %dma_wait3A_63 = tpu.memref_slice %arg3[%add3A_39, %dma_wait3A_62] : memref<2560x128xi32, #tpu.memory_space<hbm>> -> memref<40x128xi32, #tpu.memory_space<hbm>>
      tpu.wait_dma2 semaphore(%run_scoped3A : memref<!tpu.dma_semaphore, #tpu.memory_space<semaphore_mem>>) src(%dma_wait3A_63 : memref<40x128xi32, #tpu.memory_space<hbm>>) dst(%arg6 : memref<40x128xi32, #tpu.memory_space<vmem>>)
      tpu.yield
    }) : () -> ()
    "tpu.region"() ({
      %run_scoped3A = tpu.sem_alloc : memref<!tpu.dma_semaphore, #tpu.memory_space<semaphore_mem>>
      %dma_start3A_57 = arith.constant 0 : i32
      %dma_start3A_58 = tpu.memref_slice %arg4[%add3A_39, %dma_start3A_57] : memref<2560x128xi32, #tpu.memory_space<hbm>> -> memref<40x128xi32, #tpu.memory_space<hbm>>
      %dma_start3A_59 = arith.constant 0 : i32
      %dma_start3A_60 = tpu.memref_slice %arg4[%add3A_39, %dma_start3A_59] : memref<2560x128xi32, #tpu.memory_space<hbm>> -> memref<40x128xi32, #tpu.memory_space<hbm>>
      tpu.enqueue_dma source(%dma_start3A_60 : memref<40x128xi32, #tpu.memory_space<hbm>>) target(%arg7 : memref<40x128xi32, #tpu.memory_space<vmem>>) target_semaphore(%run_scoped3A : memref<!tpu.dma_semaphore, #tpu.memory_space<semaphore_mem>>)
      %dma_wait3A = arith.constant 0 : i32
      %dma_wait3A_61 = tpu.memref_slice %arg4[%add3A_39, %dma_wait3A] : memref<2560x128xi32, #tpu.memory_space<hbm>> -> memref<40x128xi32, #tpu.memory_space<hbm>>
      %dma_wait3A_62 = arith.constant 0 : i32
      %dma_wait3A_63 = tpu.memref_slice %arg4[%add3A_39, %dma_wait3A_62] : memref<2560x128xi32, #tpu.memory_space<hbm>> -> memref<40x128xi32, #tpu.memory_space<hbm>>
      tpu.wait_dma2 semaphore(%run_scoped3A : memref<!tpu.dma_semaphore, #tpu.memory_space<semaphore_mem>>) src(%dma_wait3A_63 : memref<40x128xi32, #tpu.memory_space<hbm>>) dst(%arg7 : memref<40x128xi32, #tpu.memory_space<vmem>>)
      tpu.yield
    }) : () -> ()
    %dma_start3A_40 = arith.constant 0 : i32
    %dma_start3A_41 = arith.constant 0 : i32
    %dma_start3A_42 = tpu.memref_slice %arg6[%dma_start3A_40, %dma_start3A_41] : memref<40x128xi32, #tpu.memory_space<vmem>> -> memref<1x128xi32, #tpu.memory_space<vmem>>
    %dma_start3A_43 = tpu.memref_squeeze %dma_start3A_42 : memref<1x128xi32, #tpu.memory_space<vmem>> -> memref<128xi32, #tpu.memory_space<vmem>>
    %dma_start3A_44 = arith.constant 0 : i32
    %dma_start3A_45 = arith.constant 0 : i32
    %dma_start3A_46 = tpu.memref_slice %arg2[%dma_start3A_44, %dma_start3A_45] : memref<10112x128xf32, #tpu.memory_space<hbm>> -> memref<10112x128xf32, #tpu.memory_space<hbm>>
    tpu.enqueue_indirect_dma source(%dma_start3A_46 : memref<10112x128xf32, #tpu.memory_space<hbm>>) target(%arg8 : memref<128x128xf32, #tpu.memory_space<vmem>>) offsets(%dma_start3A_43 : memref<128xi32, #tpu.memory_space<vmem>>) semaphore(%arg11 : memref<!tpu.dma_semaphore, #tpu.memory_space<semaphore_mem>>)
    %scan3A_47 = arith.constant 0 : i32
    %scan3A_48 = arith.constant 0 : i32
    %scan3A_49 = arith.constant 20 : i32
    %scan3A_50 = arith.addi %scan3A_48, %scan3A_49 : i32
    %scan3A_51 = arith.constant 1 : i32
    %scan3A_52 = scf.for %scan3A_57 = %scan3A_48 to %scan3A_50 step %scan3A_51 iter_args(%scan3A_58 = %scan3A_47) -> (i32)  : i32 {
      %mul3A_59 = arith.constant 2 : i32
      %mul3A_60 = arith.muli %scan3A_57, %mul3A_59 : i32
      %add3A_61 = arith.constant 1 : i32
      %add3A_62 = arith.addi %mul3A_60, %add3A_61 : i32
      %dma_start3A_63 = arith.constant 0 : i32
      %dma_start3A_64 = tpu.memref_slice %arg6[%add3A_62, %dma_start3A_63] : memref<40x128xi32, #tpu.memory_space<vmem>> -> memref<1x128xi32, #tpu.memory_space<vmem>>
      %dma_start3A_65 = tpu.memref_squeeze %dma_start3A_64 : memref<1x128xi32, #tpu.memory_space<vmem>> -> memref<128xi32, #tpu.memory_space<vmem>>
      %dma_start3A_66 = arith.constant 0 : i32
      %dma_start3A_67 = arith.constant 0 : i32
      %dma_start3A_68 = tpu.memref_slice %arg2[%dma_start3A_66, %dma_start3A_67] : memref<10112x128xf32, #tpu.memory_space<hbm>> -> memref<10112x128xf32, #tpu.memory_space<hbm>>
      tpu.enqueue_indirect_dma source(%dma_start3A_68 : memref<10112x128xf32, #tpu.memory_space<hbm>>) target(%arg9 : memref<128x128xf32, #tpu.memory_space<vmem>>) offsets(%dma_start3A_65 : memref<128xi32, #tpu.memory_space<vmem>>) semaphore(%arg12 : memref<!tpu.dma_semaphore, #tpu.memory_space<semaphore_mem>>)
      %dma_wait3A = arith.constant 0 : i32
      %dma_wait3A_69 = tpu.memref_slice %arg6[%mul3A_60, %dma_wait3A] : memref<40x128xi32, #tpu.memory_space<vmem>> -> memref<1x128xi32, #tpu.memory_space<vmem>>
      %dma_wait3A_70 = tpu.memref_squeeze %dma_wait3A_69 : memref<1x128xi32, #tpu.memory_space<vmem>> -> memref<128xi32, #tpu.memory_space<vmem>>
      %dma_wait3A_71 = arith.constant 0 : i32
      %dma_wait3A_72 = arith.constant 0 : i32
      %dma_wait3A_73 = tpu.memref_slice %arg2[%dma_wait3A_71, %dma_wait3A_72] : memref<10112x128xf32, #tpu.memory_space<hbm>> -> memref<10112x128xf32, #tpu.memory_space<hbm>>
      tpu.wait_indirect_dma semaphore(%arg11 : memref<!tpu.dma_semaphore, #tpu.memory_space<semaphore_mem>>) src(%dma_wait3A_73 : memref<10112x128xf32, #tpu.memory_space<hbm>>) dst(%arg8 : memref<128x128xf32, #tpu.memory_space<vmem>>)
      "tpu.region"() ({
        %run_scoped3A = tpu.sem_alloc : memref<!tpu.dma_semaphore, #tpu.memory_space<semaphore_mem>>
        %dma_start3A_89 = arith.constant 0 : i32
        %dma_start3A_90 = tpu.memref_slice %arg7[%mul3A_60, %dma_start3A_89] : memref<40x128xi32, #tpu.memory_space<vmem>> -> memref<1x128xi32, #tpu.memory_space<vmem>>
        %dma_start3A_91 = tpu.memref_squeeze %dma_start3A_90 : memref<1x128xi32, #tpu.memory_space<vmem>> -> memref<128xi32, #tpu.memory_space<vmem>>
        %dma_start3A_92 = arith.constant 0 : i32
        %dma_start3A_93 = arith.constant 0 : i32
        %dma_start3A_94 = tpu.memref_slice %arg10[%dma_start3A_92, %dma_start3A_93] : memref<10240x128xf32, #tpu.memory_space<vmem_shared>> -> memref<10240x128xf32, #tpu.memory_space<vmem_shared>>
        tpu.enqueue_indirect_dma source(%arg8 : memref<128x128xf32, #tpu.memory_space<vmem>>) target(%dma_start3A_94 : memref<10240x128xf32, #tpu.memory_space<vmem_shared>>) offsets(%dma_start3A_91 : memref<128xi32, #tpu.memory_space<vmem>>) semaphore(%run_scoped3A : memref<!tpu.dma_semaphore, #tpu.memory_space<semaphore_mem>>) {add = true}
        %dma_wait3A_95 = arith.constant 0 : i32
        %dma_wait3A_96 = tpu.memref_slice %arg7[%mul3A_60, %dma_wait3A_95] : memref<40x128xi32, #tpu.memory_space<vmem>> -> memref<1x128xi32, #tpu.memory_space<vmem>>
        %dma_wait3A_97 = tpu.memref_squeeze %dma_wait3A_96 : memref<1x128xi32, #tpu.memory_space<vmem>> -> memref<128xi32, #tpu.memory_space<vmem>>
        %dma_wait3A_98 = arith.constant 0 : i32
        %dma_wait3A_99 = arith.constant 0 : i32
        %dma_wait3A_100 = tpu.memref_slice %arg10[%dma_wait3A_98, %dma_wait3A_99] : memref<10240x128xf32, #tpu.memory_space<vmem_shared>> -> memref<10240x128xf32, #tpu.memory_space<vmem_shared>>
        tpu.wait_indirect_dma semaphore(%run_scoped3A : memref<!tpu.dma_semaphore, #tpu.memory_space<semaphore_mem>>) src(%arg8 : memref<128x128xf32, #tpu.memory_space<vmem>>) dst(%dma_wait3A_100 : memref<10240x128xf32, #tpu.memory_space<vmem_shared>>)
        tpu.yield
      }) : () -> ()
      %add3A_74 = arith.constant 2 : i32
      %add3A_75 = arith.addi %mul3A_60, %add3A_74 : i32
      %lt3A = arith.constant 40 : i32
      %lt3A_76 = arith.cmpi slt, %add3A_75, %lt3A : i32
      %convert_element_type3A = arith.extui %lt3A_76 : i1 to i32
      %cond3A = arith.constant 0 : i32
      %cond3A_77 = arith.cmpi ne, %convert_element_type3A, %cond3A : i32
      scf.if %cond3A_77 {
        %add3A_89 = arith.constant 2 : i32
        %add3A_90 = arith.addi %mul3A_60, %add3A_89 : i32
        %dma_start3A_91 = arith.constant 0 : i32
        %dma_start3A_92 = tpu.memref_slice %arg6[%add3A_90, %dma_start3A_91] : memref<40x128xi32, #tpu.memory_space<vmem>> -> memref<1x128xi32, #tpu.memory_space<vmem>>
        %dma_start3A_93 = tpu.memref_squeeze %dma_start3A_92 : memref<1x128xi32, #tpu.memory_space<vmem>> -> memref<128xi32, #tpu.memory_space<vmem>>
        %dma_start3A_94 = arith.constant 0 : i32
        %dma_start3A_95 = arith.constant 0 : i32
        %dma_start3A_96 = tpu.memref_slice %arg2[%dma_start3A_94, %dma_start3A_95] : memref<10112x128xf32, #tpu.memory_space<hbm>> -> memref<10112x128xf32, #tpu.memory_space<hbm>>
        tpu.enqueue_indirect_dma source(%dma_start3A_96 : memref<10112x128xf32, #tpu.memory_space<hbm>>) target(%arg8 : memref<128x128xf32, #tpu.memory_space<vmem>>) offsets(%dma_start3A_93 : memref<128xi32, #tpu.memory_space<vmem>>) semaphore(%arg11 : memref<!tpu.dma_semaphore, #tpu.memory_space<semaphore_mem>>)
      } else {
      }
      %add3A_78 = arith.constant 1 : i32
      %add3A_79 = arith.addi %mul3A_60, %add3A_78 : i32
      %dma_wait3A_80 = arith.constant 0 : i32
      %dma_wait3A_81 = tpu.memref_slice %arg6[%add3A_79, %dma_wait3A_80] : memref<40x128xi32, #tpu.memory_space<vmem>> -> memref<1x128xi32, #tpu.memory_space<vmem>>
      %dma_wait3A_82 = tpu.memref_squeeze %dma_wait3A_81 : memref<1x128xi32, #tpu.memory_space<vmem>> -> memref<128xi32, #tpu.memory_space<vmem>>
      %dma_wait3A_83 = arith.constant 0 : i32
      %dma_wait3A_84 = arith.constant 0 : i32
      %dma_wait3A_85 = tpu.memref_slice %arg2[%dma_wait3A_83, %dma_wait3A_84] : memref<10112x128xf32, #tpu.memory_space<hbm>> -> memref<10112x128xf32, #tpu.memory_space<hbm>>
      tpu.wait_indirect_dma semaphore(%arg12 : memref<!tpu.dma_semaphore, #tpu.memory_space<semaphore_mem>>) src(%dma_wait3A_85 : memref<10112x128xf32, #tpu.memory_space<hbm>>) dst(%arg9 : memref<128x128xf32, #tpu.memory_space<vmem>>)
      %add3A_86 = arith.constant 1 : i32
      %add3A_87 = arith.addi %mul3A_60, %add3A_86 : i32
      "tpu.region"() ({
        %run_scoped3A = tpu.sem_alloc : memref<!tpu.dma_semaphore, #tpu.memory_space<semaphore_mem>>
        %dma_start3A_89 = arith.constant 0 : i32
        %dma_start3A_90 = tpu.memref_slice %arg7[%add3A_87, %dma_start3A_89] : memref<40x128xi32, #tpu.memory_space<vmem>> -> memref<1x128xi32, #tpu.memory_space<vmem>>
        %dma_start3A_91 = tpu.memref_squeeze %dma_start3A_90 : memref<1x128xi32, #tpu.memory_space<vmem>> -> memref<128xi32, #tpu.memory_space<vmem>>
        %dma_start3A_92 = arith.constant 0 : i32
        %dma_start3A_93 = arith.constant 0 : i32
        %dma_start3A_94 = tpu.memref_slice %arg10[%dma_start3A_92, %dma_start3A_93] : memref<10240x128xf32, #tpu.memory_space<vmem_shared>> -> memref<10240x128xf32, #tpu.memory_space<vmem_shared>>
        tpu.enqueue_indirect_dma source(%arg9 : memref<128x128xf32, #tpu.memory_space<vmem>>) target(%dma_start3A_94 : memref<10240x128xf32, #tpu.memory_space<vmem_shared>>) offsets(%dma_start3A_91 : memref<128xi32, #tpu.memory_space<vmem>>) semaphore(%run_scoped3A : memref<!tpu.dma_semaphore, #tpu.memory_space<semaphore_mem>>) {add = true}
        %dma_wait3A_95 = arith.constant 0 : i32
        %dma_wait3A_96 = tpu.memref_slice %arg7[%add3A_87, %dma_wait3A_95] : memref<40x128xi32, #tpu.memory_space<vmem>> -> memref<1x128xi32, #tpu.memory_space<vmem>>
        %dma_wait3A_97 = tpu.memref_squeeze %dma_wait3A_96 : memref<1x128xi32, #tpu.memory_space<vmem>> -> memref<128xi32, #tpu.memory_space<vmem>>
        %dma_wait3A_98 = arith.constant 0 : i32
        %dma_wait3A_99 = arith.constant 0 : i32
        %dma_wait3A_100 = tpu.memref_slice %arg10[%dma_wait3A_98, %dma_wait3A_99] : memref<10240x128xf32, #tpu.memory_space<vmem_shared>> -> memref<10240x128xf32, #tpu.memory_space<vmem_shared>>
        tpu.wait_indirect_dma semaphore(%run_scoped3A : memref<!tpu.dma_semaphore, #tpu.memory_space<semaphore_mem>>) src(%arg9 : memref<128x128xf32, #tpu.memory_space<vmem>>) dst(%dma_wait3A_100 : memref<10240x128xf32, #tpu.memory_space<vmem_shared>>)
        tpu.yield
      }) : () -> ()
      %scan3A_88 = arith.constant 0 : i32
      scf.yield %scan3A_88 : i32
    }
    %scan3A_53 = arith.constant 20 : i32
    %barrier3A_54 = arith.constant 0 : index
    tpu.barrier barrier_id(%barrier3A_54)
    %mul3A_55 = arith.constant 640 : i32
    %mul3A_56 = arith.muli %arg1, %mul3A_55 : i32
    "tpu.region"() ({
      %run_scoped3A = tpu.sem_alloc : memref<!tpu.dma_semaphore, #tpu.memory_space<semaphore_mem>>
      %dma_start3A_57 = arith.constant 0 : i32
      %dma_start3A_58 = tpu.memref_slice %arg5[%arg0, %mul3A_56, %dma_start3A_57] : memref<2x10240x128xf32, #tpu.memory_space<hbm>> -> memref<1x640x128xf32, #tpu.memory_space<hbm>>
      %dma_start3A_59 = tpu.memref_squeeze %dma_start3A_58 : memref<1x640x128xf32, #tpu.memory_space<hbm>> -> memref<640x128xf32, #tpu.memory_space<hbm>>
      %dma_start3A_60 = arith.constant 0 : i32
      %dma_start3A_61 = tpu.memref_slice %arg10[%mul3A_56, %dma_start3A_60] : memref<10240x128xf32, #tpu.memory_space<vmem_shared>> -> memref<640x128xf32, #tpu.memory_space<vmem_shared>>
      tpu.enqueue_dma source(%dma_start3A_61 : memref<640x128xf32, #tpu.memory_space<vmem_shared>>) target(%dma_start3A_59 : memref<640x128xf32, #tpu.memory_space<hbm>>) target_semaphore(%run_scoped3A : memref<!tpu.dma_semaphore, #tpu.memory_space<semaphore_mem>>)
      %dma_wait3A = arith.constant 0 : i32
      %dma_wait3A_62 = tpu.memref_slice %arg5[%arg0, %mul3A_56, %dma_wait3A] : memref<2x10240x128xf32, #tpu.memory_space<hbm>> -> memref<1x640x128xf32, #tpu.memory_space<hbm>>
      %dma_wait3A_63 = tpu.memref_squeeze %dma_wait3A_62 : memref<1x640x128xf32, #tpu.memory_space<hbm>> -> memref<640x128xf32, #tpu.memory_space<hbm>>
      %dma_wait3A_64 = arith.constant 0 : i32
      %dma_wait3A_65 = tpu.memref_slice %arg10[%mul3A_56, %dma_wait3A_64] : memref<10240x128xf32, #tpu.memory_space<vmem_shared>> -> memref<640x128xf32, #tpu.memory_space<vmem_shared>>
      tpu.wait_dma2 semaphore(%run_scoped3A : memref<!tpu.dma_semaphore, #tpu.memory_space<semaphore_mem>>) src(%dma_wait3A_65 : memref<640x128xf32, #tpu.memory_space<vmem_shared>>) dst(%dma_wait3A_63 : memref<640x128xf32, #tpu.memory_space<hbm>>)
      tpu.yield
    }) : () -> ()
    return
  }
}

#map = affine_map<(d0, d1) -> (0, 0)>
#map1 = affine_map<(d0, d1) -> (0, 0, 0)>
module attributes {stable_mosaic.version = 14 : i64} {
  func.func @_seg_sum_body(%arg0: i32, %arg1: i32, %arg2: memref<10000x128xf32, #tpu.memory_space<hbm>>, %arg3: memref<2560x128xi32, #tpu.memory_space<hbm>>, %arg4: memref<2560x128xi32, #tpu.memory_space<hbm>>, %arg5: memref<2x10240x128xf32, #tpu.memory_space<hbm>>, %arg6: memref<40x128xi32, #tpu.memory_space<vmem>>, %arg7: memref<40x128xi32, #tpu.memory_space<vmem>>, %arg8: memref<128x128xf32, #tpu.memory_space<vmem>>, %arg9: memref<128x128xf32, #tpu.memory_space<vmem>>, %arg10: memref<10240x128xf32, #tpu.memory_space<vmem_shared>>, %arg11: memref<!tpu.dma_semaphore, #tpu.memory_space<semaphore_mem>>, %arg12: memref<!tpu.dma_semaphore, #tpu.memory_space<semaphore_mem>>) attributes {dimension_semantics = [#tpu.dimension_semantics<core_parallel>, #tpu.dimension_semantics<subcore_parallel>], iteration_bounds = array<i64: 2, 16>, scalar_prefetch = 0 : i64, scratch_operands = 7 : i64, tpu.core_type = #tpu.core_type<sc_vector_subcore>, window_params = [{transform_indices = #map}, {transform_indices = #map}, {transform_indices = #map}, {transform_indices = #map1}]} {
    %mul3A = arith.constant 2 : i32
    %mul3A_0 = arith.muli %arg1, %mul3A : i32
    %add3A = arith.addi %mul3A_0, %arg0 : i32
    %scan3A = arith.constant 0 : i32
    %scan3A_1 = arith.constant 0 : i32
    %scan3A_2 = arith.constant 1024 : i32
    %scan3A_3 = arith.addi %scan3A_1, %scan3A_2 : i32
    %scan3A_4 = arith.constant 1 : i32
    %scan3A_5 = scf.for %scan3A_57 = %scan3A_1 to %scan3A_3 step %scan3A_4 iter_args(%scan3A_58 = %scan3A) -> (i32)  : i32 {
      %broadcast_in_dim3A = arith.constant 0.000000e+00 : f32
      %broadcast_in_dim3A_59 = vector.broadcast %broadcast_in_dim3A : f32 to vector<16xf32>
      %jit3A = arith.constant 8 : i32
      %div3A = arith.divsi %scan3A_57, %jit3A : i32
      %sign3A = arith.constant 0 : i32
      %sign3A_60 = arith.cmpi sgt, %scan3A_57, %sign3A : i32
      %sign3A_61 = arith.extui %sign3A_60 : i1 to i32
      %sign3A_62 = arith.constant 0 : i32
      %sign3A_63 = arith.cmpi slt, %scan3A_57, %sign3A_62 : i32
      %sign3A_64 = arith.extui %sign3A_63 : i1 to i32
      %sign3A_65 = arith.subi %sign3A_61, %sign3A_64 : i32
      %sign3A_66 = arith.constant 0 : i32
      %sign3A_67 = arith.cmpi sgt, %jit3A, %sign3A_66 : i32
      %sign3A_68 = arith.extui %sign3A_67 : i1 to i32
      %sign3A_69 = arith.constant 0 : i32
      %sign3A_70 = arith.cmpi slt, %jit3A, %sign3A_69 : i32
      %sign3A_71 = arith.extui %sign3A_70 : i1 to i32
      %sign3A_72 = arith.subi %sign3A_68, %sign3A_71 : i32
      %ne3A = arith.cmpi ne, %sign3A_65, %sign3A_72 : i32
      %rem3A = arith.remsi %scan3A_57, %jit3A : i32
      %ne3A_73 = arith.constant 0 : i32
      %ne3A_74 = arith.cmpi ne, %rem3A, %ne3A_73 : i32
      %and3A = arith.andi %ne3A, %ne3A_74 : i1
      %sub3A = arith.constant 1 : i32
      %sub3A_75 = arith.subi %div3A, %sub3A : i32
      %select_n3A = arith.select %and3A, %sub3A_75, %div3A : i32
      %jit3A_76 = arith.constant 8 : i32
      %eq3A = arith.constant 0 : i32
      %eq3A_77 = arith.cmpi eq, %jit3A_76, %eq3A : i32
      %jit3A_78 = arith.constant 1 : i32
      %select_n3A_79 = arith.select %eq3A_77, %jit3A_78, %jit3A_76 : i32
      %rem3A_80 = arith.remsi %scan3A_57, %select_n3A_79 : i32
      %ne3A_81 = arith.constant 0 : i32
      %ne3A_82 = arith.cmpi ne, %rem3A_80, %ne3A_81 : i32
      %lt3A = arith.constant 0 : i32
      %lt3A_83 = arith.cmpi slt, %rem3A_80, %lt3A : i32
      %lt3A_84 = arith.constant 0 : i32
      %lt3A_85 = arith.cmpi slt, %select_n3A_79, %lt3A_84 : i32
      %ne3A_86 = arith.xori %lt3A_83, %lt3A_85 : i1
      %and3A_87 = arith.andi %ne3A_86, %ne3A_82 : i1
      %add3A_88 = arith.addi %rem3A_80, %select_n3A_79 : i32
      %select_n3A_89 = arith.select %and3A_87, %add3A_88, %rem3A_80 : i32
      %mul3A_90 = arith.constant 16 : i32
      %mul3A_91 = arith.muli %select_n3A_89, %mul3A_90 : i32
      %swap3A = arith.index_cast %select_n3A : i32 to index
      %swap3A_92 = arith.index_cast %mul3A_91 : i32 to index
      %swap3A_93 = tpu.vector_load %arg8[%swap3A, %swap3A_92] {strides = array<i32>} : memref<128x128xf32, #tpu.memory_space<vmem>>, vector<1x16xf32>,
      %swap3A_94 = vector.shape_cast %swap3A_93 : vector<1x16xf32> to vector<16xf32>
      %swap3A_95 = vector.shape_cast %broadcast_in_dim3A_59 : vector<16xf32> to vector<1x16xf32>
      tpu.vector_store %arg8[%swap3A, %swap3A_92], %swap3A_95 {strides = array<i32>} : memref<128x128xf32, #tpu.memory_space<vmem>>, vector<1x16xf32>,
      %scan3A_96 = arith.constant 0 : i32
      scf.yield %scan3A_96 : i32
    }
    %scan3A_6 = arith.constant 1024 : i32
    %mul3A_7 = arith.constant 640 : i32
    %mul3A_8 = arith.muli %arg1, %mul3A_7 : i32
    %add3A_9 = arith.constant 0 : i32
    %add3A_10 = arith.addi %mul3A_8, %add3A_9 : i32
    "tpu.region"() ({
      %run_scoped3A = tpu.sem_alloc : memref<!tpu.dma_semaphore, #tpu.memory_space<semaphore_mem>>
      %dma_start3A_57 = arith.constant 0 : i32
      %dma_start3A_58 = tpu.memref_slice %arg10[%add3A_10, %dma_start3A_57] : memref<10240x128xf32, #tpu.memory_space<vmem_shared>> -> memref<128x128xf32, #tpu.memory_space<vmem_shared>>
      %dma_start3A_59 = arith.constant 0 : i32
      %dma_start3A_60 = tpu.memref_slice %arg10[%add3A_10, %dma_start3A_59] : memref<10240x128xf32, #tpu.memory_space<vmem_shared>> -> memref<128x128xf32, #tpu.memory_space<vmem_shared>>
      tpu.enqueue_dma source(%arg8 : memref<128x128xf32, #tpu.memory_space<vmem>>) target(%dma_start3A_60 : memref<128x128xf32, #tpu.memory_space<vmem_shared>>) target_semaphore(%run_scoped3A : memref<!tpu.dma_semaphore, #tpu.memory_space<semaphore_mem>>)
      %dma_wait3A = arith.constant 0 : i32
      %dma_wait3A_61 = tpu.memref_slice %arg10[%add3A_10, %dma_wait3A] : memref<10240x128xf32, #tpu.memory_space<vmem_shared>> -> memref<128x128xf32, #tpu.memory_space<vmem_shared>>
      %dma_wait3A_62 = arith.constant 0 : i32
      %dma_wait3A_63 = tpu.memref_slice %arg10[%add3A_10, %dma_wait3A_62] : memref<10240x128xf32, #tpu.memory_space<vmem_shared>> -> memref<128x128xf32, #tpu.memory_space<vmem_shared>>
      tpu.wait_dma2 semaphore(%run_scoped3A : memref<!tpu.dma_semaphore, #tpu.memory_space<semaphore_mem>>) src(%arg8 : memref<128x128xf32, #tpu.memory_space<vmem>>) dst(%dma_wait3A_63 : memref<128x128xf32, #tpu.memory_space<vmem_shared>>)
      tpu.yield
    }) : () -> ()
    %add3A_11 = arith.constant 128 : i32
    %add3A_12 = arith.addi %mul3A_8, %add3A_11 : i32
    "tpu.region"() ({
      %run_scoped3A = tpu.sem_alloc : memref<!tpu.dma_semaphore, #tpu.memory_space<semaphore_mem>>
      %dma_start3A_57 = arith.constant 0 : i32
      %dma_start3A_58 = tpu.memref_slice %arg10[%add3A_12, %dma_start3A_57] : memref<10240x128xf32, #tpu.memory_space<vmem_shared>> -> memref<128x128xf32, #tpu.memory_space<vmem_shared>>
      %dma_start3A_59 = arith.constant 0 : i32
      %dma_start3A_60 = tpu.memref_slice %arg10[%add3A_12, %dma_start3A_59] : memref<10240x128xf32, #tpu.memory_space<vmem_shared>> -> memref<128x128xf32, #tpu.memory_space<vmem_shared>>
      tpu.enqueue_dma source(%arg8 : memref<128x128xf32, #tpu.memory_space<vmem>>) target(%dma_start3A_60 : memref<128x128xf32, #tpu.memory_space<vmem_shared>>) target_semaphore(%run_scoped3A : memref<!tpu.dma_semaphore, #tpu.memory_space<semaphore_mem>>)
      %dma_wait3A = arith.constant 0 : i32
      %dma_wait3A_61 = tpu.memref_slice %arg10[%add3A_12, %dma_wait3A] : memref<10240x128xf32, #tpu.memory_space<vmem_shared>> -> memref<128x128xf32, #tpu.memory_space<vmem_shared>>
      %dma_wait3A_62 = arith.constant 0 : i32
      %dma_wait3A_63 = tpu.memref_slice %arg10[%add3A_12, %dma_wait3A_62] : memref<10240x128xf32, #tpu.memory_space<vmem_shared>> -> memref<128x128xf32, #tpu.memory_space<vmem_shared>>
      tpu.wait_dma2 semaphore(%run_scoped3A : memref<!tpu.dma_semaphore, #tpu.memory_space<semaphore_mem>>) src(%arg8 : memref<128x128xf32, #tpu.memory_space<vmem>>) dst(%dma_wait3A_63 : memref<128x128xf32, #tpu.memory_space<vmem_shared>>)
      tpu.yield
    }) : () -> ()
    %add3A_13 = arith.constant 256 : i32
    %add3A_14 = arith.addi %mul3A_8, %add3A_13 : i32
    "tpu.region"() ({
      %run_scoped3A = tpu.sem_alloc : memref<!tpu.dma_semaphore, #tpu.memory_space<semaphore_mem>>
      %dma_start3A_57 = arith.constant 0 : i32
      %dma_start3A_58 = tpu.memref_slice %arg10[%add3A_14, %dma_start3A_57] : memref<10240x128xf32, #tpu.memory_space<vmem_shared>> -> memref<128x128xf32, #tpu.memory_space<vmem_shared>>
      %dma_start3A_59 = arith.constant 0 : i32
      %dma_start3A_60 = tpu.memref_slice %arg10[%add3A_14, %dma_start3A_59] : memref<10240x128xf32, #tpu.memory_space<vmem_shared>> -> memref<128x128xf32, #tpu.memory_space<vmem_shared>>
      tpu.enqueue_dma source(%arg8 : memref<128x128xf32, #tpu.memory_space<vmem>>) target(%dma_start3A_60 : memref<128x128xf32, #tpu.memory_space<vmem_shared>>) target_semaphore(%run_scoped3A : memref<!tpu.dma_semaphore, #tpu.memory_space<semaphore_mem>>)
      %dma_wait3A = arith.constant 0 : i32
      %dma_wait3A_61 = tpu.memref_slice %arg10[%add3A_14, %dma_wait3A] : memref<10240x128xf32, #tpu.memory_space<vmem_shared>> -> memref<128x128xf32, #tpu.memory_space<vmem_shared>>
      %dma_wait3A_62 = arith.constant 0 : i32
      %dma_wait3A_63 = tpu.memref_slice %arg10[%add3A_14, %dma_wait3A_62] : memref<10240x128xf32, #tpu.memory_space<vmem_shared>> -> memref<128x128xf32, #tpu.memory_space<vmem_shared>>
      tpu.wait_dma2 semaphore(%run_scoped3A : memref<!tpu.dma_semaphore, #tpu.memory_space<semaphore_mem>>) src(%arg8 : memref<128x128xf32, #tpu.memory_space<vmem>>) dst(%dma_wait3A_63 : memref<128x128xf32, #tpu.memory_space<vmem_shared>>)
      tpu.yield
    }) : () -> ()
    %add3A_15 = arith.constant 384 : i32
    %add3A_16 = arith.addi %mul3A_8, %add3A_15 : i32
    "tpu.region"() ({
      %run_scoped3A = tpu.sem_alloc : memref<!tpu.dma_semaphore, #tpu.memory_space<semaphore_mem>>
      %dma_start3A_57 = arith.constant 0 : i32
      %dma_start3A_58 = tpu.memref_slice %arg10[%add3A_16, %dma_start3A_57] : memref<10240x128xf32, #tpu.memory_space<vmem_shared>> -> memref<128x128xf32, #tpu.memory_space<vmem_shared>>
      %dma_start3A_59 = arith.constant 0 : i32
      %dma_start3A_60 = tpu.memref_slice %arg10[%add3A_16, %dma_start3A_59] : memref<10240x128xf32, #tpu.memory_space<vmem_shared>> -> memref<128x128xf32, #tpu.memory_space<vmem_shared>>
      tpu.enqueue_dma source(%arg8 : memref<128x128xf32, #tpu.memory_space<vmem>>) target(%dma_start3A_60 : memref<128x128xf32, #tpu.memory_space<vmem_shared>>) target_semaphore(%run_scoped3A : memref<!tpu.dma_semaphore, #tpu.memory_space<semaphore_mem>>)
      %dma_wait3A = arith.constant 0 : i32
      %dma_wait3A_61 = tpu.memref_slice %arg10[%add3A_16, %dma_wait3A] : memref<10240x128xf32, #tpu.memory_space<vmem_shared>> -> memref<128x128xf32, #tpu.memory_space<vmem_shared>>
      %dma_wait3A_62 = arith.constant 0 : i32
      %dma_wait3A_63 = tpu.memref_slice %arg10[%add3A_16, %dma_wait3A_62] : memref<10240x128xf32, #tpu.memory_space<vmem_shared>> -> memref<128x128xf32, #tpu.memory_space<vmem_shared>>
      tpu.wait_dma2 semaphore(%run_scoped3A : memref<!tpu.dma_semaphore, #tpu.memory_space<semaphore_mem>>) src(%arg8 : memref<128x128xf32, #tpu.memory_space<vmem>>) dst(%dma_wait3A_63 : memref<128x128xf32, #tpu.memory_space<vmem_shared>>)
      tpu.yield
    }) : () -> ()
    %add3A_17 = arith.constant 512 : i32
    %add3A_18 = arith.addi %mul3A_8, %add3A_17 : i32
    "tpu.region"() ({
      %run_scoped3A = tpu.sem_alloc : memref<!tpu.dma_semaphore, #tpu.memory_space<semaphore_mem>>
      %dma_start3A_57 = arith.constant 0 : i32
      %dma_start3A_58 = tpu.memref_slice %arg10[%add3A_18, %dma_start3A_57] : memref<10240x128xf32, #tpu.memory_space<vmem_shared>> -> memref<128x128xf32, #tpu.memory_space<vmem_shared>>
      %dma_start3A_59 = arith.constant 0 : i32
      %dma_start3A_60 = tpu.memref_slice %arg10[%add3A_18, %dma_start3A_59] : memref<10240x128xf32, #tpu.memory_space<vmem_shared>> -> memref<128x128xf32, #tpu.memory_space<vmem_shared>>
      tpu.enqueue_dma source(%arg8 : memref<128x128xf32, #tpu.memory_space<vmem>>) target(%dma_start3A_60 : memref<128x128xf32, #tpu.memory_space<vmem_shared>>) target_semaphore(%run_scoped3A : memref<!tpu.dma_semaphore, #tpu.memory_space<semaphore_mem>>)
      %dma_wait3A = arith.constant 0 : i32
      %dma_wait3A_61 = tpu.memref_slice %arg10[%add3A_18, %dma_wait3A] : memref<10240x128xf32, #tpu.memory_space<vmem_shared>> -> memref<128x128xf32, #tpu.memory_space<vmem_shared>>
      %dma_wait3A_62 = arith.constant 0 : i32
      %dma_wait3A_63 = tpu.memref_slice %arg10[%add3A_18, %dma_wait3A_62] : memref<10240x128xf32, #tpu.memory_space<vmem_shared>> -> memref<128x128xf32, #tpu.memory_space<vmem_shared>>
      tpu.wait_dma2 semaphore(%run_scoped3A : memref<!tpu.dma_semaphore, #tpu.memory_space<semaphore_mem>>) src(%arg8 : memref<128x128xf32, #tpu.memory_space<vmem>>) dst(%dma_wait3A_63 : memref<128x128xf32, #tpu.memory_space<vmem_shared>>)
      tpu.yield
    }) : () -> ()
    %barrier3A = arith.constant 0 : index
    tpu.barrier barrier_id(%barrier3A)
    %mul3A_19 = arith.constant 80 : i32
    %mul3A_20 = arith.muli %add3A, %mul3A_19 : i32
    %add3A_21 = arith.constant 0 : i32
    %add3A_22 = arith.addi %mul3A_20, %add3A_21 : i32
    "tpu.region"() ({
      %run_scoped3A = tpu.sem_alloc : memref<!tpu.dma_semaphore, #tpu.memory_space<semaphore_mem>>
      %dma_start3A_57 = arith.constant 0 : i32
      %dma_start3A_58 = tpu.memref_slice %arg3[%add3A_22, %dma_start3A_57] : memref<2560x128xi32, #tpu.memory_space<hbm>> -> memref<40x128xi32, #tpu.memory_space<hbm>>
      %dma_start3A_59 = arith.constant 0 : i32
      %dma_start3A_60 = tpu.memref_slice %arg3[%add3A_22, %dma_start3A_59] : memref<2560x128xi32, #tpu.memory_space<hbm>> -> memref<40x128xi32, #tpu.memory_space<hbm>>
      tpu.enqueue_dma source(%dma_start3A_60 : memref<40x128xi32, #tpu.memory_space<hbm>>) target(%arg6 : memref<40x128xi32, #tpu.memory_space<vmem>>) target_semaphore(%run_scoped3A : memref<!tpu.dma_semaphore, #tpu.memory_space<semaphore_mem>>)
      %dma_wait3A = arith.constant 0 : i32
      %dma_wait3A_61 = tpu.memref_slice %arg3[%add3A_22, %dma_wait3A] : memref<2560x128xi32, #tpu.memory_space<hbm>> -> memref<40x128xi32, #tpu.memory_space<hbm>>
      %dma_wait3A_62 = arith.constant 0 : i32
      %dma_wait3A_63 = tpu.memref_slice %arg3[%add3A_22, %dma_wait3A_62] : memref<2560x128xi32, #tpu.memory_space<hbm>> -> memref<40x128xi32, #tpu.memory_space<hbm>>
      tpu.wait_dma2 semaphore(%run_scoped3A : memref<!tpu.dma_semaphore, #tpu.memory_space<semaphore_mem>>) src(%dma_wait3A_63 : memref<40x128xi32, #tpu.memory_space<hbm>>) dst(%arg6 : memref<40x128xi32, #tpu.memory_space<vmem>>)
      tpu.yield
    }) : () -> ()
    "tpu.region"() ({
      %run_scoped3A = tpu.sem_alloc : memref<!tpu.dma_semaphore, #tpu.memory_space<semaphore_mem>>
      %dma_start3A_57 = arith.constant 0 : i32
      %dma_start3A_58 = tpu.memref_slice %arg4[%add3A_22, %dma_start3A_57] : memref<2560x128xi32, #tpu.memory_space<hbm>> -> memref<40x128xi32, #tpu.memory_space<hbm>>
      %dma_start3A_59 = arith.constant 0 : i32
      %dma_start3A_60 = tpu.memref_slice %arg4[%add3A_22, %dma_start3A_59] : memref<2560x128xi32, #tpu.memory_space<hbm>> -> memref<40x128xi32, #tpu.memory_space<hbm>>
      tpu.enqueue_dma source(%dma_start3A_60 : memref<40x128xi32, #tpu.memory_space<hbm>>) target(%arg7 : memref<40x128xi32, #tpu.memory_space<vmem>>) target_semaphore(%run_scoped3A : memref<!tpu.dma_semaphore, #tpu.memory_space<semaphore_mem>>)
      %dma_wait3A = arith.constant 0 : i32
      %dma_wait3A_61 = tpu.memref_slice %arg4[%add3A_22, %dma_wait3A] : memref<2560x128xi32, #tpu.memory_space<hbm>> -> memref<40x128xi32, #tpu.memory_space<hbm>>
      %dma_wait3A_62 = arith.constant 0 : i32
      %dma_wait3A_63 = tpu.memref_slice %arg4[%add3A_22, %dma_wait3A_62] : memref<2560x128xi32, #tpu.memory_space<hbm>> -> memref<40x128xi32, #tpu.memory_space<hbm>>
      tpu.wait_dma2 semaphore(%run_scoped3A : memref<!tpu.dma_semaphore, #tpu.memory_space<semaphore_mem>>) src(%dma_wait3A_63 : memref<40x128xi32, #tpu.memory_space<hbm>>) dst(%arg7 : memref<40x128xi32, #tpu.memory_space<vmem>>)
      tpu.yield
    }) : () -> ()
    %dma_start3A = arith.constant 0 : i32
    %dma_start3A_23 = arith.constant 0 : i32
    %dma_start3A_24 = tpu.memref_slice %arg6[%dma_start3A, %dma_start3A_23] : memref<40x128xi32, #tpu.memory_space<vmem>> -> memref<1x128xi32, #tpu.memory_space<vmem>>
    %dma_start3A_25 = tpu.memref_squeeze %dma_start3A_24 : memref<1x128xi32, #tpu.memory_space<vmem>> -> memref<128xi32, #tpu.memory_space<vmem>>
    %dma_start3A_26 = arith.constant 0 : i32
    %dma_start3A_27 = arith.constant 0 : i32
    %dma_start3A_28 = tpu.memref_slice %arg2[%dma_start3A_26, %dma_start3A_27] : memref<10000x128xf32, #tpu.memory_space<hbm>> -> memref<10000x128xf32, #tpu.memory_space<hbm>>
    tpu.enqueue_indirect_dma source(%dma_start3A_28 : memref<10000x128xf32, #tpu.memory_space<hbm>>) target(%arg8 : memref<128x128xf32, #tpu.memory_space<vmem>>) offsets(%dma_start3A_25 : memref<128xi32, #tpu.memory_space<vmem>>) semaphore(%arg11 : memref<!tpu.dma_semaphore, #tpu.memory_space<semaphore_mem>>)
    %scan3A_29 = arith.constant 0 : i32
    %scan3A_30 = arith.constant 0 : i32
    %scan3A_31 = arith.constant 20 : i32
    %scan3A_32 = arith.addi %scan3A_30, %scan3A_31 : i32
    %scan3A_33 = arith.constant 1 : i32
    %scan3A_34 = scf.for %scan3A_57 = %scan3A_30 to %scan3A_32 step %scan3A_33 iter_args(%scan3A_58 = %scan3A_29) -> (i32)  : i32 {
      %mul3A_59 = arith.constant 2 : i32
      %mul3A_60 = arith.muli %scan3A_57, %mul3A_59 : i32
      %add3A_61 = arith.constant 1 : i32
      %add3A_62 = arith.addi %mul3A_60, %add3A_61 : i32
      %dma_start3A_63 = arith.constant 0 : i32
      %dma_start3A_64 = tpu.memref_slice %arg6[%add3A_62, %dma_start3A_63] : memref<40x128xi32, #tpu.memory_space<vmem>> -> memref<1x128xi32, #tpu.memory_space<vmem>>
      %dma_start3A_65 = tpu.memref_squeeze %dma_start3A_64 : memref<1x128xi32, #tpu.memory_space<vmem>> -> memref<128xi32, #tpu.memory_space<vmem>>
      %dma_start3A_66 = arith.constant 0 : i32
      %dma_start3A_67 = arith.constant 0 : i32
      %dma_start3A_68 = tpu.memref_slice %arg2[%dma_start3A_66, %dma_start3A_67] : memref<10000x128xf32, #tpu.memory_space<hbm>> -> memref<10000x128xf32, #tpu.memory_space<hbm>>
      tpu.enqueue_indirect_dma source(%dma_start3A_68 : memref<10000x128xf32, #tpu.memory_space<hbm>>) target(%arg9 : memref<128x128xf32, #tpu.memory_space<vmem>>) offsets(%dma_start3A_65 : memref<128xi32, #tpu.memory_space<vmem>>) semaphore(%arg12 : memref<!tpu.dma_semaphore, #tpu.memory_space<semaphore_mem>>)
      %dma_wait3A = arith.constant 0 : i32
      %dma_wait3A_69 = tpu.memref_slice %arg6[%mul3A_60, %dma_wait3A] : memref<40x128xi32, #tpu.memory_space<vmem>> -> memref<1x128xi32, #tpu.memory_space<vmem>>
      %dma_wait3A_70 = tpu.memref_squeeze %dma_wait3A_69 : memref<1x128xi32, #tpu.memory_space<vmem>> -> memref<128xi32, #tpu.memory_space<vmem>>
      %dma_wait3A_71 = arith.constant 0 : i32
      %dma_wait3A_72 = arith.constant 0 : i32
      %dma_wait3A_73 = tpu.memref_slice %arg2[%dma_wait3A_71, %dma_wait3A_72] : memref<10000x128xf32, #tpu.memory_space<hbm>> -> memref<10000x128xf32, #tpu.memory_space<hbm>>
      tpu.wait_indirect_dma semaphore(%arg11 : memref<!tpu.dma_semaphore, #tpu.memory_space<semaphore_mem>>) src(%dma_wait3A_73 : memref<10000x128xf32, #tpu.memory_space<hbm>>) dst(%arg8 : memref<128x128xf32, #tpu.memory_space<vmem>>)
      "tpu.region"() ({
        %run_scoped3A = tpu.sem_alloc : memref<!tpu.dma_semaphore, #tpu.memory_space<semaphore_mem>>
        %dma_start3A_89 = arith.constant 0 : i32
        %dma_start3A_90 = tpu.memref_slice %arg7[%mul3A_60, %dma_start3A_89] : memref<40x128xi32, #tpu.memory_space<vmem>> -> memref<1x128xi32, #tpu.memory_space<vmem>>
        %dma_start3A_91 = tpu.memref_squeeze %dma_start3A_90 : memref<1x128xi32, #tpu.memory_space<vmem>> -> memref<128xi32, #tpu.memory_space<vmem>>
        %dma_start3A_92 = arith.constant 0 : i32
        %dma_start3A_93 = arith.constant 0 : i32
        %dma_start3A_94 = tpu.memref_slice %arg10[%dma_start3A_92, %dma_start3A_93] : memref<10240x128xf32, #tpu.memory_space<vmem_shared>> -> memref<10240x128xf32, #tpu.memory_space<vmem_shared>>
        tpu.enqueue_indirect_dma source(%arg8 : memref<128x128xf32, #tpu.memory_space<vmem>>) target(%dma_start3A_94 : memref<10240x128xf32, #tpu.memory_space<vmem_shared>>) offsets(%dma_start3A_91 : memref<128xi32, #tpu.memory_space<vmem>>) semaphore(%run_scoped3A : memref<!tpu.dma_semaphore, #tpu.memory_space<semaphore_mem>>) {add = true}
        %dma_wait3A_95 = arith.constant 0 : i32
        %dma_wait3A_96 = tpu.memref_slice %arg7[%mul3A_60, %dma_wait3A_95] : memref<40x128xi32, #tpu.memory_space<vmem>> -> memref<1x128xi32, #tpu.memory_space<vmem>>
        %dma_wait3A_97 = tpu.memref_squeeze %dma_wait3A_96 : memref<1x128xi32, #tpu.memory_space<vmem>> -> memref<128xi32, #tpu.memory_space<vmem>>
        %dma_wait3A_98 = arith.constant 0 : i32
        %dma_wait3A_99 = arith.constant 0 : i32
        %dma_wait3A_100 = tpu.memref_slice %arg10[%dma_wait3A_98, %dma_wait3A_99] : memref<10240x128xf32, #tpu.memory_space<vmem_shared>> -> memref<10240x128xf32, #tpu.memory_space<vmem_shared>>
        tpu.wait_indirect_dma semaphore(%run_scoped3A : memref<!tpu.dma_semaphore, #tpu.memory_space<semaphore_mem>>) src(%arg8 : memref<128x128xf32, #tpu.memory_space<vmem>>) dst(%dma_wait3A_100 : memref<10240x128xf32, #tpu.memory_space<vmem_shared>>)
        tpu.yield
      }) : () -> ()
      %add3A_74 = arith.constant 2 : i32
      %add3A_75 = arith.addi %mul3A_60, %add3A_74 : i32
      %lt3A = arith.constant 40 : i32
      %lt3A_76 = arith.cmpi slt, %add3A_75, %lt3A : i32
      %convert_element_type3A = arith.extui %lt3A_76 : i1 to i32
      %cond3A = arith.constant 0 : i32
      %cond3A_77 = arith.cmpi ne, %convert_element_type3A, %cond3A : i32
      scf.if %cond3A_77 {
        %add3A_89 = arith.constant 2 : i32
        %add3A_90 = arith.addi %mul3A_60, %add3A_89 : i32
        %dma_start3A_91 = arith.constant 0 : i32
        %dma_start3A_92 = tpu.memref_slice %arg6[%add3A_90, %dma_start3A_91] : memref<40x128xi32, #tpu.memory_space<vmem>> -> memref<1x128xi32, #tpu.memory_space<vmem>>
        %dma_start3A_93 = tpu.memref_squeeze %dma_start3A_92 : memref<1x128xi32, #tpu.memory_space<vmem>> -> memref<128xi32, #tpu.memory_space<vmem>>
        %dma_start3A_94 = arith.constant 0 : i32
        %dma_start3A_95 = arith.constant 0 : i32
        %dma_start3A_96 = tpu.memref_slice %arg2[%dma_start3A_94, %dma_start3A_95] : memref<10000x128xf32, #tpu.memory_space<hbm>> -> memref<10000x128xf32, #tpu.memory_space<hbm>>
        tpu.enqueue_indirect_dma source(%dma_start3A_96 : memref<10000x128xf32, #tpu.memory_space<hbm>>) target(%arg8 : memref<128x128xf32, #tpu.memory_space<vmem>>) offsets(%dma_start3A_93 : memref<128xi32, #tpu.memory_space<vmem>>) semaphore(%arg11 : memref<!tpu.dma_semaphore, #tpu.memory_space<semaphore_mem>>)
      } else {
      }
      %add3A_78 = arith.constant 1 : i32
      %add3A_79 = arith.addi %mul3A_60, %add3A_78 : i32
      %dma_wait3A_80 = arith.constant 0 : i32
      %dma_wait3A_81 = tpu.memref_slice %arg6[%add3A_79, %dma_wait3A_80] : memref<40x128xi32, #tpu.memory_space<vmem>> -> memref<1x128xi32, #tpu.memory_space<vmem>>
      %dma_wait3A_82 = tpu.memref_squeeze %dma_wait3A_81 : memref<1x128xi32, #tpu.memory_space<vmem>> -> memref<128xi32, #tpu.memory_space<vmem>>
      %dma_wait3A_83 = arith.constant 0 : i32
      %dma_wait3A_84 = arith.constant 0 : i32
      %dma_wait3A_85 = tpu.memref_slice %arg2[%dma_wait3A_83, %dma_wait3A_84] : memref<10000x128xf32, #tpu.memory_space<hbm>> -> memref<10000x128xf32, #tpu.memory_space<hbm>>
      tpu.wait_indirect_dma semaphore(%arg12 : memref<!tpu.dma_semaphore, #tpu.memory_space<semaphore_mem>>) src(%dma_wait3A_85 : memref<10000x128xf32, #tpu.memory_space<hbm>>) dst(%arg9 : memref<128x128xf32, #tpu.memory_space<vmem>>)
      %add3A_86 = arith.constant 1 : i32
      %add3A_87 = arith.addi %mul3A_60, %add3A_86 : i32
      "tpu.region"() ({
        %run_scoped3A = tpu.sem_alloc : memref<!tpu.dma_semaphore, #tpu.memory_space<semaphore_mem>>
        %dma_start3A_89 = arith.constant 0 : i32
        %dma_start3A_90 = tpu.memref_slice %arg7[%add3A_87, %dma_start3A_89] : memref<40x128xi32, #tpu.memory_space<vmem>> -> memref<1x128xi32, #tpu.memory_space<vmem>>
        %dma_start3A_91 = tpu.memref_squeeze %dma_start3A_90 : memref<1x128xi32, #tpu.memory_space<vmem>> -> memref<128xi32, #tpu.memory_space<vmem>>
        %dma_start3A_92 = arith.constant 0 : i32
        %dma_start3A_93 = arith.constant 0 : i32
        %dma_start3A_94 = tpu.memref_slice %arg10[%dma_start3A_92, %dma_start3A_93] : memref<10240x128xf32, #tpu.memory_space<vmem_shared>> -> memref<10240x128xf32, #tpu.memory_space<vmem_shared>>
        tpu.enqueue_indirect_dma source(%arg9 : memref<128x128xf32, #tpu.memory_space<vmem>>) target(%dma_start3A_94 : memref<10240x128xf32, #tpu.memory_space<vmem_shared>>) offsets(%dma_start3A_91 : memref<128xi32, #tpu.memory_space<vmem>>) semaphore(%run_scoped3A : memref<!tpu.dma_semaphore, #tpu.memory_space<semaphore_mem>>) {add = true}
        %dma_wait3A_95 = arith.constant 0 : i32
        %dma_wait3A_96 = tpu.memref_slice %arg7[%add3A_87, %dma_wait3A_95] : memref<40x128xi32, #tpu.memory_space<vmem>> -> memref<1x128xi32, #tpu.memory_space<vmem>>
        %dma_wait3A_97 = tpu.memref_squeeze %dma_wait3A_96 : memref<1x128xi32, #tpu.memory_space<vmem>> -> memref<128xi32, #tpu.memory_space<vmem>>
        %dma_wait3A_98 = arith.constant 0 : i32
        %dma_wait3A_99 = arith.constant 0 : i32
        %dma_wait3A_100 = tpu.memref_slice %arg10[%dma_wait3A_98, %dma_wait3A_99] : memref<10240x128xf32, #tpu.memory_space<vmem_shared>> -> memref<10240x128xf32, #tpu.memory_space<vmem_shared>>
        tpu.wait_indirect_dma semaphore(%run_scoped3A : memref<!tpu.dma_semaphore, #tpu.memory_space<semaphore_mem>>) src(%arg9 : memref<128x128xf32, #tpu.memory_space<vmem>>) dst(%dma_wait3A_100 : memref<10240x128xf32, #tpu.memory_space<vmem_shared>>)
        tpu.yield
      }) : () -> ()
      %scan3A_88 = arith.constant 0 : i32
      scf.yield %scan3A_88 : i32
    }
    %scan3A_35 = arith.constant 20 : i32
    %mul3A_36 = arith.constant 80 : i32
    %mul3A_37 = arith.muli %add3A, %mul3A_36 : i32
    %add3A_38 = arith.constant 40 : i32
    %add3A_39 = arith.addi %mul3A_37, %add3A_38 : i32
    "tpu.region"() ({
      %run_scoped3A = tpu.sem_alloc : memref<!tpu.dma_semaphore, #tpu.memory_space<semaphore_mem>>
      %dma_start3A_57 = arith.constant 0 : i32
      %dma_start3A_58 = tpu.memref_slice %arg3[%add3A_39, %dma_start3A_57] : memref<2560x128xi32, #tpu.memory_space<hbm>> -> memref<40x128xi32, #tpu.memory_space<hbm>>
      %dma_start3A_59 = arith.constant 0 : i32
      %dma_start3A_60 = tpu.memref_slice %arg3[%add3A_39, %dma_start3A_59] : memref<2560x128xi32, #tpu.memory_space<hbm>> -> memref<40x128xi32, #tpu.memory_space<hbm>>
      tpu.enqueue_dma source(%dma_start3A_60 : memref<40x128xi32, #tpu.memory_space<hbm>>) target(%arg6 : memref<40x128xi32, #tpu.memory_space<vmem>>) target_semaphore(%run_scoped3A : memref<!tpu.dma_semaphore, #tpu.memory_space<semaphore_mem>>)
      %dma_wait3A = arith.constant 0 : i32
      %dma_wait3A_61 = tpu.memref_slice %arg3[%add3A_39, %dma_wait3A] : memref<2560x128xi32, #tpu.memory_space<hbm>> -> memref<40x128xi32, #tpu.memory_space<hbm>>
      %dma_wait3A_62 = arith.constant 0 : i32
      %dma_wait3A_63 = tpu.memref_slice %arg3[%add3A_39, %dma_wait3A_62] : memref<2560x128xi32, #tpu.memory_space<hbm>> -> memref<40x128xi32, #tpu.memory_space<hbm>>
      tpu.wait_dma2 semaphore(%run_scoped3A : memref<!tpu.dma_semaphore, #tpu.memory_space<semaphore_mem>>) src(%dma_wait3A_63 : memref<40x128xi32, #tpu.memory_space<hbm>>) dst(%arg6 : memref<40x128xi32, #tpu.memory_space<vmem>>)
      tpu.yield
    }) : () -> ()
    "tpu.region"() ({
      %run_scoped3A = tpu.sem_alloc : memref<!tpu.dma_semaphore, #tpu.memory_space<semaphore_mem>>
      %dma_start3A_57 = arith.constant 0 : i32
      %dma_start3A_58 = tpu.memref_slice %arg4[%add3A_39, %dma_start3A_57] : memref<2560x128xi32, #tpu.memory_space<hbm>> -> memref<40x128xi32, #tpu.memory_space<hbm>>
      %dma_start3A_59 = arith.constant 0 : i32
      %dma_start3A_60 = tpu.memref_slice %arg4[%add3A_39, %dma_start3A_59] : memref<2560x128xi32, #tpu.memory_space<hbm>> -> memref<40x128xi32, #tpu.memory_space<hbm>>
      tpu.enqueue_dma source(%dma_start3A_60 : memref<40x128xi32, #tpu.memory_space<hbm>>) target(%arg7 : memref<40x128xi32, #tpu.memory_space<vmem>>) target_semaphore(%run_scoped3A : memref<!tpu.dma_semaphore, #tpu.memory_space<semaphore_mem>>)
      %dma_wait3A = arith.constant 0 : i32
      %dma_wait3A_61 = tpu.memref_slice %arg4[%add3A_39, %dma_wait3A] : memref<2560x128xi32, #tpu.memory_space<hbm>> -> memref<40x128xi32, #tpu.memory_space<hbm>>
      %dma_wait3A_62 = arith.constant 0 : i32
      %dma_wait3A_63 = tpu.memref_slice %arg4[%add3A_39, %dma_wait3A_62] : memref<2560x128xi32, #tpu.memory_space<hbm>> -> memref<40x128xi32, #tpu.memory_space<hbm>>
      tpu.wait_dma2 semaphore(%run_scoped3A : memref<!tpu.dma_semaphore, #tpu.memory_space<semaphore_mem>>) src(%dma_wait3A_63 : memref<40x128xi32, #tpu.memory_space<hbm>>) dst(%arg7 : memref<40x128xi32, #tpu.memory_space<vmem>>)
      tpu.yield
    }) : () -> ()
    %dma_start3A_40 = arith.constant 0 : i32
    %dma_start3A_41 = arith.constant 0 : i32
    %dma_start3A_42 = tpu.memref_slice %arg6[%dma_start3A_40, %dma_start3A_41] : memref<40x128xi32, #tpu.memory_space<vmem>> -> memref<1x128xi32, #tpu.memory_space<vmem>>
    %dma_start3A_43 = tpu.memref_squeeze %dma_start3A_42 : memref<1x128xi32, #tpu.memory_space<vmem>> -> memref<128xi32, #tpu.memory_space<vmem>>
    %dma_start3A_44 = arith.constant 0 : i32
    %dma_start3A_45 = arith.constant 0 : i32
    %dma_start3A_46 = tpu.memref_slice %arg2[%dma_start3A_44, %dma_start3A_45] : memref<10000x128xf32, #tpu.memory_space<hbm>> -> memref<10000x128xf32, #tpu.memory_space<hbm>>
    tpu.enqueue_indirect_dma source(%dma_start3A_46 : memref<10000x128xf32, #tpu.memory_space<hbm>>) target(%arg8 : memref<128x128xf32, #tpu.memory_space<vmem>>) offsets(%dma_start3A_43 : memref<128xi32, #tpu.memory_space<vmem>>) semaphore(%arg11 : memref<!tpu.dma_semaphore, #tpu.memory_space<semaphore_mem>>)
    %scan3A_47 = arith.constant 0 : i32
    %scan3A_48 = arith.constant 0 : i32
    %scan3A_49 = arith.constant 20 : i32
    %scan3A_50 = arith.addi %scan3A_48, %scan3A_49 : i32
    %scan3A_51 = arith.constant 1 : i32
    %scan3A_52 = scf.for %scan3A_57 = %scan3A_48 to %scan3A_50 step %scan3A_51 iter_args(%scan3A_58 = %scan3A_47) -> (i32)  : i32 {
      %mul3A_59 = arith.constant 2 : i32
      %mul3A_60 = arith.muli %scan3A_57, %mul3A_59 : i32
      %add3A_61 = arith.constant 1 : i32
      %add3A_62 = arith.addi %mul3A_60, %add3A_61 : i32
      %dma_start3A_63 = arith.constant 0 : i32
      %dma_start3A_64 = tpu.memref_slice %arg6[%add3A_62, %dma_start3A_63] : memref<40x128xi32, #tpu.memory_space<vmem>> -> memref<1x128xi32, #tpu.memory_space<vmem>>
      %dma_start3A_65 = tpu.memref_squeeze %dma_start3A_64 : memref<1x128xi32, #tpu.memory_space<vmem>> -> memref<128xi32, #tpu.memory_space<vmem>>
      %dma_start3A_66 = arith.constant 0 : i32
      %dma_start3A_67 = arith.constant 0 : i32
      %dma_start3A_68 = tpu.memref_slice %arg2[%dma_start3A_66, %dma_start3A_67] : memref<10000x128xf32, #tpu.memory_space<hbm>> -> memref<10000x128xf32, #tpu.memory_space<hbm>>
      tpu.enqueue_indirect_dma source(%dma_start3A_68 : memref<10000x128xf32, #tpu.memory_space<hbm>>) target(%arg9 : memref<128x128xf32, #tpu.memory_space<vmem>>) offsets(%dma_start3A_65 : memref<128xi32, #tpu.memory_space<vmem>>) semaphore(%arg12 : memref<!tpu.dma_semaphore, #tpu.memory_space<semaphore_mem>>)
      %dma_wait3A = arith.constant 0 : i32
      %dma_wait3A_69 = tpu.memref_slice %arg6[%mul3A_60, %dma_wait3A] : memref<40x128xi32, #tpu.memory_space<vmem>> -> memref<1x128xi32, #tpu.memory_space<vmem>>
      %dma_wait3A_70 = tpu.memref_squeeze %dma_wait3A_69 : memref<1x128xi32, #tpu.memory_space<vmem>> -> memref<128xi32, #tpu.memory_space<vmem>>
      %dma_wait3A_71 = arith.constant 0 : i32
      %dma_wait3A_72 = arith.constant 0 : i32
      %dma_wait3A_73 = tpu.memref_slice %arg2[%dma_wait3A_71, %dma_wait3A_72] : memref<10000x128xf32, #tpu.memory_space<hbm>> -> memref<10000x128xf32, #tpu.memory_space<hbm>>
      tpu.wait_indirect_dma semaphore(%arg11 : memref<!tpu.dma_semaphore, #tpu.memory_space<semaphore_mem>>) src(%dma_wait3A_73 : memref<10000x128xf32, #tpu.memory_space<hbm>>) dst(%arg8 : memref<128x128xf32, #tpu.memory_space<vmem>>)
      "tpu.region"() ({
        %run_scoped3A = tpu.sem_alloc : memref<!tpu.dma_semaphore, #tpu.memory_space<semaphore_mem>>
        %dma_start3A_89 = arith.constant 0 : i32
        %dma_start3A_90 = tpu.memref_slice %arg7[%mul3A_60, %dma_start3A_89] : memref<40x128xi32, #tpu.memory_space<vmem>> -> memref<1x128xi32, #tpu.memory_space<vmem>>
        %dma_start3A_91 = tpu.memref_squeeze %dma_start3A_90 : memref<1x128xi32, #tpu.memory_space<vmem>> -> memref<128xi32, #tpu.memory_space<vmem>>
        %dma_start3A_92 = arith.constant 0 : i32
        %dma_start3A_93 = arith.constant 0 : i32
        %dma_start3A_94 = tpu.memref_slice %arg10[%dma_start3A_92, %dma_start3A_93] : memref<10240x128xf32, #tpu.memory_space<vmem_shared>> -> memref<10240x128xf32, #tpu.memory_space<vmem_shared>>
        tpu.enqueue_indirect_dma source(%arg8 : memref<128x128xf32, #tpu.memory_space<vmem>>) target(%dma_start3A_94 : memref<10240x128xf32, #tpu.memory_space<vmem_shared>>) offsets(%dma_start3A_91 : memref<128xi32, #tpu.memory_space<vmem>>) semaphore(%run_scoped3A : memref<!tpu.dma_semaphore, #tpu.memory_space<semaphore_mem>>) {add = true}
        %dma_wait3A_95 = arith.constant 0 : i32
        %dma_wait3A_96 = tpu.memref_slice %arg7[%mul3A_60, %dma_wait3A_95] : memref<40x128xi32, #tpu.memory_space<vmem>> -> memref<1x128xi32, #tpu.memory_space<vmem>>
        %dma_wait3A_97 = tpu.memref_squeeze %dma_wait3A_96 : memref<1x128xi32, #tpu.memory_space<vmem>> -> memref<128xi32, #tpu.memory_space<vmem>>
        %dma_wait3A_98 = arith.constant 0 : i32
        %dma_wait3A_99 = arith.constant 0 : i32
        %dma_wait3A_100 = tpu.memref_slice %arg10[%dma_wait3A_98, %dma_wait3A_99] : memref<10240x128xf32, #tpu.memory_space<vmem_shared>> -> memref<10240x128xf32, #tpu.memory_space<vmem_shared>>
        tpu.wait_indirect_dma semaphore(%run_scoped3A : memref<!tpu.dma_semaphore, #tpu.memory_space<semaphore_mem>>) src(%arg8 : memref<128x128xf32, #tpu.memory_space<vmem>>) dst(%dma_wait3A_100 : memref<10240x128xf32, #tpu.memory_space<vmem_shared>>)
        tpu.yield
      }) : () -> ()
      %add3A_74 = arith.constant 2 : i32
      %add3A_75 = arith.addi %mul3A_60, %add3A_74 : i32
      %lt3A = arith.constant 40 : i32
      %lt3A_76 = arith.cmpi slt, %add3A_75, %lt3A : i32
      %convert_element_type3A = arith.extui %lt3A_76 : i1 to i32
      %cond3A = arith.constant 0 : i32
      %cond3A_77 = arith.cmpi ne, %convert_element_type3A, %cond3A : i32
      scf.if %cond3A_77 {
        %add3A_89 = arith.constant 2 : i32
        %add3A_90 = arith.addi %mul3A_60, %add3A_89 : i32
        %dma_start3A_91 = arith.constant 0 : i32
        %dma_start3A_92 = tpu.memref_slice %arg6[%add3A_90, %dma_start3A_91] : memref<40x128xi32, #tpu.memory_space<vmem>> -> memref<1x128xi32, #tpu.memory_space<vmem>>
        %dma_start3A_93 = tpu.memref_squeeze %dma_start3A_92 : memref<1x128xi32, #tpu.memory_space<vmem>> -> memref<128xi32, #tpu.memory_space<vmem>>
        %dma_start3A_94 = arith.constant 0 : i32
        %dma_start3A_95 = arith.constant 0 : i32
        %dma_start3A_96 = tpu.memref_slice %arg2[%dma_start3A_94, %dma_start3A_95] : memref<10000x128xf32, #tpu.memory_space<hbm>> -> memref<10000x128xf32, #tpu.memory_space<hbm>>
        tpu.enqueue_indirect_dma source(%dma_start3A_96 : memref<10000x128xf32, #tpu.memory_space<hbm>>) target(%arg8 : memref<128x128xf32, #tpu.memory_space<vmem>>) offsets(%dma_start3A_93 : memref<128xi32, #tpu.memory_space<vmem>>) semaphore(%arg11 : memref<!tpu.dma_semaphore, #tpu.memory_space<semaphore_mem>>)
      } else {
      }
      %add3A_78 = arith.constant 1 : i32
      %add3A_79 = arith.addi %mul3A_60, %add3A_78 : i32
      %dma_wait3A_80 = arith.constant 0 : i32
      %dma_wait3A_81 = tpu.memref_slice %arg6[%add3A_79, %dma_wait3A_80] : memref<40x128xi32, #tpu.memory_space<vmem>> -> memref<1x128xi32, #tpu.memory_space<vmem>>
      %dma_wait3A_82 = tpu.memref_squeeze %dma_wait3A_81 : memref<1x128xi32, #tpu.memory_space<vmem>> -> memref<128xi32, #tpu.memory_space<vmem>>
      %dma_wait3A_83 = arith.constant 0 : i32
      %dma_wait3A_84 = arith.constant 0 : i32
      %dma_wait3A_85 = tpu.memref_slice %arg2[%dma_wait3A_83, %dma_wait3A_84] : memref<10000x128xf32, #tpu.memory_space<hbm>> -> memref<10000x128xf32, #tpu.memory_space<hbm>>
      tpu.wait_indirect_dma semaphore(%arg12 : memref<!tpu.dma_semaphore, #tpu.memory_space<semaphore_mem>>) src(%dma_wait3A_85 : memref<10000x128xf32, #tpu.memory_space<hbm>>) dst(%arg9 : memref<128x128xf32, #tpu.memory_space<vmem>>)
      %add3A_86 = arith.constant 1 : i32
      %add3A_87 = arith.addi %mul3A_60, %add3A_86 : i32
      "tpu.region"() ({
        %run_scoped3A = tpu.sem_alloc : memref<!tpu.dma_semaphore, #tpu.memory_space<semaphore_mem>>
        %dma_start3A_89 = arith.constant 0 : i32
        %dma_start3A_90 = tpu.memref_slice %arg7[%add3A_87, %dma_start3A_89] : memref<40x128xi32, #tpu.memory_space<vmem>> -> memref<1x128xi32, #tpu.memory_space<vmem>>
        %dma_start3A_91 = tpu.memref_squeeze %dma_start3A_90 : memref<1x128xi32, #tpu.memory_space<vmem>> -> memref<128xi32, #tpu.memory_space<vmem>>
        %dma_start3A_92 = arith.constant 0 : i32
        %dma_start3A_93 = arith.constant 0 : i32
        %dma_start3A_94 = tpu.memref_slice %arg10[%dma_start3A_92, %dma_start3A_93] : memref<10240x128xf32, #tpu.memory_space<vmem_shared>> -> memref<10240x128xf32, #tpu.memory_space<vmem_shared>>
        tpu.enqueue_indirect_dma source(%arg9 : memref<128x128xf32, #tpu.memory_space<vmem>>) target(%dma_start3A_94 : memref<10240x128xf32, #tpu.memory_space<vmem_shared>>) offsets(%dma_start3A_91 : memref<128xi32, #tpu.memory_space<vmem>>) semaphore(%run_scoped3A : memref<!tpu.dma_semaphore, #tpu.memory_space<semaphore_mem>>) {add = true}
        %dma_wait3A_95 = arith.constant 0 : i32
        %dma_wait3A_96 = tpu.memref_slice %arg7[%add3A_87, %dma_wait3A_95] : memref<40x128xi32, #tpu.memory_space<vmem>> -> memref<1x128xi32, #tpu.memory_space<vmem>>
        %dma_wait3A_97 = tpu.memref_squeeze %dma_wait3A_96 : memref<1x128xi32, #tpu.memory_space<vmem>> -> memref<128xi32, #tpu.memory_space<vmem>>
        %dma_wait3A_98 = arith.constant 0 : i32
        %dma_wait3A_99 = arith.constant 0 : i32
        %dma_wait3A_100 = tpu.memref_slice %arg10[%dma_wait3A_98, %dma_wait3A_99] : memref<10240x128xf32, #tpu.memory_space<vmem_shared>> -> memref<10240x128xf32, #tpu.memory_space<vmem_shared>>
        tpu.wait_indirect_dma semaphore(%run_scoped3A : memref<!tpu.dma_semaphore, #tpu.memory_space<semaphore_mem>>) src(%arg9 : memref<128x128xf32, #tpu.memory_space<vmem>>) dst(%dma_wait3A_100 : memref<10240x128xf32, #tpu.memory_space<vmem_shared>>)
        tpu.yield
      }) : () -> ()
      %scan3A_88 = arith.constant 0 : i32
      scf.yield %scan3A_88 : i32
    }
    %scan3A_53 = arith.constant 20 : i32
    %barrier3A_54 = arith.constant 0 : index
    tpu.barrier barrier_id(%barrier3A_54)
    %mul3A_55 = arith.constant 640 : i32
    %mul3A_56 = arith.muli %arg1, %mul3A_55 : i32
    "tpu.region"() ({
      %run_scoped3A = tpu.sem_alloc : memref<!tpu.dma_semaphore, #tpu.memory_space<semaphore_mem>>
      %dma_start3A_57 = arith.constant 0 : i32
      %dma_start3A_58 = tpu.memref_slice %arg5[%arg0, %mul3A_56, %dma_start3A_57] : memref<2x10240x128xf32, #tpu.memory_space<hbm>> -> memref<1x640x128xf32, #tpu.memory_space<hbm>>
      %dma_start3A_59 = tpu.memref_squeeze %dma_start3A_58 : memref<1x640x128xf32, #tpu.memory_space<hbm>> -> memref<640x128xf32, #tpu.memory_space<hbm>>
      %dma_start3A_60 = arith.constant 0 : i32
      %dma_start3A_61 = tpu.memref_slice %arg10[%mul3A_56, %dma_start3A_60] : memref<10240x128xf32, #tpu.memory_space<vmem_shared>> -> memref<640x128xf32, #tpu.memory_space<vmem_shared>>
      tpu.enqueue_dma source(%dma_start3A_61 : memref<640x128xf32, #tpu.memory_space<vmem_shared>>) target(%dma_start3A_59 : memref<640x128xf32, #tpu.memory_space<hbm>>) target_semaphore(%run_scoped3A : memref<!tpu.dma_semaphore, #tpu.memory_space<semaphore_mem>>)
      %dma_wait3A = arith.constant 0 : i32
      %dma_wait3A_62 = tpu.memref_slice %arg5[%arg0, %mul3A_56, %dma_wait3A] : memref<2x10240x128xf32, #tpu.memory_space<hbm>> -> memref<1x640x128xf32, #tpu.memory_space<hbm>>
      %dma_wait3A_63 = tpu.memref_squeeze %dma_wait3A_62 : memref<1x640x128xf32, #tpu.memory_space<hbm>> -> memref<640x128xf32, #tpu.memory_space<hbm>>
      %dma_wait3A_64 = arith.constant 0 : i32
      %dma_wait3A_65 = tpu.memref_slice %arg10[%mul3A_56, %dma_wait3A_64] : memref<10240x128xf32, #tpu.memory_space<vmem_shared>> -> memref<640x128xf32, #tpu.memory_space<vmem_shared>>
      tpu.wait_dma2 semaphore(%run_scoped3A : memref<!tpu.dma_semaphore, #tpu.memory_space<semaphore_mem>>) src(%dma_wait3A_65 : memref<640x128xf32, #tpu.memory_space<vmem_shared>>) dst(%dma_wait3A_63 : memref<640x128xf32, #tpu.memory_space<hbm>>)
      tpu.yield
    }) : () -> ()
    return
  }
}

#map = affine_map<(d0, d1) -> (0)>
#map1 = affine_map<(d0, d1) -> (0, 0)>
module attributes {stable_mosaic.version = 14 : i64} {
  func.func @_edge_mask_body(%arg0: i32, %arg1: i32, %arg2: memref<1280000xf32, #tpu.memory_space<hbm>>, %arg3: memref<320000xf32, #tpu.memory_space<hbm>>, %arg4: memref<1792x128xi32, #tpu.memory_space<hbm>>, %arg5: memref<16xf32, #tpu.memory_space<hbm>>, %arg6: memref<16xf32, #tpu.memory_space<hbm>>, %arg7: memref<1280000xf32, #tpu.memory_space<hbm>>, %arg8: memref<320000xf32, #tpu.memory_space<hbm>>, %arg9: memref<112x128xi32, #tpu.memory_space<vmem>>, %arg10: memref<128xi32, #tpu.memory_space<vmem>>, %arg11: memref<2512xi32, #tpu.memory_space<vmem>>, %arg12: memref<2000xi32, #tpu.memory_space<vmem>>, %arg13: memref<8000xf32, #tpu.memory_space<vmem>>, %arg14: memref<8000xf32, #tpu.memory_space<vmem>>, %arg15: memref<2000xf32, #tpu.memory_space<vmem>>, %arg16: memref<2000xf32, #tpu.memory_space<vmem>>, %arg17: memref<16xf32, #tpu.memory_space<vmem>>, %arg18: memref<16xf32, #tpu.memory_space<vmem>>, %arg19: memref<321536xi32, #tpu.memory_space<vmem_shared>>, %arg20: memref<!tpu.dma_semaphore, #tpu.memory_space<semaphore_mem>>) attributes {dimension_semantics = [#tpu.dimension_semantics<core_parallel>, #tpu.dimension_semantics<subcore_parallel>], iteration_bounds = array<i64: 2, 16>, scalar_prefetch = 0 : i64, scratch_operands = 12 : i64, tpu.core_type = #tpu.core_type<sc_vector_subcore>, window_params = [{transform_indices = #map}, {transform_indices = #map}, {transform_indices = #map1}, {transform_indices = #map}, {transform_indices = #map}, {transform_indices = #map}, {transform_indices = #map}]} {
    %mul3A = arith.constant 2 : i32
    %mul3A_0 = arith.muli %arg1, %mul3A : i32
    %add3A = arith.addi %mul3A_0, %arg0 : i32
    %scan3A = arith.constant 0 : i32
    %scan3A_1 = arith.constant 0 : i32
    %scan3A_2 = arith.constant 157 : i32
    %scan3A_3 = arith.addi %scan3A_1, %scan3A_2 : i32
    %scan3A_4 = arith.constant 1 : i32
    %scan3A_5 = scf.for %scan3A_86 = %scan3A_1 to %scan3A_3 step %scan3A_4 iter_args(%scan3A_87 = %scan3A) -> (i32)  : i32 {
      %broadcast_in_dim3A = arith.constant 0 : i32
      %broadcast_in_dim3A_88 = vector.broadcast %broadcast_in_dim3A : i32 to vector<16xi32>
      %mul3A_89 = arith.constant 16 : i32
      %mul3A_90 = arith.muli %scan3A_86, %mul3A_89 : i32
      %swap3A = arith.index_cast %mul3A_90 : i32 to index
      %swap3A_91 = tpu.vector_load %arg11[%swap3A] {strides = array<i32>} : memref<2512xi32, #tpu.memory_space<vmem>>, vector<16xi32>,
      %swap3A_92 = vector.shape_cast %swap3A_91 : vector<16xi32> to vector<16xi32>
      %swap3A_93 = vector.shape_cast %broadcast_in_dim3A_88 : vector<16xi32> to vector<16xi32>
      tpu.vector_store %arg11[%swap3A], %swap3A_93 {strides = array<i32>} : memref<2512xi32, #tpu.memory_space<vmem>>, vector<16xi32>,
      %scan3A_94 = arith.constant 0 : i32
      scf.yield %scan3A_94 : i32
    }
    %scan3A_6 = arith.constant 157 : i32
    %scan3A_7 = arith.constant 0 : i32
    %scan3A_8 = arith.constant 0 : i32
    %scan3A_9 = arith.constant 8 : i32
    %scan3A_10 = arith.addi %scan3A_8, %scan3A_9 : i32
    %scan3A_11 = arith.constant 1 : i32
    %scan3A_12 = scf.for %scan3A_86 = %scan3A_8 to %scan3A_10 step %scan3A_11 iter_args(%scan3A_87 = %scan3A_7) -> (i32)  : i32 {
      %broadcast_in_dim3A = arith.constant 1 : i32
      %broadcast_in_dim3A_88 = vector.broadcast %broadcast_in_dim3A : i32 to vector<16xi32>
      %mul3A_89 = arith.constant 16 : i32
      %mul3A_90 = arith.muli %scan3A_86, %mul3A_89 : i32
      %swap3A = arith.index_cast %mul3A_90 : i32 to index
      %swap3A_91 = tpu.vector_load %arg10[%swap3A] {strides = array<i32>} : memref<128xi32, #tpu.memory_space<vmem>>, vector<16xi32>,
      %swap3A_92 = vector.shape_cast %swap3A_91 : vector<16xi32> to vector<16xi32>
      %swap3A_93 = vector.shape_cast %broadcast_in_dim3A_88 : vector<16xi32> to vector<16xi32>
      tpu.vector_store %arg10[%swap3A], %swap3A_93 {strides = array<i32>} : memref<128xi32, #tpu.memory_space<vmem>>, vector<16xi32>,
      %scan3A_94 = arith.constant 0 : i32
      scf.yield %scan3A_94 : i32
    }
    %scan3A_13 = arith.constant 8 : i32
    %mul3A_14 = arith.constant 20096 : i32
    %mul3A_15 = arith.muli %arg1, %mul3A_14 : i32
    %add3A_16 = arith.constant 0 : i32
    %add3A_17 = arith.addi %mul3A_15, %add3A_16 : i32
    "tpu.region"() ({
      %run_scoped3A = tpu.sem_alloc : memref<!tpu.dma_semaphore, #tpu.memory_space<semaphore_mem>>
      %dma_start3A = tpu.memref_slice %arg19[%add3A_17] : memref<321536xi32, #tpu.memory_space<vmem_shared>> -> memref<2512xi32, #tpu.memory_space<vmem_shared>>
      %dma_start3A_86 = tpu.memref_slice %arg19[%add3A_17] : memref<321536xi32, #tpu.memory_space<vmem_shared>> -> memref<2512xi32, #tpu.memory_space<vmem_shared>>
      tpu.enqueue_dma source(%arg11 : memref<2512xi32, #tpu.memory_space<vmem>>) target(%dma_start3A_86 : memref<2512xi32, #tpu.memory_space<vmem_shared>>) target_semaphore(%run_scoped3A : memref<!tpu.dma_semaphore, #tpu.memory_space<semaphore_mem>>)
      %dma_wait3A = tpu.memref_slice %arg19[%add3A_17] : memref<321536xi32, #tpu.memory_space<vmem_shared>> -> memref<2512xi32, #tpu.memory_space<vmem_shared>>
      %dma_wait3A_87 = tpu.memref_slice %arg19[%add3A_17] : memref<321536xi32, #tpu.memory_space<vmem_shared>> -> memref<2512xi32, #tpu.memory_space<vmem_shared>>
      tpu.wait_dma2 semaphore(%run_scoped3A : memref<!tpu.dma_semaphore, #tpu.memory_space<semaphore_mem>>) src(%arg11 : memref<2512xi32, #tpu.memory_space<vmem>>) dst(%dma_wait3A_87 : memref<2512xi32, #tpu.memory_space<vmem_shared>>)
      tpu.yield
    }) : () -> ()
    %add3A_18 = arith.constant 2512 : i32
    %add3A_19 = arith.addi %mul3A_15, %add3A_18 : i32
    "tpu.region"() ({
      %run_scoped3A = tpu.sem_alloc : memref<!tpu.dma_semaphore, #tpu.memory_space<semaphore_mem>>
      %dma_start3A = tpu.memref_slice %arg19[%add3A_19] : memref<321536xi32, #tpu.memory_space<vmem_shared>> -> memref<2512xi32, #tpu.memory_space<vmem_shared>>
      %dma_start3A_86 = tpu.memref_slice %arg19[%add3A_19] : memref<321536xi32, #tpu.memory_space<vmem_shared>> -> memref<2512xi32, #tpu.memory_space<vmem_shared>>
      tpu.enqueue_dma source(%arg11 : memref<2512xi32, #tpu.memory_space<vmem>>) target(%dma_start3A_86 : memref<2512xi32, #tpu.memory_space<vmem_shared>>) target_semaphore(%run_scoped3A : memref<!tpu.dma_semaphore, #tpu.memory_space<semaphore_mem>>)
      %dma_wait3A = tpu.memref_slice %arg19[%add3A_19] : memref<321536xi32, #tpu.memory_space<vmem_shared>> -> memref<2512xi32, #tpu.memory_space<vmem_shared>>
      %dma_wait3A_87 = tpu.memref_slice %arg19[%add3A_19] : memref<321536xi32, #tpu.memory_space<vmem_shared>> -> memref<2512xi32, #tpu.memory_space<vmem_shared>>
      tpu.wait_dma2 semaphore(%run_scoped3A : memref<!tpu.dma_semaphore, #tpu.memory_space<semaphore_mem>>) src(%arg11 : memref<2512xi32, #tpu.memory_space<vmem>>) dst(%dma_wait3A_87 : memref<2512xi32, #tpu.memory_space<vmem_shared>>)
      tpu.yield
    }) : () -> ()
    %add3A_20 = arith.constant 5024 : i32
    %add3A_21 = arith.addi %mul3A_15, %add3A_20 : i32
    "tpu.region"() ({
      %run_scoped3A = tpu.sem_alloc : memref<!tpu.dma_semaphore, #tpu.memory_space<semaphore_mem>>
      %dma_start3A = tpu.memref_slice %arg19[%add3A_21] : memref<321536xi32, #tpu.memory_space<vmem_shared>> -> memref<2512xi32, #tpu.memory_space<vmem_shared>>
      %dma_start3A_86 = tpu.memref_slice %arg19[%add3A_21] : memref<321536xi32, #tpu.memory_space<vmem_shared>> -> memref<2512xi32, #tpu.memory_space<vmem_shared>>
      tpu.enqueue_dma source(%arg11 : memref<2512xi32, #tpu.memory_space<vmem>>) target(%dma_start3A_86 : memref<2512xi32, #tpu.memory_space<vmem_shared>>) target_semaphore(%run_scoped3A : memref<!tpu.dma_semaphore, #tpu.memory_space<semaphore_mem>>)
      %dma_wait3A = tpu.memref_slice %arg19[%add3A_21] : memref<321536xi32, #tpu.memory_space<vmem_shared>> -> memref<2512xi32, #tpu.memory_space<vmem_shared>>
      %dma_wait3A_87 = tpu.memref_slice %arg19[%add3A_21] : memref<321536xi32, #tpu.memory_space<vmem_shared>> -> memref<2512xi32, #tpu.memory_space<vmem_shared>>
      tpu.wait_dma2 semaphore(%run_scoped3A : memref<!tpu.dma_semaphore, #tpu.memory_space<semaphore_mem>>) src(%arg11 : memref<2512xi32, #tpu.memory_space<vmem>>) dst(%dma_wait3A_87 : memref<2512xi32, #tpu.memory_space<vmem_shared>>)
      tpu.yield
    }) : () -> ()
    %add3A_22 = arith.constant 7536 : i32
    %add3A_23 = arith.addi %mul3A_15, %add3A_22 : i32
    "tpu.region"() ({
      %run_scoped3A = tpu.sem_alloc : memref<!tpu.dma_semaphore, #tpu.memory_space<semaphore_mem>>
      %dma_start3A = tpu.memref_slice %arg19[%add3A_23] : memref<321536xi32, #tpu.memory_space<vmem_shared>> -> memref<2512xi32, #tpu.memory_space<vmem_shared>>
      %dma_start3A_86 = tpu.memref_slice %arg19[%add3A_23] : memref<321536xi32, #tpu.memory_space<vmem_shared>> -> memref<2512xi32, #tpu.memory_space<vmem_shared>>
      tpu.enqueue_dma source(%arg11 : memref<2512xi32, #tpu.memory_space<vmem>>) target(%dma_start3A_86 : memref<2512xi32, #tpu.memory_space<vmem_shared>>) target_semaphore(%run_scoped3A : memref<!tpu.dma_semaphore, #tpu.memory_space<semaphore_mem>>)
      %dma_wait3A = tpu.memref_slice %arg19[%add3A_23] : memref<321536xi32, #tpu.memory_space<vmem_shared>> -> memref<2512xi32, #tpu.memory_space<vmem_shared>>
      %dma_wait3A_87 = tpu.memref_slice %arg19[%add3A_23] : memref<321536xi32, #tpu.memory_space<vmem_shared>> -> memref<2512xi32, #tpu.memory_space<vmem_shared>>
      tpu.wait_dma2 semaphore(%run_scoped3A : memref<!tpu.dma_semaphore, #tpu.memory_space<semaphore_mem>>) src(%arg11 : memref<2512xi32, #tpu.memory_space<vmem>>) dst(%dma_wait3A_87 : memref<2512xi32, #tpu.memory_space<vmem_shared>>)
      tpu.yield
    }) : () -> ()
    %add3A_24 = arith.constant 10048 : i32
    %add3A_25 = arith.addi %mul3A_15, %add3A_24 : i32
    "tpu.region"() ({
      %run_scoped3A = tpu.sem_alloc : memref<!tpu.dma_semaphore, #tpu.memory_space<semaphore_mem>>
      %dma_start3A = tpu.memref_slice %arg19[%add3A_25] : memref<321536xi32, #tpu.memory_space<vmem_shared>> -> memref<2512xi32, #tpu.memory_space<vmem_shared>>
      %dma_start3A_86 = tpu.memref_slice %arg19[%add3A_25] : memref<321536xi32, #tpu.memory_space<vmem_shared>> -> memref<2512xi32, #tpu.memory_space<vmem_shared>>
      tpu.enqueue_dma source(%arg11 : memref<2512xi32, #tpu.memory_space<vmem>>) target(%dma_start3A_86 : memref<2512xi32, #tpu.memory_space<vmem_shared>>) target_semaphore(%run_scoped3A : memref<!tpu.dma_semaphore, #tpu.memory_space<semaphore_mem>>)
      %dma_wait3A = tpu.memref_slice %arg19[%add3A_25] : memref<321536xi32, #tpu.memory_space<vmem_shared>> -> memref<2512xi32, #tpu.memory_space<vmem_shared>>
      %dma_wait3A_87 = tpu.memref_slice %arg19[%add3A_25] : memref<321536xi32, #tpu.memory_space<vmem_shared>> -> memref<2512xi32, #tpu.memory_space<vmem_shared>>
      tpu.wait_dma2 semaphore(%run_scoped3A : memref<!tpu.dma_semaphore, #tpu.memory_space<semaphore_mem>>) src(%arg11 : memref<2512xi32, #tpu.memory_space<vmem>>) dst(%dma_wait3A_87 : memref<2512xi32, #tpu.memory_space<vmem_shared>>)
      tpu.yield
    }) : () -> ()
    %add3A_26 = arith.constant 12560 : i32
    %add3A_27 = arith.addi %mul3A_15, %add3A_26 : i32
    "tpu.region"() ({
      %run_scoped3A = tpu.sem_alloc : memref<!tpu.dma_semaphore, #tpu.memory_space<semaphore_mem>>
      %dma_start3A = tpu.memref_slice %arg19[%add3A_27] : memref<321536xi32, #tpu.memory_space<vmem_shared>> -> memref<2512xi32, #tpu.memory_space<vmem_shared>>
      %dma_start3A_86 = tpu.memref_slice %arg19[%add3A_27] : memref<321536xi32, #tpu.memory_space<vmem_shared>> -> memref<2512xi32, #tpu.memory_space<vmem_shared>>
      tpu.enqueue_dma source(%arg11 : memref<2512xi32, #tpu.memory_space<vmem>>) target(%dma_start3A_86 : memref<2512xi32, #tpu.memory_space<vmem_shared>>) target_semaphore(%run_scoped3A : memref<!tpu.dma_semaphore, #tpu.memory_space<semaphore_mem>>)
      %dma_wait3A = tpu.memref_slice %arg19[%add3A_27] : memref<321536xi32, #tpu.memory_space<vmem_shared>> -> memref<2512xi32, #tpu.memory_space<vmem_shared>>
      %dma_wait3A_87 = tpu.memref_slice %arg19[%add3A_27] : memref<321536xi32, #tpu.memory_space<vmem_shared>> -> memref<2512xi32, #tpu.memory_space<vmem_shared>>
      tpu.wait_dma2 semaphore(%run_scoped3A : memref<!tpu.dma_semaphore, #tpu.memory_space<semaphore_mem>>) src(%arg11 : memref<2512xi32, #tpu.memory_space<vmem>>) dst(%dma_wait3A_87 : memref<2512xi32, #tpu.memory_space<vmem_shared>>)
      tpu.yield
    }) : () -> ()
    %add3A_28 = arith.constant 15072 : i32
    %add3A_29 = arith.addi %mul3A_15, %add3A_28 : i32
    "tpu.region"() ({
      %run_scoped3A = tpu.sem_alloc : memref<!tpu.dma_semaphore, #tpu.memory_space<semaphore_mem>>
      %dma_start3A = tpu.memref_slice %arg19[%add3A_29] : memref<321536xi32, #tpu.memory_space<vmem_shared>> -> memref<2512xi32, #tpu.memory_space<vmem_shared>>
      %dma_start3A_86 = tpu.memref_slice %arg19[%add3A_29] : memref<321536xi32, #tpu.memory_space<vmem_shared>> -> memref<2512xi32, #tpu.memory_space<vmem_shared>>
      tpu.enqueue_dma source(%arg11 : memref<2512xi32, #tpu.memory_space<vmem>>) target(%dma_start3A_86 : memref<2512xi32, #tpu.memory_space<vmem_shared>>) target_semaphore(%run_scoped3A : memref<!tpu.dma_semaphore, #tpu.memory_space<semaphore_mem>>)
      %dma_wait3A = tpu.memref_slice %arg19[%add3A_29] : memref<321536xi32, #tpu.memory_space<vmem_shared>> -> memref<2512xi32, #tpu.memory_space<vmem_shared>>
      %dma_wait3A_87 = tpu.memref_slice %arg19[%add3A_29] : memref<321536xi32, #tpu.memory_space<vmem_shared>> -> memref<2512xi32, #tpu.memory_space<vmem_shared>>
      tpu.wait_dma2 semaphore(%run_scoped3A : memref<!tpu.dma_semaphore, #tpu.memory_space<semaphore_mem>>) src(%arg11 : memref<2512xi32, #tpu.memory_space<vmem>>) dst(%dma_wait3A_87 : memref<2512xi32, #tpu.memory_space<vmem_shared>>)
      tpu.yield
    }) : () -> ()
    %add3A_30 = arith.constant 17584 : i32
    %add3A_31 = arith.addi %mul3A_15, %add3A_30 : i32
    "tpu.region"() ({
      %run_scoped3A = tpu.sem_alloc : memref<!tpu.dma_semaphore, #tpu.memory_space<semaphore_mem>>
      %dma_start3A = tpu.memref_slice %arg19[%add3A_31] : memref<321536xi32, #tpu.memory_space<vmem_shared>> -> memref<2512xi32, #tpu.memory_space<vmem_shared>>
      %dma_start3A_86 = tpu.memref_slice %arg19[%add3A_31] : memref<321536xi32, #tpu.memory_space<vmem_shared>> -> memref<2512xi32, #tpu.memory_space<vmem_shared>>
      tpu.enqueue_dma source(%arg11 : memref<2512xi32, #tpu.memory_space<vmem>>) target(%dma_start3A_86 : memref<2512xi32, #tpu.memory_space<vmem_shared>>) target_semaphore(%run_scoped3A : memref<!tpu.dma_semaphore, #tpu.memory_space<semaphore_mem>>)
      %dma_wait3A = tpu.memref_slice %arg19[%add3A_31] : memref<321536xi32, #tpu.memory_space<vmem_shared>> -> memref<2512xi32, #tpu.memory_space<vmem_shared>>
      %dma_wait3A_87 = tpu.memref_slice %arg19[%add3A_31] : memref<321536xi32, #tpu.memory_space<vmem_shared>> -> memref<2512xi32, #tpu.memory_space<vmem_shared>>
      tpu.wait_dma2 semaphore(%run_scoped3A : memref<!tpu.dma_semaphore, #tpu.memory_space<semaphore_mem>>) src(%arg11 : memref<2512xi32, #tpu.memory_space<vmem>>) dst(%dma_wait3A_87 : memref<2512xi32, #tpu.memory_space<vmem_shared>>)
      tpu.yield
    }) : () -> ()
    %barrier3A = arith.constant 0 : index
    tpu.barrier barrier_id(%barrier3A)
    %mul3A_32 = arith.constant 112 : i32
    %mul3A_33 = arith.muli %arg1, %mul3A_32 : i32
    "tpu.region"() ({
      %run_scoped3A = tpu.sem_alloc : memref<!tpu.dma_semaphore, #tpu.memory_space<semaphore_mem>>
      %dma_start3A = arith.constant 0 : i32
      %dma_start3A_86 = tpu.memref_slice %arg4[%mul3A_33, %dma_start3A] : memref<1792x128xi32, #tpu.memory_space<hbm>> -> memref<112x128xi32, #tpu.memory_space<hbm>>
      %dma_start3A_87 = arith.constant 0 : i32
      %dma_start3A_88 = tpu.memref_slice %arg4[%mul3A_33, %dma_start3A_87] : memref<1792x128xi32, #tpu.memory_space<hbm>> -> memref<112x128xi32, #tpu.memory_space<hbm>>
      tpu.enqueue_dma source(%dma_start3A_88 : memref<112x128xi32, #tpu.memory_space<hbm>>) target(%arg9 : memref<112x128xi32, #tpu.memory_space<vmem>>) target_semaphore(%run_scoped3A : memref<!tpu.dma_semaphore, #tpu.memory_space<semaphore_mem>>)
      %dma_wait3A = arith.constant 0 : i32
      %dma_wait3A_89 = tpu.memref_slice %arg4[%mul3A_33, %dma_wait3A] : memref<1792x128xi32, #tpu.memory_space<hbm>> -> memref<112x128xi32, #tpu.memory_space<hbm>>
      %dma_wait3A_90 = arith.constant 0 : i32
      %dma_wait3A_91 = tpu.memref_slice %arg4[%mul3A_33, %dma_wait3A_90] : memref<1792x128xi32, #tpu.memory_space<hbm>> -> memref<112x128xi32, #tpu.memory_space<hbm>>
      tpu.wait_dma2 semaphore(%run_scoped3A : memref<!tpu.dma_semaphore, #tpu.memory_space<semaphore_mem>>) src(%dma_wait3A_91 : memref<112x128xi32, #tpu.memory_space<hbm>>) dst(%arg9 : memref<112x128xi32, #tpu.memory_space<vmem>>)
      tpu.yield
    }) : () -> ()
    %scan3A_34 = arith.constant 0 : i32
    %scan3A_35 = arith.constant 0 : i32
    %scan3A_36 = arith.constant 112 : i32
    %scan3A_37 = arith.addi %scan3A_35, %scan3A_36 : i32
    %scan3A_38 = arith.constant 1 : i32
    %scan3A_39 = scf.for %scan3A_86 = %scan3A_35 to %scan3A_37 step %scan3A_38 iter_args(%scan3A_87 = %scan3A_34) -> (i32)  : i32 {
      %dma_start3A = arith.constant 0 : i32
      %dma_start3A_88 = tpu.memref_slice %arg9[%scan3A_86, %dma_start3A] : memref<112x128xi32, #tpu.memory_space<vmem>> -> memref<1x128xi32, #tpu.memory_space<vmem>>
      %dma_start3A_89 = tpu.memref_squeeze %dma_start3A_88 : memref<1x128xi32, #tpu.memory_space<vmem>> -> memref<128xi32, #tpu.memory_space<vmem>>
      %dma_start3A_90 = arith.constant 0 : i32
      %dma_start3A_91 = tpu.memref_slice %arg19[%dma_start3A_90] : memref<321536xi32, #tpu.memory_space<vmem_shared>> -> memref<321536xi32, #tpu.memory_space<vmem_shared>>
      tpu.enqueue_indirect_dma source(%arg10 : memref<128xi32, #tpu.memory_space<vmem>>) target(%dma_start3A_91 : memref<321536xi32, #tpu.memory_space<vmem_shared>>) offsets(%dma_start3A_89 : memref<128xi32, #tpu.memory_space<vmem>>) semaphore(%arg20 : memref<!tpu.dma_semaphore, #tpu.memory_space<semaphore_mem>>)
      %scan3A_92 = arith.constant 0 : i32
      scf.yield %scan3A_92 : i32
    }
    %scan3A_40 = arith.constant 112 : i32
    %scan3A_41 = arith.constant 0 : i32
    %scan3A_42 = arith.constant 0 : i32
    %scan3A_43 = arith.constant 112 : i32
    %scan3A_44 = arith.addi %scan3A_42, %scan3A_43 : i32
    %scan3A_45 = arith.constant 1 : i32
    %scan3A_46 = scf.for %scan3A_86 = %scan3A_42 to %scan3A_44 step %scan3A_45 iter_args(%scan3A_87 = %scan3A_41) -> (i32)  : i32 {
      %dma_wait3A = arith.constant 0 : i32
      %dma_wait3A_88 = arith.constant 0 : i32
      %dma_wait3A_89 = tpu.memref_slice %arg9[%dma_wait3A, %dma_wait3A_88] : memref<112x128xi32, #tpu.memory_space<vmem>> -> memref<1x128xi32, #tpu.memory_space<vmem>>
      %dma_wait3A_90 = tpu.memref_squeeze %dma_wait3A_89 : memref<1x128xi32, #tpu.memory_space<vmem>> -> memref<128xi32, #tpu.memory_space<vmem>>
      %dma_wait3A_91 = arith.constant 0 : i32
      %dma_wait3A_92 = tpu.memref_slice %arg19[%dma_wait3A_91] : memref<321536xi32, #tpu.memory_space<vmem_shared>> -> memref<321536xi32, #tpu.memory_space<vmem_shared>>
      tpu.wait_indirect_dma semaphore(%arg20 : memref<!tpu.dma_semaphore, #tpu.memory_space<semaphore_mem>>) src(%arg10 : memref<128xi32, #tpu.memory_space<vmem>>) dst(%dma_wait3A_92 : memref<321536xi32, #tpu.memory_space<vmem_shared>>)
      %scan3A_93 = arith.constant 0 : i32
      scf.yield %scan3A_93 : i32
    }
    %scan3A_47 = arith.constant 112 : i32
    %barrier3A_48 = arith.constant 0 : index
    tpu.barrier barrier_id(%barrier3A_48)
    "tpu.region"() ({
      %run_scoped3A = tpu.sem_alloc : memref<!tpu.dma_semaphore, #tpu.memory_space<semaphore_mem>>
      tpu.enqueue_dma source(%arg5 : memref<16xf32, #tpu.memory_space<hbm>>) target(%arg17 : memref<16xf32, #tpu.memory_space<vmem>>) target_semaphore(%run_scoped3A : memref<!tpu.dma_semaphore, #tpu.memory_space<semaphore_mem>>)
      tpu.wait_dma2 semaphore(%run_scoped3A : memref<!tpu.dma_semaphore, #tpu.memory_space<semaphore_mem>>) src(%arg5 : memref<16xf32, #tpu.memory_space<hbm>>) dst(%arg17 : memref<16xf32, #tpu.memory_space<vmem>>)
      tpu.yield
    }) : () -> ()
    "tpu.region"() ({
      %run_scoped3A = tpu.sem_alloc : memref<!tpu.dma_semaphore, #tpu.memory_space<semaphore_mem>>
      tpu.enqueue_dma source(%arg6 : memref<16xf32, #tpu.memory_space<hbm>>) target(%arg18 : memref<16xf32, #tpu.memory_space<vmem>>) target_semaphore(%run_scoped3A : memref<!tpu.dma_semaphore, #tpu.memory_space<semaphore_mem>>)
      tpu.wait_dma2 semaphore(%run_scoped3A : memref<!tpu.dma_semaphore, #tpu.memory_space<semaphore_mem>>) src(%arg6 : memref<16xf32, #tpu.memory_space<hbm>>) dst(%arg18 : memref<16xf32, #tpu.memory_space<vmem>>)
      tpu.yield
    }) : () -> ()
    %get3A = arith.constant 0 : index
    %get3A_49 = tpu.vector_load %arg17[%get3A] {strides = array<i32>} : memref<16xf32, #tpu.memory_space<vmem>>, vector<16xf32>,
    %get3A_50 = vector.shape_cast %get3A_49 : vector<16xf32> to vector<16xf32>
    %get3A_51 = arith.constant 0 : index
    %get3A_52 = tpu.vector_load %arg18[%get3A_51] {strides = array<i32>} : memref<16xf32, #tpu.memory_space<vmem>>, vector<16xf32>,
    %get3A_53 = vector.shape_cast %get3A_52 : vector<16xf32> to vector<16xf32>
    %iota3A = tpu.iota {dimensions = array<i32: 0>} : vector<16xi32>
    %shift_right_logical3A = arith.constant 2 : i32
    %shift_right_logical3A_54 = vector.broadcast %shift_right_logical3A : i32 to vector<16xi32>
    %shift_right_logical3A_55 = arith.shrui %iota3A, %shift_right_logical3A_54 : vector<16xi32>
    %add3A_56 = arith.constant 0 : i32
    %add3A_57 = vector.broadcast %add3A_56 : i32 to vector<16xi32>
    %add3A_58 = arith.addi %shift_right_logical3A_55, %add3A_57 : vector<16xi32>
    %shift_right_logical3A_59 = arith.constant 2 : i32
    %shift_right_logical3A_60 = vector.broadcast %shift_right_logical3A_59 : i32 to vector<16xi32>
    %shift_right_logical3A_61 = arith.shrui %iota3A, %shift_right_logical3A_60 : vector<16xi32>
    %add3A_62 = arith.constant 4 : i32
    %add3A_63 = vector.broadcast %add3A_62 : i32 to vector<16xi32>
    %add3A_64 = arith.addi %shift_right_logical3A_61, %add3A_63 : vector<16xi32>
    %shift_right_logical3A_65 = arith.constant 2 : i32
    %shift_right_logical3A_66 = vector.broadcast %shift_right_logical3A_65 : i32 to vector<16xi32>
    %shift_right_logical3A_67 = arith.shrui %iota3A, %shift_right_logical3A_66 : vector<16xi32>
    %add3A_68 = arith.constant 8 : i32
    %add3A_69 = vector.broadcast %add3A_68 : i32 to vector<16xi32>
    %add3A_70 = arith.addi %shift_right_logical3A_67, %add3A_69 : vector<16xi32>
    %shift_right_logical3A_71 = arith.constant 2 : i32
    %shift_right_logical3A_72 = vector.broadcast %shift_right_logical3A_71 : i32 to vector<16xi32>
    %shift_right_logical3A_73 = arith.shrui %iota3A, %shift_right_logical3A_72 : vector<16xi32>
    %add3A_74 = arith.constant 12 : i32
    %add3A_75 = vector.broadcast %add3A_74 : i32 to vector<16xi32>
    %add3A_76 = arith.addi %shift_right_logical3A_73, %add3A_75 : vector<16xi32>
    %mul3A_77 = arith.constant 10000 : i32
    %mul3A_78 = arith.muli %add3A, %mul3A_77 : i32
    %scan3A_79 = arith.constant 0 : i32
    %scan3A_80 = arith.constant 0 : i32
    %scan3A_81 = arith.constant 5 : i32
    %scan3A_82 = arith.addi %scan3A_80, %scan3A_81 : i32
    %scan3A_83 = arith.constant 1 : i32
    %scan3A_84 = scf.for %scan3A_86 = %scan3A_80 to %scan3A_82 step %scan3A_83 iter_args(%scan3A_87 = %scan3A_79) -> (i32)  : i32 {
      %mul3A_88 = arith.constant 2000 : i32
      %mul3A_89 = arith.muli %scan3A_86, %mul3A_88 : i32
      %add3A_90 = arith.addi %mul3A_78, %mul3A_89 : i32
      "tpu.region"() ({
        %run_scoped3A = tpu.sem_alloc : memref<!tpu.dma_semaphore, #tpu.memory_space<semaphore_mem>>
        %dma_start3A = tpu.memref_slice %arg19[%add3A_90] : memref<321536xi32, #tpu.memory_space<vmem_shared>> -> memref<2000xi32, #tpu.memory_space<vmem_shared>>
        %dma_start3A_103 = tpu.memref_slice %arg19[%add3A_90] : memref<321536xi32, #tpu.memory_space<vmem_shared>> -> memref<2000xi32, #tpu.memory_space<vmem_shared>>
        tpu.enqueue_dma source(%dma_start3A_103 : memref<2000xi32, #tpu.memory_space<vmem_shared>>) target(%arg12 : memref<2000xi32, #tpu.memory_space<vmem>>) target_semaphore(%run_scoped3A : memref<!tpu.dma_semaphore, #tpu.memory_space<semaphore_mem>>)
        %dma_wait3A = tpu.memref_slice %arg19[%add3A_90] : memref<321536xi32, #tpu.memory_space<vmem_shared>> -> memref<2000xi32, #tpu.memory_space<vmem_shared>>
        %dma_wait3A_104 = tpu.memref_slice %arg19[%add3A_90] : memref<321536xi32, #tpu.memory_space<vmem_shared>> -> memref<2000xi32, #tpu.memory_space<vmem_shared>>
        tpu.wait_dma2 semaphore(%run_scoped3A : memref<!tpu.dma_semaphore, #tpu.memory_space<semaphore_mem>>) src(%dma_wait3A_104 : memref<2000xi32, #tpu.memory_space<vmem_shared>>) dst(%arg12 : memref<2000xi32, #tpu.memory_space<vmem>>)
        tpu.yield
      }) : () -> ()
      %mul3A_91 = arith.constant 4 : i32
      %mul3A_92 = arith.muli %add3A_90, %mul3A_91 : i32
      "tpu.region"() ({
        %run_scoped3A = tpu.sem_alloc : memref<!tpu.dma_semaphore, #tpu.memory_space<semaphore_mem>>
        %dma_start3A = tpu.memref_slice %arg2[%mul3A_92] : memref<1280000xf32, #tpu.memory_space<hbm>> -> memref<8000xf32, #tpu.memory_space<hbm>>
        %dma_start3A_103 = tpu.memref_slice %arg2[%mul3A_92] : memref<1280000xf32, #tpu.memory_space<hbm>> -> memref<8000xf32, #tpu.memory_space<hbm>>
        tpu.enqueue_dma source(%dma_start3A_103 : memref<8000xf32, #tpu.memory_space<hbm>>) target(%arg13 : memref<8000xf32, #tpu.memory_space<vmem>>) target_semaphore(%run_scoped3A : memref<!tpu.dma_semaphore, #tpu.memory_space<semaphore_mem>>)
        %dma_wait3A = tpu.memref_slice %arg2[%mul3A_92] : memref<1280000xf32, #tpu.memory_space<hbm>> -> memref<8000xf32, #tpu.memory_space<hbm>>
        %dma_wait3A_104 = tpu.memref_slice %arg2[%mul3A_92] : memref<1280000xf32, #tpu.memory_space<hbm>> -> memref<8000xf32, #tpu.memory_space<hbm>>
        tpu.wait_dma2 semaphore(%run_scoped3A : memref<!tpu.dma_semaphore, #tpu.memory_space<semaphore_mem>>) src(%dma_wait3A_104 : memref<8000xf32, #tpu.memory_space<hbm>>) dst(%arg13 : memref<8000xf32, #tpu.memory_space<vmem>>)
        tpu.yield
      }) : () -> ()
      "tpu.region"() ({
        %run_scoped3A = tpu.sem_alloc : memref<!tpu.dma_semaphore, #tpu.memory_space<semaphore_mem>>
        %dma_start3A = tpu.memref_slice %arg3[%add3A_90] : memref<320000xf32, #tpu.memory_space<hbm>> -> memref<2000xf32, #tpu.memory_space<hbm>>
        %dma_start3A_103 = tpu.memref_slice %arg3[%add3A_90] : memref<320000xf32, #tpu.memory_space<hbm>> -> memref<2000xf32, #tpu.memory_space<hbm>>
        tpu.enqueue_dma source(%dma_start3A_103 : memref<2000xf32, #tpu.memory_space<hbm>>) target(%arg15 : memref<2000xf32, #tpu.memory_space<vmem>>) target_semaphore(%run_scoped3A : memref<!tpu.dma_semaphore, #tpu.memory_space<semaphore_mem>>)
        %dma_wait3A = tpu.memref_slice %arg3[%add3A_90] : memref<320000xf32, #tpu.memory_space<hbm>> -> memref<2000xf32, #tpu.memory_space<hbm>>
        %dma_wait3A_104 = tpu.memref_slice %arg3[%add3A_90] : memref<320000xf32, #tpu.memory_space<hbm>> -> memref<2000xf32, #tpu.memory_space<hbm>>
        tpu.wait_dma2 semaphore(%run_scoped3A : memref<!tpu.dma_semaphore, #tpu.memory_space<semaphore_mem>>) src(%dma_wait3A_104 : memref<2000xf32, #tpu.memory_space<hbm>>) dst(%arg15 : memref<2000xf32, #tpu.memory_space<vmem>>)
        tpu.yield
      }) : () -> ()
      %scan3A_93 = arith.constant 0 : i32
      %scan3A_94 = arith.constant 0 : i32
      %scan3A_95 = arith.constant 125 : i32
      %scan3A_96 = arith.addi %scan3A_94, %scan3A_95 : i32
      %scan3A_97 = arith.constant 1 : i32
      %scan3A_98 = scf.for %scan3A_103 = %scan3A_94 to %scan3A_96 step %scan3A_97 iter_args(%scan3A_104 = %scan3A_93) -> (i32)  : i32 {
        %mul3A_105 = arith.constant 16 : i32
        %mul3A_106 = arith.muli %scan3A_103, %mul3A_105 : i32
        %get3A_107 = arith.index_cast %mul3A_106 : i32 to index
        %get3A_108 = tpu.vector_load %arg12[%get3A_107] {strides = array<i32>} : memref<2000xi32, #tpu.memory_space<vmem>>, vector<16xi32>,
        %get3A_109 = vector.shape_cast %get3A_108 : vector<16xi32> to vector<16xi32>
        %get3A_110 = arith.index_cast %mul3A_106 : i32 to index
        %get3A_111 = tpu.vector_load %arg15[%get3A_110] {strides = array<i32>} : memref<2000xf32, #tpu.memory_space<vmem>>, vector<16xf32>,
        %get3A_112 = vector.shape_cast %get3A_111 : vector<16xf32> to vector<16xf32>
        %gt3A = arith.constant 0 : i32
        %gt3A_113 = vector.broadcast %gt3A : i32 to vector<16xi32>
        %gt3A_114 = arith.cmpi sgt, %get3A_109, %gt3A_113 : vector<16xi32>
        %select_n3A = arith.select %gt3A_114, %get3A_53, %get3A_112 : vector<16xi1>, vector<16xf32>
        %swap3A = arith.index_cast %mul3A_106 : i32 to index
        %swap3A_115 = tpu.vector_load %arg16[%swap3A] {strides = array<i32>} : memref<2000xf32, #tpu.memory_space<vmem>>, vector<16xf32>,
        %swap3A_116 = vector.shape_cast %swap3A_115 : vector<16xf32> to vector<16xf32>
        %swap3A_117 = vector.shape_cast %select_n3A : vector<16xf32> to vector<16xf32>
        tpu.vector_store %arg16[%swap3A], %swap3A_117 {strides = array<i32>} : memref<2000xf32, #tpu.memory_space<vmem>>, vector<16xf32>,
        %broadcast_in_dim3A = vector.shape_cast %add3A_58 : vector<16xi32> to vector<16x1xi32>
        %gather3A = vector.shape_cast %broadcast_in_dim3A : vector<16x1xi32> to vector<16xi32>
        %gather3A_118 = tpu.dynamic_gather %get3A_109[%gather3A] in [0] : vector<16xi32>, vector<16xi32> -> vector<16xi32>
        %mul3A_119 = arith.constant 4 : i32
        %mul3A_120 = arith.muli %mul3A_106, %mul3A_119 : i32
        %add3A_121 = arith.constant 0 : i32
        %add3A_122 = arith.addi %mul3A_120, %add3A_121 : i32
        %get3A_123 = arith.index_cast %add3A_122 : i32 to index
        %get3A_124 = tpu.vector_load %arg13[%get3A_123] {strides = array<i32>} : memref<8000xf32, #tpu.memory_space<vmem>>, vector<16xf32>,
        %get3A_125 = vector.shape_cast %get3A_124 : vector<16xf32> to vector<16xf32>
        %gt3A_126 = arith.constant 0 : i32
        %gt3A_127 = vector.broadcast %gt3A_126 : i32 to vector<16xi32>
        %gt3A_128 = arith.cmpi sgt, %gather3A_118, %gt3A_127 : vector<16xi32>
        %select_n3A_129 = arith.select %gt3A_128, %get3A_50, %get3A_125 : vector<16xi1>, vector<16xf32>
        %swap3A_130 = arith.index_cast %add3A_122 : i32 to index
        %swap3A_131 = tpu.vector_load %arg14[%swap3A_130] {strides = array<i32>} : memref<8000xf32, #tpu.memory_space<vmem>>, vector<16xf32>,
        %swap3A_132 = vector.shape_cast %swap3A_131 : vector<16xf32> to vector<16xf32>
        %swap3A_133 = vector.shape_cast %select_n3A_129 : vector<16xf32> to vector<16xf32>
        tpu.vector_store %arg14[%swap3A_130], %swap3A_133 {strides = array<i32>} : memref<8000xf32, #tpu.memory_space<vmem>>, vector<16xf32>,
        %broadcast_in_dim3A_134 = vector.shape_cast %add3A_64 : vector<16xi32> to vector<16x1xi32>
        %gather3A_135 = vector.shape_cast %broadcast_in_dim3A_134 : vector<16x1xi32> to vector<16xi32>
        %gather3A_136 = tpu.dynamic_gather %get3A_109[%gather3A_135] in [0] : vector<16xi32>, vector<16xi32> -> vector<16xi32>
        %mul3A_137 = arith.constant 4 : i32
        %mul3A_138 = arith.muli %mul3A_106, %mul3A_137 : i32
        %add3A_139 = arith.constant 16 : i32
        %add3A_140 = arith.addi %mul3A_138, %add3A_139 : i32
        %get3A_141 = arith.index_cast %add3A_140 : i32 to index
        %get3A_142 = tpu.vector_load %arg13[%get3A_141] {strides = array<i32>} : memref<8000xf32, #tpu.memory_space<vmem>>, vector<16xf32>,
        %get3A_143 = vector.shape_cast %get3A_142 : vector<16xf32> to vector<16xf32>
        %gt3A_144 = arith.constant 0 : i32
        %gt3A_145 = vector.broadcast %gt3A_144 : i32 to vector<16xi32>
        %gt3A_146 = arith.cmpi sgt, %gather3A_136, %gt3A_145 : vector<16xi32>
        %select_n3A_147 = arith.select %gt3A_146, %get3A_50, %get3A_143 : vector<16xi1>, vector<16xf32>
        %swap3A_148 = arith.index_cast %add3A_140 : i32 to index
        %swap3A_149 = tpu.vector_load %arg14[%swap3A_148] {strides = array<i32>} : memref<8000xf32, #tpu.memory_space<vmem>>, vector<16xf32>,
        %swap3A_150 = vector.shape_cast %swap3A_149 : vector<16xf32> to vector<16xf32>
        %swap3A_151 = vector.shape_cast %select_n3A_147 : vector<16xf32> to vector<16xf32>
        tpu.vector_store %arg14[%swap3A_148], %swap3A_151 {strides = array<i32>} : memref<8000xf32, #tpu.memory_space<vmem>>, vector<16xf32>,
        %broadcast_in_dim3A_152 = vector.shape_cast %add3A_70 : vector<16xi32> to vector<16x1xi32>
        %gather3A_153 = vector.shape_cast %broadcast_in_dim3A_152 : vector<16x1xi32> to vector<16xi32>
        %gather3A_154 = tpu.dynamic_gather %get3A_109[%gather3A_153] in [0] : vector<16xi32>, vector<16xi32> -> vector<16xi32>
        %mul3A_155 = arith.constant 4 : i32
        %mul3A_156 = arith.muli %mul3A_106, %mul3A_155 : i32
        %add3A_157 = arith.constant 32 : i32
        %add3A_158 = arith.addi %mul3A_156, %add3A_157 : i32
        %get3A_159 = arith.index_cast %add3A_158 : i32 to index
        %get3A_160 = tpu.vector_load %arg13[%get3A_159] {strides = array<i32>} : memref<8000xf32, #tpu.memory_space<vmem>>, vector<16xf32>,
        %get3A_161 = vector.shape_cast %get3A_160 : vector<16xf32> to vector<16xf32>
        %gt3A_162 = arith.constant 0 : i32
        %gt3A_163 = vector.broadcast %gt3A_162 : i32 to vector<16xi32>
        %gt3A_164 = arith.cmpi sgt, %gather3A_154, %gt3A_163 : vector<16xi32>
        %select_n3A_165 = arith.select %gt3A_164, %get3A_50, %get3A_161 : vector<16xi1>, vector<16xf32>
        %swap3A_166 = arith.index_cast %add3A_158 : i32 to index
        %swap3A_167 = tpu.vector_load %arg14[%swap3A_166] {strides = array<i32>} : memref<8000xf32, #tpu.memory_space<vmem>>, vector<16xf32>,
        %swap3A_168 = vector.shape_cast %swap3A_167 : vector<16xf32> to vector<16xf32>
        %swap3A_169 = vector.shape_cast %select_n3A_165 : vector<16xf32> to vector<16xf32>
        tpu.vector_store %arg14[%swap3A_166], %swap3A_169 {strides = array<i32>} : memref<8000xf32, #tpu.memory_space<vmem>>, vector<16xf32>,
        %broadcast_in_dim3A_170 = vector.shape_cast %add3A_76 : vector<16xi32> to vector<16x1xi32>
        %gather3A_171 = vector.shape_cast %broadcast_in_dim3A_170 : vector<16x1xi32> to vector<16xi32>
        %gather3A_172 = tpu.dynamic_gather %get3A_109[%gather3A_171] in [0] : vector<16xi32>, vector<16xi32> -> vector<16xi32>
        %mul3A_173 = arith.constant 4 : i32
        %mul3A_174 = arith.muli %mul3A_106, %mul3A_173 : i32
        %add3A_175 = arith.constant 48 : i32
        %add3A_176 = arith.addi %mul3A_174, %add3A_175 : i32
        %get3A_177 = arith.index_cast %add3A_176 : i32 to index
        %get3A_178 = tpu.vector_load %arg13[%get3A_177] {strides = array<i32>} : memref<8000xf32, #tpu.memory_space<vmem>>, vector<16xf32>,
        %get3A_179 = vector.shape_cast %get3A_178 : vector<16xf32> to vector<16xf32>
        %gt3A_180 = arith.constant 0 : i32
        %gt3A_181 = vector.broadcast %gt3A_180 : i32 to vector<16xi32>
        %gt3A_182 = arith.cmpi sgt, %gather3A_172, %gt3A_181 : vector<16xi32>
        %select_n3A_183 = arith.select %gt3A_182, %get3A_50, %get3A_179 : vector<16xi1>, vector<16xf32>
        %swap3A_184 = arith.index_cast %add3A_176 : i32 to index
        %swap3A_185 = tpu.vector_load %arg14[%swap3A_184] {strides = array<i32>} : memref<8000xf32, #tpu.memory_space<vmem>>, vector<16xf32>,
        %swap3A_186 = vector.shape_cast %swap3A_185 : vector<16xf32> to vector<16xf32>
        %swap3A_187 = vector.shape_cast %select_n3A_183 : vector<16xf32> to vector<16xf32>
        tpu.vector_store %arg14[%swap3A_184], %swap3A_187 {strides = array<i32>} : memref<8000xf32, #tpu.memory_space<vmem>>, vector<16xf32>,
        %scan3A_188 = arith.constant 0 : i32
        scf.yield %scan3A_188 : i32
      }
      %scan3A_99 = arith.constant 125 : i32
      %mul3A_100 = arith.constant 4 : i32
      %mul3A_101 = arith.muli %add3A_90, %mul3A_100 : i32
      "tpu.region"() ({
        %run_scoped3A = tpu.sem_alloc : memref<!tpu.dma_semaphore, #tpu.memory_space<semaphore_mem>>
        %dma_start3A = tpu.memref_slice %arg7[%mul3A_101] : memref<1280000xf32, #tpu.memory_space<hbm>> -> memref<8000xf32, #tpu.memory_space<hbm>>
        %dma_start3A_103 = tpu.memref_slice %arg7[%mul3A_101] : memref<1280000xf32, #tpu.memory_space<hbm>> -> memref<8000xf32, #tpu.memory_space<hbm>>
        tpu.enqueue_dma source(%arg14 : memref<8000xf32, #tpu.memory_space<vmem>>) target(%dma_start3A_103 : memref<8000xf32, #tpu.memory_space<hbm>>) target_semaphore(%run_scoped3A : memref<!tpu.dma_semaphore, #tpu.memory_space<semaphore_mem>>)
        %dma_wait3A = tpu.memref_slice %arg7[%mul3A_101] : memref<1280000xf32, #tpu.memory_space<hbm>> -> memref<8000xf32, #tpu.memory_space<hbm>>
        %dma_wait3A_104 = tpu.memref_slice %arg7[%mul3A_101] : memref<1280000xf32, #tpu.memory_space<hbm>> -> memref<8000xf32, #tpu.memory_space<hbm>>
        tpu.wait_dma2 semaphore(%run_scoped3A : memref<!tpu.dma_semaphore, #tpu.memory_space<semaphore_mem>>) src(%arg14 : memref<8000xf32, #tpu.memory_space<vmem>>) dst(%dma_wait3A_104 : memref<8000xf32, #tpu.memory_space<hbm>>)
        tpu.yield
      }) : () -> ()
      "tpu.region"() ({
        %run_scoped3A = tpu.sem_alloc : memref<!tpu.dma_semaphore, #tpu.memory_space<semaphore_mem>>
        %dma_start3A = tpu.memref_slice %arg8[%add3A_90] : memref<320000xf32, #tpu.memory_space<hbm>> -> memref<2000xf32, #tpu.memory_space<hbm>>
        %dma_start3A_103 = tpu.memref_slice %arg8[%add3A_90] : memref<320000xf32, #tpu.memory_space<hbm>> -> memref<2000xf32, #tpu.memory_space<hbm>>
        tpu.enqueue_dma source(%arg16 : memref<2000xf32, #tpu.memory_space<vmem>>) target(%dma_start3A_103 : memref<2000xf32, #tpu.memory_space<hbm>>) target_semaphore(%run_scoped3A : memref<!tpu.dma_semaphore, #tpu.memory_space<semaphore_mem>>)
        %dma_wait3A = tpu.memref_slice %arg8[%add3A_90] : memref<320000xf32, #tpu.memory_space<hbm>> -> memref<2000xf32, #tpu.memory_space<hbm>>
        %dma_wait3A_104 = tpu.memref_slice %arg8[%add3A_90] : memref<320000xf32, #tpu.memory_space<hbm>> -> memref<2000xf32, #tpu.memory_space<hbm>>
        tpu.wait_dma2 semaphore(%run_scoped3A : memref<!tpu.dma_semaphore, #tpu.memory_space<semaphore_mem>>) src(%arg16 : memref<2000xf32, #tpu.memory_space<vmem>>) dst(%dma_wait3A_104 : memref<2000xf32, #tpu.memory_space<hbm>>)
        tpu.yield
      }) : () -> ()
      %scan3A_102 = arith.constant 0 : i32
      scf.yield %scan3A_102 : i32
    }
    %scan3A_85 = arith.constant 5 : i32
    return
  }
}

module attributes {stable_mosaic.version = 14 : i64} {
  func.func @_topk_body(%arg0: memref<10112x128xf32, #tpu.memory_space<vmem>>, %arg1: memref<128x128xf32, #tpu.memory_space<vmem>>, %arg2: memref<128xf32, #tpu.memory_space<vmem>>, %arg3: memref<128x1xf32, #tpu.memory_space<vmem>>, %arg4: memref<1xf32, #tpu.memory_space<vmem>>, %arg5: memref<128xf32, #tpu.memory_space<vmem>>, %arg6: memref<10112x128xf32, #tpu.memory_space<vmem>>, %arg7: memref<1x1024xi32, #tpu.memory_space<vmem>>, %arg8: memref<128x128xf32, #tpu.memory_space<vmem>>, %arg9: memref<16x1024xf32, #tpu.memory_space<vmem>>) attributes {dimension_semantics = [], scalar_prefetch = 0 : i64, scratch_operands = 2 : i64, tpu.core_type = #tpu.core_type<tc>} {
    %get3A = arith.constant 0 : index
    %get3A_0 = arith.constant 0 : index
    %get3A_1 = vector.load %arg1[%get3A, %get3A_0] : memref<128x128xf32, #tpu.memory_space<vmem>>, vector<128x128xf32>
    %get3A_2 = arith.constant 0 : index
    %get3A_3 = vector.load %arg2[%get3A_2] : memref<128xf32, #tpu.memory_space<vmem>>, vector<128xf32>
    %get3A_4 = arith.constant 0 : index
    %get3A_5 = arith.constant 0 : index
    %get3A_6 = vector.load %arg3[%get3A_4, %get3A_5] : memref<128x1xf32, #tpu.memory_space<vmem>>, vector<128x1xf32>
    %get3A_7 = arith.constant 0 : index
    %get3A_8 = vector.load %arg4[%get3A_7] : memref<1xf32, #tpu.memory_space<vmem>>, vector<1xf32>
    %iota3A = tpu.iota {dimensions = array<i32: 0>} : vector<128x128xi32>
    %iota3A_9 = tpu.iota {dimensions = array<i32: 1>} : vector<128x128xi32>
    %eq3A = arith.cmpi eq, %iota3A, %iota3A_9 : vector<128x128xi32>
    %convert_element_type3A = arith.extui %eq3A : vector<128x128xi1> to vector<128x128xi32>
    %convert_element_type3A_10 = arith.sitofp %convert_element_type3A : vector<128x128xi32> to vector<128x128xf32>
    %iota3A_11 = tpu.iota {dimensions = array<i32: 0>} : vector<128x1xi32>
    %iota3A_12 = tpu.iota {dimensions = array<i32: 0>} : vector<16x1xi32>
    %iota3A_13 = tpu.iota {dimensions = array<i32: 1>} : vector<1x1024xi32>
    %jit3A = arith.constant 128 : i32
    %div3A = vector.broadcast %jit3A : i32 to vector<1x1024xi32>
    %div3A_14 = arith.divsi %iota3A_13, %div3A : vector<1x1024xi32>
    %sign3A = arith.constant 0 : i32
    %sign3A_15 = vector.broadcast %sign3A : i32 to vector<1x1024xi32>
    %sign3A_16 = arith.cmpi sgt, %iota3A_13, %sign3A_15 : vector<1x1024xi32>
    %sign3A_17 = arith.extui %sign3A_16 : vector<1x1024xi1> to vector<1x1024xi32>
    %sign3A_18 = arith.constant 0 : i32
    %sign3A_19 = vector.broadcast %sign3A_18 : i32 to vector<1x1024xi32>
    %sign3A_20 = arith.cmpi slt, %iota3A_13, %sign3A_19 : vector<1x1024xi32>
    %sign3A_21 = arith.extui %sign3A_20 : vector<1x1024xi1> to vector<1x1024xi32>
    %sign3A_22 = arith.subi %sign3A_17, %sign3A_21 : vector<1x1024xi32>
    %sign3A_23 = arith.constant 0 : i32
    %sign3A_24 = arith.cmpi sgt, %jit3A, %sign3A_23 : i32
    %sign3A_25 = arith.extui %sign3A_24 : i1 to i32
    %sign3A_26 = arith.constant 0 : i32
    %sign3A_27 = arith.cmpi slt, %jit3A, %sign3A_26 : i32
    %sign3A_28 = arith.extui %sign3A_27 : i1 to i32
    %sign3A_29 = arith.subi %sign3A_25, %sign3A_28 : i32
    %ne3A = vector.broadcast %sign3A_29 : i32 to vector<1x1024xi32>
    %ne3A_30 = arith.cmpi ne, %sign3A_22, %ne3A : vector<1x1024xi32>
    %rem3A = vector.broadcast %jit3A : i32 to vector<1x1024xi32>
    %rem3A_31 = arith.remsi %iota3A_13, %rem3A : vector<1x1024xi32>
    %ne3A_32 = arith.constant 0 : i32
    %ne3A_33 = vector.broadcast %ne3A_32 : i32 to vector<1x1024xi32>
    %ne3A_34 = arith.cmpi ne, %rem3A_31, %ne3A_33 : vector<1x1024xi32>
    %and3A = arith.andi %ne3A_30, %ne3A_34 : vector<1x1024xi1>
    %sub3A = arith.constant 1 : i32
    %sub3A_35 = vector.broadcast %sub3A : i32 to vector<1x1024xi32>
    %sub3A_36 = arith.subi %div3A_14, %sub3A_35 : vector<1x1024xi32>
    %select_n3A = arith.select %and3A, %sub3A_36, %div3A_14 : vector<1x1024xi1>, vector<1x1024xi32>
    %broadcast_in_dim3A = arith.constant 0.000000e+00 : f32
    %broadcast_in_dim3A_37 = vector.broadcast %broadcast_in_dim3A : f32 to vector<128x128xf32>
    %broadcast_in_dim3A_38 = arith.constant 0.000000e+00 : f32
    %broadcast_in_dim3A_39 = vector.broadcast %broadcast_in_dim3A_38 : f32 to vector<16x1024xf32>
    %scan3A = arith.constant 0 : i32
    %scan3A_40 = arith.constant 79 : i32
    %scan3A_41 = arith.addi %scan3A, %scan3A_40 : i32
    %scan3A_42 = arith.constant 1 : i32
    %scan3A_43:2 = scf.for %scan3A_70 = %scan3A to %scan3A_41 step %scan3A_42 iter_args(%scan3A_71 = %broadcast_in_dim3A_37, %scan3A_72 = %broadcast_in_dim3A_39) -> (vector<128x128xf32>, vector<16x1024xf32>)  : i32 {
      %mul3A = arith.constant 128 : i32
      %mul3A_73 = arith.muli %scan3A_70, %mul3A : i32
      %get3A_74 = arith.index_cast %mul3A_73 : i32 to index
      %get3A_75 = arith.constant 0 : index
      %get3A_76 = vector.load %arg0[%get3A_74, %get3A_75] : memref<10112x128xf32, #tpu.memory_space<vmem>>, vector<128x128xf32>
      %dot_general3A = arith.constant dense<0.000000e+00> : vector<128x128xf32>
      %dot_general3A_77 = tpu.matmul %get3A_76, %get3A_1, %dot_general3A {dimension_numbers = #tpu.dot_dimension_numbers<[1], [0], [0], [1], [0, 0, 1, 1], [], []>, transpose_lhs_hint = false} : vector<128x128xf32>, vector<128x128xf32>, vector<128x128xf32> -> vector<128x128xf32>
      %broadcast_in_dim3A_78 = vector.shape_cast %get3A_3 : vector<128xf32> to vector<1x128xf32>
      %add3A = vector.broadcast %broadcast_in_dim3A_78 : vector<1x128xf32> to vector<128x128xf32>
      %add3A_79 = arith.addf %dot_general3A_77, %add3A : vector<128x128xf32>
      %max3A = arith.constant 0.000000e+00 : f32
      %max3A_80 = vector.broadcast %max3A : f32 to vector<128x128xf32>
      %max3A_81 = arith.maximumf %add3A_79, %max3A_80 : vector<128x128xf32>
      %dot_general3A_82 = arith.constant dense<0.000000e+00> : vector<128x1xf32>
      %dot_general3A_83 = tpu.matmul %max3A_81, %get3A_6, %dot_general3A_82 {dimension_numbers = #tpu.dot_dimension_numbers<[1], [0], [0], [1], [0, 0, 1, 1], [], []>, transpose_lhs_hint = false} : vector<128x128xf32>, vector<128x1xf32>, vector<128x1xf32> -> vector<128x1xf32>
      %broadcast_in_dim3A_84 = vector.shape_cast %get3A_8 : vector<1xf32> to vector<1x1xf32>
      %add3A_85 = vector.broadcast %broadcast_in_dim3A_84 : vector<1x1xf32> to vector<128x1xf32>
      %add3A_86 = arith.addf %dot_general3A_83, %add3A_85 : vector<128x1xf32>
      %logistic3A = arith.negf %add3A_86 : vector<128x1xf32>
      %logistic3A_87 = math.exp %logistic3A : vector<128x1xf32>
      %logistic3A_88 = arith.constant 1.000000e+00 : f32
      %logistic3A_89 = vector.broadcast %logistic3A_88 : f32 to vector<128x1xf32>
      %logistic3A_90 = arith.addf %logistic3A_89, %logistic3A_87 : vector<128x1xf32>
      %logistic3A_91 = arith.divf %logistic3A_89, %logistic3A_90 : vector<128x1xf32>
      %mul3A_92 = arith.constant 128 : i32
      %mul3A_93 = arith.muli %scan3A_70, %mul3A_92 : i32
      %add3A_94 = vector.broadcast %mul3A_93 : i32 to vector<128x1xi32>
      %add3A_95 = arith.addi %add3A_94, %iota3A_11 : vector<128x1xi32>
      %lt3A = arith.constant 10000 : i32
      %lt3A_96 = vector.broadcast %lt3A : i32 to vector<128x1xi32>
      %lt3A_97 = arith.cmpi slt, %add3A_95, %lt3A_96 : vector<128x1xi32>
      %jit3A_98 = arith.constant 0.000000e+00 : f32
      %broadcast_in_dim3A_99 = vector.broadcast %jit3A_98 : f32 to vector<128x1xf32>
      %select_n3A_100 = arith.select %lt3A_97, %logistic3A_91, %broadcast_in_dim3A_99 : vector<128x1xi1>, vector<128x1xf32>
      %dot_general3A_101 = arith.constant dense<0.000000e+00> : vector<1x128xf32>
      %dot_general3A_102 = tpu.matmul %select_n3A_100, %convert_element_type3A_10, %dot_general3A_101 {dimension_numbers = #tpu.dot_dimension_numbers<[0], [0], [1], [1], [0, 1, 1, 1], [], []>, precision = #tpu.contract_precision<fp32>, transpose_lhs_hint = false} : vector<128x1xf32>, vector<128x128xf32>, vector<1x128xf32> -> vector<1x128xf32>
      %eq3A_103 = vector.broadcast %scan3A_70 : i32 to vector<128x1xi32>
      %eq3A_104 = arith.cmpi eq, %iota3A_11, %eq3A_103 : vector<128x1xi32>
      %broadcast_in_dim3A_105 = vector.shape_cast %eq3A_104 : vector<128x1xi1> to vector<128x1xi1>
      %broadcast_in_dim3A_106 = vector.broadcast %broadcast_in_dim3A_105 : vector<128x1xi1> to vector<128x128xi1>
      %broadcast_in_dim3A_107 = vector.shape_cast %dot_general3A_102 : vector<1x128xf32> to vector<1x128xf32>
      %broadcast_in_dim3A_108 = vector.broadcast %broadcast_in_dim3A_107 : vector<1x128xf32> to vector<128x128xf32>
      %select_n3A_109 = arith.select %broadcast_in_dim3A_106, %broadcast_in_dim3A_108, %scan3A_71 : vector<128x128xi1>, vector<128x128xf32>
      %concatenate3A = tpu.concatenate %dot_general3A_102, %dot_general3A_102, %dot_general3A_102, %dot_general3A_102, %dot_general3A_102, %dot_general3A_102, %dot_general3A_102, %dot_general3A_102 in 1 : vector<1x128xf32>, vector<1x128xf32>, vector<1x128xf32>, vector<1x128xf32>, vector<1x128xf32>, vector<1x128xf32>, vector<1x128xf32>, vector<1x128xf32> -> vector<1x1024xf32>
      %jit3A_110 = arith.constant 8 : i32
      %div3A_111 = arith.divsi %scan3A_70, %jit3A_110 : i32
      %sign3A_112 = arith.constant 0 : i32
      %sign3A_113 = arith.cmpi sgt, %scan3A_70, %sign3A_112 : i32
      %sign3A_114 = arith.extui %sign3A_113 : i1 to i32
      %sign3A_115 = arith.constant 0 : i32
      %sign3A_116 = arith.cmpi slt, %scan3A_70, %sign3A_115 : i32
      %sign3A_117 = arith.extui %sign3A_116 : i1 to i32
      %sign3A_118 = arith.subi %sign3A_114, %sign3A_117 : i32
      %sign3A_119 = arith.constant 0 : i32
      %sign3A_120 = arith.cmpi sgt, %jit3A_110, %sign3A_119 : i32
      %sign3A_121 = arith.extui %sign3A_120 : i1 to i32
      %sign3A_122 = arith.constant 0 : i32
      %sign3A_123 = arith.cmpi slt, %jit3A_110, %sign3A_122 : i32
      %sign3A_124 = arith.extui %sign3A_123 : i1 to i32
      %sign3A_125 = arith.subi %sign3A_121, %sign3A_124 : i32
      %ne3A_126 = arith.cmpi ne, %sign3A_118, %sign3A_125 : i32
      %rem3A_127 = arith.remsi %scan3A_70, %jit3A_110 : i32
      %ne3A_128 = arith.constant 0 : i32
      %ne3A_129 = arith.cmpi ne, %rem3A_127, %ne3A_128 : i32
      %and3A_130 = arith.andi %ne3A_126, %ne3A_129 : i1
      %sub3A_131 = arith.constant 1 : i32
      %sub3A_132 = arith.subi %div3A_111, %sub3A_131 : i32
      %select_n3A_133 = arith.select %and3A_130, %sub3A_132, %div3A_111 : i32
      %eq3A_134 = vector.broadcast %select_n3A_133 : i32 to vector<16x1xi32>
      %eq3A_135 = arith.cmpi eq, %iota3A_12, %eq3A_134 : vector<16x1xi32>
      %jit3A_136 = arith.constant 8 : i32
      %eq3A_137 = arith.constant 0 : i32
      %eq3A_138 = arith.cmpi eq, %jit3A_136, %eq3A_137 : i32
      %jit3A_139 = arith.constant 1 : i32
      %select_n3A_140 = arith.select %eq3A_138, %jit3A_139, %jit3A_136 : i32
      %rem3A_141 = arith.remsi %scan3A_70, %select_n3A_140 : i32
      %ne3A_142 = arith.constant 0 : i32
      %ne3A_143 = arith.cmpi ne, %rem3A_141, %ne3A_142 : i32
      %lt3A_144 = arith.constant 0 : i32
      %lt3A_145 = arith.cmpi slt, %rem3A_141, %lt3A_144 : i32
      %lt3A_146 = arith.constant 0 : i32
      %lt3A_147 = arith.cmpi slt, %select_n3A_140, %lt3A_146 : i32
      %ne3A_148 = arith.xori %lt3A_145, %lt3A_147 : i1
      %and3A_149 = arith.andi %ne3A_148, %ne3A_143 : i1
      %add3A_150 = arith.addi %rem3A_141, %select_n3A_140 : i32
      %select_n3A_151 = arith.select %and3A_149, %add3A_150, %rem3A_141 : i32
      %eq3A_152 = vector.broadcast %select_n3A_151 : i32 to vector<1x1024xi32>
      %eq3A_153 = arith.cmpi eq, %select_n3A, %eq3A_152 : vector<1x1024xi32>
      %and3A_154 = vector.broadcast %eq3A_135 : vector<16x1xi1> to vector<16x1024xi1>
      %and3A_155 = vector.broadcast %eq3A_153 : vector<1x1024xi1> to vector<16x1024xi1>
      %and3A_156 = arith.andi %and3A_154, %and3A_155 : vector<16x1024xi1>
      %broadcast_in_dim3A_157 = vector.shape_cast %concatenate3A : vector<1x1024xf32> to vector<1x1024xf32>
      %broadcast_in_dim3A_158 = vector.broadcast %broadcast_in_dim3A_157 : vector<1x1024xf32> to vector<16x1024xf32>
      %select_n3A_159 = arith.select %and3A_156, %broadcast_in_dim3A_158, %scan3A_72 : vector<16x1024xi1>, vector<16x1024xf32>
      scf.yield %select_n3A_109, %select_n3A_159 : vector<128x128xf32>, vector<16x1024xf32>
    }
    %scan3A_44 = arith.constant 79 : i32
    %swap3A = arith.constant 0 : index
    %swap3A_45 = arith.constant 0 : index
    %swap3A_46 = vector.load %arg8[%swap3A, %swap3A_45] : memref<128x128xf32, #tpu.memory_space<vmem>>, vector<128x128xf32>
    tpu.vector_store %arg8[%swap3A, %swap3A_45], %scan3A_43#0 {strides = array<i32>} : memref<128x128xf32, #tpu.memory_space<vmem>>, vector<128x128xf32>,
    %swap3A_47 = arith.constant 0 : index
    %swap3A_48 = arith.constant 0 : index
    %swap3A_49 = vector.load %arg9[%swap3A_47, %swap3A_48] : memref<16x1024xf32, #tpu.memory_space<vmem>>, vector<16x1024xf32>
    tpu.vector_store %arg9[%swap3A_47, %swap3A_48], %scan3A_43#1 {strides = array<i32>} : memref<16x1024xf32, #tpu.memory_space<vmem>>, vector<16x1024xf32>,
    %broadcast_in_dim3A_50 = arith.constant 1.000000e+00 : f32
    %broadcast_in_dim3A_51 = vector.broadcast %broadcast_in_dim3A_50 : f32 to vector<1024x1xf32>
    %get3A_52 = arith.constant 0 : index
    %get3A_53 = vector.load %arg5[%get3A_52] : memref<128xf32, #tpu.memory_space<vmem>>, vector<128xf32>
    %broadcast_in_dim3A_54 = vector.shape_cast %get3A_53 : vector<128xf32> to vector<1x128xf32>
    %iota3A_55 = tpu.iota {dimensions = array<i32: 1>} : vector<1x1024xi32>
    %convert_element_type3A_56 = arith.sitofp %iota3A_55 : vector<1x1024xi32> to vector<1x1024xf32>
    %iota3A_57 = tpu.iota {dimensions = array<i32: 1>} : vector<1x1024xi32>
    %broadcast_in_dim3A_58 = arith.constant 0.000000e+00 : f32
    %broadcast_in_dim3A_59 = vector.broadcast %broadcast_in_dim3A_58 : f32 to vector<1x1024xf32>
    %scan3A_60 = arith.constant 0 : i32
    %scan3A_61 = arith.constant 79 : i32
    %scan3A_62 = arith.addi %scan3A_60, %scan3A_61 : i32
    %scan3A_63 = arith.constant 1 : i32
    %scan3A_64 = scf.for %scan3A_70 = %scan3A_60 to %scan3A_62 step %scan3A_63 iter_args(%scan3A_71 = %broadcast_in_dim3A_59) -> (vector<1x1024xf32>)  : i32 {
      %get3A_72 = arith.index_cast %scan3A_70 : i32 to index
      %get3A_73 = arith.constant 0 : index
      %get3A_74 = vector.load %arg8[%get3A_72, %get3A_73] : memref<128x128xf32, #tpu.memory_space<vmem>>, vector<1x128xf32>
      %dot_general3A = arith.constant dense<0.000000e+00> : vector<128x1xf32>
      %dot_general3A_75 = tpu.matmul %convert_element_type3A_10, %get3A_74, %dot_general3A {dimension_numbers = #tpu.dot_dimension_numbers<[1], [1], [0], [0], [0, 0, 1, 0], [], []>, precision = #tpu.contract_precision<fp32>, transpose_lhs_hint = false} : vector<128x128xf32>, vector<1x128xf32>, vector<128x1xf32> -> vector<128x1xf32>
      %mul3A = arith.constant 128 : i32
      %mul3A_76 = arith.muli %scan3A_70, %mul3A : i32
      %add3A = vector.broadcast %mul3A_76 : i32 to vector<128x1xi32>
      %add3A_77 = arith.addi %add3A, %iota3A_11 : vector<128x1xi32>
      %broadcast_in_dim3A_78 = arith.constant 0.000000e+00 : f32
      %broadcast_in_dim3A_79 = vector.broadcast %broadcast_in_dim3A_78 : f32 to vector<128x1xf32>
      %scan3A_80 = arith.constant 0 : i32
      %scan3A_81 = arith.constant 16 : i32
      %scan3A_82 = arith.addi %scan3A_80, %scan3A_81 : i32
      %scan3A_83 = arith.constant 1 : i32
      %scan3A_84 = scf.for %scan3A_117 = %scan3A_80 to %scan3A_82 step %scan3A_83 iter_args(%scan3A_118 = %broadcast_in_dim3A_79) -> (vector<128x1xf32>)  : i32 {
        %get3A_119 = arith.index_cast %scan3A_117 : i32 to index
        %get3A_120 = arith.constant 0 : index
        %get3A_121 = vector.load %arg9[%get3A_119, %get3A_120] : memref<16x1024xf32, #tpu.memory_space<vmem>>, vector<1x1024xf32>
        %mul3A_122 = arith.constant 1024 : i32
        %mul3A_123 = arith.muli %scan3A_117, %mul3A_122 : i32
        %add3A_124 = vector.broadcast %mul3A_123 : i32 to vector<1x1024xi32>
        %add3A_125 = arith.addi %add3A_124, %iota3A_57 : vector<1x1024xi32>
        %gt3A = vector.broadcast %get3A_121 : vector<1x1024xf32> to vector<128x1024xf32>
        %gt3A_126 = vector.broadcast %dot_general3A_75 : vector<128x1xf32> to vector<128x1024xf32>
        %gt3A_127 = arith.cmpf ogt, %gt3A, %gt3A_126 : vector<128x1024xf32>
        %eq3A_128 = vector.broadcast %get3A_121 : vector<1x1024xf32> to vector<128x1024xf32>
        %eq3A_129 = vector.broadcast %dot_general3A_75 : vector<128x1xf32> to vector<128x1024xf32>
        %eq3A_130 = arith.cmpf oeq, %eq3A_128, %eq3A_129 : vector<128x1024xf32>
        %lt3A_131 = vector.broadcast %add3A_125 : vector<1x1024xi32> to vector<128x1024xi32>
        %lt3A_132 = vector.broadcast %add3A_77 : vector<128x1xi32> to vector<128x1024xi32>
        %lt3A_133 = arith.cmpi slt, %lt3A_131, %lt3A_132 : vector<128x1024xi32>
        %and3A_134 = arith.andi %eq3A_130, %lt3A_133 : vector<128x1024xi1>
        %or3A = arith.ori %gt3A_127, %and3A_134 : vector<128x1024xi1>
        %jit3A_135 = arith.constant 1.000000e+00 : f32
        %jit3A_136 = arith.constant 0.000000e+00 : f32
        %broadcast_in_dim3A_137 = vector.broadcast %jit3A_135 : f32 to vector<128x1024xf32>
        %broadcast_in_dim3A_138 = vector.broadcast %jit3A_136 : f32 to vector<128x1024xf32>
        %select_n3A_139 = arith.select %or3A, %broadcast_in_dim3A_137, %broadcast_in_dim3A_138 : vector<128x1024xi1>, vector<128x1024xf32>
        %dot_general3A_140 = arith.constant dense<0.000000e+00> : vector<128x1xf32>
        %dot_general3A_141 = tpu.matmul %select_n3A_139, %broadcast_in_dim3A_51, %dot_general3A_140 {dimension_numbers = #tpu.dot_dimension_numbers<[1], [0], [0], [1], [0, 0, 1, 1], [], []>, transpose_lhs_hint = false} : vector<128x1024xf32>, vector<1024x1xf32>, vector<128x1xf32> -> vector<128x1xf32>
        %add3A_142 = arith.addf %scan3A_118, %dot_general3A_141 : vector<128x1xf32>
        scf.yield %add3A_142 : vector<128x1xf32>
      }
      %scan3A_85 = arith.constant 16 : i32
      %lt3A = arith.constant 9.710000e+02 : f32
      %lt3A_86 = vector.broadcast %lt3A : f32 to vector<128x1xf32>
      %lt3A_87 = arith.cmpf olt, %scan3A_84, %lt3A_86 : vector<128x1xf32>
      %mul3A_88 = arith.constant 128 : i32
      %mul3A_89 = arith.muli %scan3A_70, %mul3A_88 : i32
      %get3A_90 = arith.index_cast %mul3A_89 : i32 to index
      %get3A_91 = arith.constant 0 : index
      %get3A_92 = vector.load %arg0[%get3A_90, %get3A_91] : memref<10112x128xf32, #tpu.memory_space<vmem>>, vector<128x128xf32>
      %broadcast_in_dim3A_93 = vector.shape_cast %lt3A_87 : vector<128x1xi1> to vector<128x1xi1>
      %broadcast_in_dim3A_94 = vector.broadcast %broadcast_in_dim3A_93 : vector<128x1xi1> to vector<128x128xi1>
      %broadcast_in_dim3A_95 = vector.shape_cast %broadcast_in_dim3A_54 : vector<1x128xf32> to vector<1x128xf32>
      %broadcast_in_dim3A_96 = vector.broadcast %broadcast_in_dim3A_95 : vector<1x128xf32> to vector<128x128xf32>
      %select_n3A_97 = arith.select %broadcast_in_dim3A_94, %broadcast_in_dim3A_96, %get3A_92 : vector<128x128xi1>, vector<128x128xf32>
      %mul3A_98 = arith.constant 128 : i32
      %mul3A_99 = arith.muli %scan3A_70, %mul3A_98 : i32
      %swap3A_100 = arith.index_cast %mul3A_99 : i32 to index
      %swap3A_101 = arith.constant 0 : index
      %swap3A_102 = vector.load %arg6[%swap3A_100, %swap3A_101] : memref<10112x128xf32, #tpu.memory_space<vmem>>, vector<128x128xf32>
      tpu.vector_store %arg6[%swap3A_100, %swap3A_101], %select_n3A_97 {strides = array<i32>} : memref<10112x128xf32, #tpu.memory_space<vmem>>, vector<128x128xf32>,
      %eq3A_103 = vector.broadcast %scan3A_84 : vector<128x1xf32> to vector<128x1024xf32>
      %eq3A_104 = vector.broadcast %convert_element_type3A_56 : vector<1x1024xf32> to vector<128x1024xf32>
      %eq3A_105 = arith.cmpf oeq, %eq3A_103, %eq3A_104 : vector<128x1024xf32>
      %jit3A_106 = arith.constant 1.000000e+00 : f32
      %jit3A_107 = arith.constant 0.000000e+00 : f32
      %broadcast_in_dim3A_108 = vector.broadcast %jit3A_106 : f32 to vector<128x1024xf32>
      %broadcast_in_dim3A_109 = vector.broadcast %jit3A_107 : f32 to vector<128x1024xf32>
      %select_n3A_110 = arith.select %eq3A_105, %broadcast_in_dim3A_108, %broadcast_in_dim3A_109 : vector<128x1024xi1>, vector<128x1024xf32>
      %convert_element_type3A_111 = arith.sitofp %add3A_77 : vector<128x1xi32> to vector<128x1xf32>
      %mul3A_112 = vector.broadcast %convert_element_type3A_111 : vector<128x1xf32> to vector<128x1024xf32>
      %mul3A_113 = arith.mulf %select_n3A_110, %mul3A_112 : vector<128x1024xf32>
      %reduce_sum3A = arith.constant dense<0.000000e+00> : vector<1024xf32>
      %reduce_sum3A_114 = vector.multi_reduction <add>, %mul3A_113, %reduce_sum3A [0] : vector<128x1024xf32> to vector<1024xf32>
      %broadcast_in_dim3A_115 = vector.shape_cast %reduce_sum3A_114 : vector<1024xf32> to vector<1x1024xf32>
      %add3A_116 = arith.addf %scan3A_71, %broadcast_in_dim3A_115 : vector<1x1024xf32>
      scf.yield %add3A_116 : vector<1x1024xf32>
    }
    %scan3A_65 = arith.constant 79 : i32
    %convert_element_type3A_66 = arith.fptosi %scan3A_64 : vector<1x1024xf32> to vector<1x1024xi32>
    %swap3A_67 = arith.constant 0 : index
    %swap3A_68 = arith.constant 0 : index
    %swap3A_69 = vector.load %arg7[%swap3A_67, %swap3A_68] : memref<1x1024xi32, #tpu.memory_space<vmem>>, vector<1x1024xi32>
    tpu.vector_store %arg7[%swap3A_67, %swap3A_68], %convert_element_type3A_66 {strides = array<i32>} : memref<1x1024xi32, #tpu.memory_space<vmem>>, vector<1x1024xi32>,
    return
  }
}

module attributes {stable_mosaic.version = 14 : i64} {
  func.func @_lin_body(%arg0: i32, %arg1: memref<2x400x128xf32, #tpu.memory_space<vmem>>, %arg2: memref<128x128xf32, #tpu.memory_space<vmem>>, %arg3: memref<128xf32, #tpu.memory_space<vmem>>, %arg4: memref<400x128xf32, #tpu.memory_space<vmem>>) attributes {dimension_semantics = [#tpu.dimension_semantics<arbitrary>], iteration_bounds = array<i64: 25>, scalar_prefetch = 0 : i64, scratch_operands = 0 : i64, tpu.core_type = #tpu.core_type<tc>, window_params = [{transform_indices = @transform_0, window_bounds = array<i64: 2, 400, 128>}, {pipeline_mode = #tpu.pipeline_mode<synchronous>, transform_indices = @transform_1, window_bounds = array<i64: 128, 128>}, {pipeline_mode = #tpu.pipeline_mode<synchronous>, transform_indices = @transform_2, window_bounds = array<i64: 128>}, {transform_indices = @transform_3, window_bounds = array<i64: 400, 128>}]} {
    %get3A = arith.constant 0 : index
    %get3A_0 = arith.constant 0 : index
    %get3A_1 = arith.constant 0 : index
    %get3A_2 = vector.load %arg1[%get3A, %get3A_0, %get3A_1] : memref<2x400x128xf32, #tpu.memory_space<vmem>>, vector<1x400x128xf32>
    %get3A_3 = vector.shape_cast %get3A_2 : vector<1x400x128xf32> to vector<400x128xf32>
    %get3A_4 = arith.constant 1 : index
    %get3A_5 = arith.constant 0 : index
    %get3A_6 = arith.constant 0 : index
    %get3A_7 = vector.load %arg1[%get3A_4, %get3A_5, %get3A_6] : memref<2x400x128xf32, #tpu.memory_space<vmem>>, vector<1x400x128xf32>
    %get3A_8 = vector.shape_cast %get3A_7 : vector<1x400x128xf32> to vector<400x128xf32>
    %add3A = arith.addf %get3A_3, %get3A_8 : vector<400x128xf32>
    %get3A_9 = arith.constant 0 : index
    %get3A_10 = arith.constant 0 : index
    %get3A_11 = vector.load %arg2[%get3A_9, %get3A_10] : memref<128x128xf32, #tpu.memory_space<vmem>>, vector<128x128xf32>
    %dot_general3A = arith.constant dense<0.000000e+00> : vector<400x128xf32>
    %dot_general3A_12 = tpu.matmul %add3A, %get3A_11, %dot_general3A {dimension_numbers = #tpu.dot_dimension_numbers<[1], [0], [0], [1], [0, 0, 1, 1], [], []>, transpose_lhs_hint = false} : vector<400x128xf32>, vector<128x128xf32>, vector<400x128xf32> -> vector<400x128xf32>
    %get3A_13 = arith.constant 0 : index
    %get3A_14 = vector.load %arg3[%get3A_13] : memref<128xf32, #tpu.memory_space<vmem>>, vector<128xf32>
    %broadcast_in_dim3A = vector.shape_cast %get3A_14 : vector<128xf32> to vector<1x128xf32>
    %add3A_15 = vector.broadcast %broadcast_in_dim3A : vector<1x128xf32> to vector<400x128xf32>
    %add3A_16 = arith.addf %dot_general3A_12, %add3A_15 : vector<400x128xf32>
    %max3A = arith.constant 0.000000e+00 : f32
    %max3A_17 = vector.broadcast %max3A : f32 to vector<400x128xf32>
    %max3A_18 = arith.maximumf %add3A_16, %max3A_17 : vector<400x128xf32>
    %swap3A = arith.constant 0 : index
    %swap3A_19 = arith.constant 0 : index
    %swap3A_20 = vector.load %arg4[%swap3A, %swap3A_19] : memref<400x128xf32, #tpu.memory_space<vmem>>, vector<400x128xf32>
    tpu.vector_store %arg4[%swap3A, %swap3A_19], %max3A_18 {strides = array<i32>} : memref<400x128xf32, #tpu.memory_space<vmem>>, vector<400x128xf32>,
    return
  }
  func.func @transform_0(%arg0: i32) -> (i32, i32, i32) {
    %c0_i32 = arith.constant 0 : i32
    %c0_i32_0 = arith.constant 0 : i32
    %c0_i32_1 = arith.constant 0 : i32
    return %c0_i32, %arg0, %c0_i32_0 : i32, i32, i32
  }
  func.func @transform_1(%arg0: i32) -> (i32, i32) {
    %c0_i32 = arith.constant 0 : i32
    %c0_i32_0 = arith.constant 0 : i32
    %c0_i32_1 = arith.constant 0 : i32
    return %c0_i32, %c0_i32_0 : i32, i32
  }
  func.func @transform_2(%arg0: i32) -> i32 {
    %c0_i32 = arith.constant 0 : i32
    %c0_i32_0 = arith.constant 0 : i32
    return %c0_i32 : i32
  }
  func.func @transform_3(%arg0: i32) -> (i32, i32) {
    %c0_i32 = arith.constant 0 : i32
    %c0_i32_0 = arith.constant 0 : i32
    return %arg0, %c0_i32 : i32, i32
  }
}

</mosaic_0001>

<sc_bundles>
// kernel: kernel.11.cloned.1.call-start
scs
__scs_entry_jumppad:
0x0: {  	(pc) =	sbr.rel $0x88, $3  }
0x1: {  	(tag) =	ssettag $0x0;
	lr =	simm.s32 $0x1  }
0x2: {  	[smem:$0x3F93] =	sst lr;
	_ =	strace $0xD0000000  }
0x3: {  	_ = 	snop  }
0x4: {  	_ = 	snop  }
0x5: {  	_ = 	snop  }
0x6: {  	_ = 	snop  }
0x7: {  	_ = 	snop  }
__scs_overlays_trampoline_lowered:
0x8: {  	[smem:$0x3FA2] =	sst s0  }
0x9: {  	[smem:$0x3FA3] =	sst s1  }
0xa: {  	[smem:$0x3FA4] =	sst s2  }
0xb: {  	[smem:$0x3FA5] =	sst s3  }
0xc: {  	[smem:$0x3FA6] =	sst s4  }
0xd: {  	[smem:$0x3FA7] =	sst s5  }
0xe: {  	[smem:$0x3FA8] =	sst s6  }
0xf: {  	[smem:$0x3FA9] =	sst s7  }
0x10: {  	[smem:$0x3FAA] =	sst s8  }
0x11: {  	[smem:$0x3FAB] =	sst s9;
	s0 =	simm.s32 @!p0 $0x0  }
0x12: {  	s1 =	sld [smem:$0x3F91];
	s0 =	simm.s32 @p0 $0x1  }
0x13: {  	[smem:$0x3FAC] =	sst s0;
	s0 =	simm.s32 @!p1 $0x0  }
0x14: {  	s2 =	sld [smem:$0x3F90];
	s0 =	simm.s32 @p1 $0x1  }
0x15: {  	[smem:$0x3FAD] =	sst s0;
	s0 =	simm.s32 @!p2 $0x0  }
0x16: {  	s3 =	sld [smem:$0x3FDB];
	s0 =	simm.s32 @p2 $0x1  }
0x17: {  	s4 =	simm.s32 $0x1BF5;
	[smem:$0x3FAF] =	sst s0  }
0x18: {  	s0 =	sld [smem:$0x3F92];
	_ =	swait.ge [sflag:s4], $0x0  }
0x19: {  	s7 =	sld [smem:$0x3F93]  }
0x1a: {  	s8 =	sadd.s32 $0xFFFFE003, lr  }
0x1b: {  	s9 =	sadd.s32 $0xFFFFFEF7, lr;
	s5 =	simm.s32 $0xFFFFFFFF;
	p2 =	slt.u32 s8, $0xFFFFF086  }
0x1c: {  	p1 =	slt.u32 s9, $0xF7A;
	s5 =	simm.s32 @!p2 $0x0  }
0x1d: {  	s5 =	simm.s32 @p1 $0x1;
	p0 =	seq.s32 s7, s2  }
0x1e: {  	s7 =	smul.u32 @!p0 $0xF7A, s2;
	p2 =	seq.s32 @!p0 s5, $0x0  }
0x1f: {  	s9 =	smul.u32 $0xF7A, s1;
	s8 =	simm.s32 @!p0 $0x1BF5;
	p2 =	por !p2, p0  }
0x20: {  	[sflag:s8] =	ssyncset.s32 @!p0 $0xFFFFF086;
	s6 =	sadd.s32 @!p0 s3, s7;
	s7 =	simm.s32 @!p0 $0x108  }
0x21: {  	s3 =	sadd.s32 s3, s9;
	s6 =	sadd.s32 @!p0 $0x88, s6;
	s7 =	simm.s32 @p2 $0x1082  }
0x22: {  	[simem:s7], [sflag:s8] =	dma.local @!p0 [hbm:s6], $0xF7A  }
0x23: {  	s9 =	sor.u32 $0xD0000000, s2;
	s6 =	simm.s32 $0x108;
	_ =	swait.ge @!p0 [sflag:s8], $0x0  }
0x24: {  	s3 =	sadd.s32 $0x88, s3;
	s6 =	simm.s32 @!p1 $0x1082;
	[sflag:s4] =	ssyncset.s32 $0xFFFFF086  }
0x25: {  	[simem:s6], [sflag:s4] =	dma.local [hbm:s3], $0xF7A  }
0x26: {  	[smem:$0x3F93] =	sst s1;
	(tag) =	ssettag s2;
	_ =	strace s9  }
0x27: {  	s1 =	sld [smem:$0x3FA3]  }
0x28: {  	s2 =	sld [smem:$0x3FA4]  }
0x29: {  	s4 =	sld [smem:$0x3FA6]  }
0x2a: {  	p0 =	seq.s32 s5, $0x0;
	s5 =	sld [smem:$0x3FA7]  }
0x2b: {  	s6 =	sld [smem:$0x3FA8]  }
0x2c: {  	s7 =	sld [smem:$0x3FA9]  }
0x2d: {  	s3 =	simm.s32 $0x108;
	s8 =	sld [smem:$0x3FAA]  }
0x2e: {  	s3 =	simm.s32 @!p0 $0x1082;
	s9 =	sld [smem:$0x3FAB]  }
0x2f: {  	lr =	sadd.s32 s0, s3;
	s0 =	sld [smem:$0x3FA2]  }
0x30: {  	s3 =	sld [smem:$0x3FA5]  }
0x31: {  	[smem:$0x3FAE] =	sst s10  }
0x32: {  	s10 =	sld [smem:$0x3FAC];
	_ =	sdelay $0x3  }
0x33: {  	p0 =	seq.s32 s10, $0x1;
	s10 =	sld [smem:$0x3FAE];
	_ =	sdelay $0x3  }
0x34: {  	[smem:$0x3FAE] =	sst s10  }
0x35: {  	s10 =	sld [smem:$0x3FAD];
	_ =	sdelay $0x3  }
0x36: {  	p1 =	seq.s32 s10, $0x1;
	s10 =	sld [smem:$0x3FAE];
	_ =	sdelay $0x3  }
0x37: {  	[smem:$0x3FAE] =	sst s10  }
0x38: {  	s10 =	sld [smem:$0x3FAF]  }
0x39: {  	_ = 	snop;
	(pc) =	sbr.ind lr, $3  }
0x3a: {  	_ = 	snop  }
0x3b: {  	_ = 	snop  }
0x3c: {  	p2 =	seq.s32 s10, $0x1;
	s10 =	sld [smem:$0x3FAE]  }
0x3d: {  	_ =	shalt  }
0x3e: {  	_ =	shalt  }
0x3f: {  	_ =	shalt  }
0x40: {  	_ =	shalt  }
0x41: {  	_ =	shalt  }
0x42: {  	_ =	shalt  }
0x43: {  	_ =	shalt  }
0x44: {  	_ =	shalt  }
0x45: {  	_ =	shalt  }
0x46: {  	_ =	shalt  }
0x47: {  	_ =	shalt  }
0x48: {  	_ =	shalt  }
0x49: {  	_ =	shalt  }
0x4a: {  	_ =	shalt  }
0x4b: {  	_ =	shalt  }
0x4c: {  	_ =	shalt  }
0x4d: {  	_ =	shalt  }
0x4e: {  	_ =	shalt  }
0x4f: {  	_ =	shalt  }
0x50: {  	_ =	shalt  }
0x51: {  	_ =	shalt  }
0x52: {  	_ =	shalt  }
0x53: {  	_ =	shalt  }
0x54: {  	_ =	shalt  }
0x55: {  	_ =	shalt  }
0x56: {  	_ =	shalt  }
0x57: {  	_ =	shalt  }
0x58: {  	_ =	shalt  }
0x59: {  	_ =	shalt  }
0x5a: {  	_ =	shalt  }
0x5b: {  	_ =	shalt  }
0x5c: {  	_ =	shalt  }
0x5d: {  	_ =	shalt  }
0x5e: {  	_ =	shalt  }
0x5f: {  	_ =	shalt  }
0x60: {  	_ =	shalt  }
0x61: {  	_ =	shalt  }
0x62: {  	_ =	shalt  }
0x63: {  	_ =	shalt  }
0x64: {  	_ =	shalt  }
0x65: {  	_ =	shalt  }
0x66: {  	_ =	shalt  }
0x67: {  	_ =	shalt  }
0x68: {  	_ =	shalt  }
0x69: {  	_ =	shalt  }
0x6a: {  	_ =	shalt  }
0x6b: {  	_ =	shalt  }
0x6c: {  	_ =	shalt  }
0x6d: {  	_ =	shalt  }
0x6e: {  	_ =	shalt  }
0x6f: {  	_ =	shalt  }
0x70: {  	_ =	shalt  }
0x71: {  	_ =	shalt  }
0x72: {  	_ =	shalt  }
0x73: {  	_ =	shalt  }
0x74: {  	_ =	shalt  }
0x75: {  	_ =	shalt  }
0x76: {  	_ =	shalt  }
0x77: {  	_ =	shalt  }
0x78: {  	_ =	shalt  }
0x79: {  	_ =	shalt  }
0x7a: {  	_ =	shalt  }
0x7b: {  	_ =	shalt  }
0x7c: {  	_ =	shalt  }
0x7d: {  	_ =	shalt  }
0x7e: {  	_ =	shalt  }
0x7f: {  	_ =	shalt  }
0x80: {  	_ =	shalt  }
0x81: {  	_ =	shalt  }
0x82: {  	_ =	shalt  }
0x83: {  	_ =	shalt  }
0x84: {  	_ =	shalt  }
0x85: {  	_ =	shalt  }
0x86: {  	_ =	shalt  }
0x87: {  	_ =	shalt  }
.Lfunc_end0:
.L_simem_size_0:
called_computation.1_lowered:
.L_overlay_start_0:
0x88: {  	s2 =	sld [smem:$0x3FD9]  }
0x89: {  	s3 =	sld [smem:$0x3FFE];
	_ =	sdelay $0x1  }
0x8a: {  	s1 =	srdreg.scid  }
0x8b: {  	s0 =	sand.u32 $0x1, s1  }
0x8c: {  	s15 =	sshll.u32 s0, $0xA;
	s2 =	sadd.s32 s3, s2  }
0x8d: {  	s2 =	sadd.s32 s2, s15  }
0x8e: {  	[smem:$0x3FBA] =	sst s2  }
0x8f: {  	_ = 	snop  }
0x90: {  	s2 =	sld [smem:$0x3FD0];
	_ =	sdelay $0x2  }
0x91: {  	s16 =	simm.s32 $0xB;
	s4 =	simm.s32 $0x10  }
0x92: {  	[smem:s4], [sflag:s16] =	dma.local [hbm:s2], $0x1  }
0x93: {  	_ =	swait.eq [sflag:s16], $0x1  }
0x94: {  	[sflag:s16] =	ssyncset.done $0x0  }
0x95: {  	[sflag:s16] =	ssyncadd.s32 $0xFFFFFFFF  }
0x96: {  	s17 =	sld [smem:$0x11];
	(tm) =	ssettm $0x1  }
0x97: {  	s18 =	sld [smem:$0x3FFB];
	_ =	sdelay $0x3  }
0x98: {  	_ =	strace s18  }
0x99: {  	s2 =	sld [smem:$0x3FFC];
	_ =	sdelay $0x3  }
0x9a: {  	_ =	strace s2  }
0x9b: {  	s2 =	sld [smem:$0x3FFD];
	_ =	sdelay $0x3  }
0x9c: {  	_ =	strace s2  }
0x9d: {  	_ =	strace $0x8FFFFFFF  }
0x9e: {  	s19 =	sld [smem:$0x3FDB];
	_ =	sdelay $0x1  }
0x9f: {  	s20 =	simm.s32 $_scs_section_size  }
0xa0: {  	s5 =	simm.s32 $_size__tile_overlayer_lowered;
	s6 =	simm.s32 $_tile_overlayer_lowered  }
0xa1: {  	s7 =	simm.s32 $0x1BFF;
	s21 =	sshll.u32 s6, $0x1;
	s4 =	sadd.s32 s20, s19  }
0xa2: {  	s22 =	simm.s32 $0x0;
	s5 =	sshll.u32 s5, $0x1;
	s6 =	sadd.s32 s21, s4  }
0xa3: {  	[timem:s22], [sflag:s7] =	dma.local [hbm:s6], s5  }
0xa4: {  	_ =	swait.ge [sflag:s7], s5  }
0xa5: {  	s5 =	ssub.s32 $0x0, s5;
	[sflag:s7] =	ssyncset.done $0x0  }
0xa6: {  	[sflag:s7] =	ssyncadd.s32 s5;
	_ =	sdelay $0x1  }
0xa7: {  	s23 =	simm.s32 $0x1B8B  }
0xa8: {  	_ =	swait.ge [sflag:s23], $0x1  }
0xa9: {  	[sflag:s23] =	ssyncset.done $0x0  }
0xaa: {  	[sflag:s23] =	ssyncadd.s32 $0xFFFFFFFF  }
0xab: {  	s5 =	sld [smem:$0x0]  }
0xac: {  	s6 =	sand.u32 $0xFFFFFFFE, s1  }
0xad: {  	p0 =	sne.s32 s1, s6  }
0xae: {  	s6 =	sshll.u32 @p0 s6, $0xE  }
0xaf: {  	s6 =	sadd.s32 @p0 $0x11B8D, s6;
	s7 =	sshll.u32 @p0 s5, $0x11  }
0xb0: {  	s6 =	sor.u32 @p0 s7, s6  }
0xb1: {  	[sflag:s6] =	ssyncadd.remote.s32 @p0 $0x1;
	_ =	sdelay $0x1  }
0xb2: {  	s6 =	simm.s32 @p0 $0x1B8D  }
0xb3: {  	_ =	swait.eq @p0 [sflag:s6], $0x1  }
0xb4: {  	[sflag:s6] =	ssyncadd.s32 @p0 $0xFFFFFFFF  }
0xb5: {  	s7 =	sshll.u32 @!p0 s1, $0xE  }
0xb6: {  	s7 =	sor.u32 @!p0 $0x4000, s7;
	s6 =	simm.s32 @!p0 $0x1B8D  }
0xb7: {  	s5 =	sshll.u32 @!p0 s5, $0x11;
	s7 =	sadd.s32 @!p0 $0x11B8D, s7;
	_ =	swait.eq @!p0 [sflag:s6], $0x1  }
0xb8: {  	s5 =	sor.u32 @!p0 s5, s7;
	[sflag:s6] =	ssyncadd.s32 @!p0 $0xFFFFFFFF  }
0xb9: {  	s25 =	simm.s32 $0x1B8E;
	s24 =	sld [smem:$0x3FFE];
	[sflag:s5] =	ssyncadd.remote.s32 @!p0 $0x1  }
0xba: {  	s26 =	simm.s32 $execute0_lowered;
	[smem:$0x3FD2] =	sst s25  }
0xbb: {  	s6 =	sshll.u32 s26, $0x1;
	_ =	strace $0x8000004C;
	[dreg:$0x1] =	wrdreg $0xFFFFFFFF  }
0xbc: {  	s28 =	simm.s32 $_size_execute0_lowered;
	s4 =	sadd.s32 s4, s6;
	[dreg:$0x0] =	wrdreg $0x0  }
0xbd: {  	s6 =	sshll.u32 s28, $0x1;
	[dreg:$0x2] =	wrdreg s4  }
0xbe: {  	[dreg:$0x3] =	wrdreg s6  }
0xbf: {  	[dreg:$0x4] =	wrdreg $0xC0  }
0xc0: {  	_ =	task [dreg:s22], $0x5FFFF  }
0xc1: {  	[dreg:$0x1] =	wrdreg $0xFFFFFFFF  }
0xc2: {  	[dreg:$0x0] =	wrdreg $0x60  }
0xc3: {  	[dreg:$0x2] =	wrdreg s17  }
0xc4: {  	[dreg:$0x3] =	wrdreg s24  }
0xc5: {  	[dreg:$0x4] =	wrdreg $0xA8000  }
0xc6: {  	[dreg:$0x5] =	wrdreg $0xA  }
0xc7: {  	_ =	task.clear_ibuf [dreg:s22], $0x6FFFF;
	_ =	strace $0x9000004C  }
0xc8: {  	s29 =	simm.s32 $0xA;
	_ =	strace $0x8000004E  }
0xc9: {  	_ =	swait.ge [sflag:s29], $0x1  }
0xca: {  	[sflag:s29] =	ssyncadd.s32 $0xFFFFFFFF  }
0xcb: {  	_ =	strace $0x9000004E  }
0xcc: {  	_ =	sfence  }
0xcd: {  	s30 =	sld [smem:$0x0];
	_ =	sdelay $0x2  }
0xce: {  	s31 =	sshll.u32 s1, $0xD;
	s1 =	sshrl.u32 s1, $0x2  }
0xcf: {  	s4 =	sand.u32 $0x4000, s31;
	s1 =	sadd.s32 s1, s30  }
0xd0: {  	s0 =	sor.u32 s4, s0;
	s1 =	sshll.u32 s1, $0x11  }
0xd1: {  	s0 =	sor.u32 s1, s0  }
0xd2: {  	s0 =	sadd.s32 $0x8F2B, s0  }
0xd3: {  	[sflag:s0] =	ssyncadd.remote.s32 $0x1  }
0xd4: {  	_ =	sfence.sel $0xFFFF  }
0xd5: {  	[dreg:$0x0] =	wrdreg $0xFFFFFFFF;
	(pc) =	sbr.abs _section_cstart, $3  }
0xd6: {  	[dreg:$0x1] =	wrdreg $0xFFFFFFFF  }
0xd7: {  	_ =	task.clear_ibuf [dreg:s22], $0x2FFFF;
	_ =	strace $0x9FFFFFFF  }
0xd8: {  	(tm) =	ssettm $0x7FFFFFFF  }
0xd9: {  	_ =	shalt  }
tec
execute0_lowered:
.L_overlay_start_1:
0x0: {  	(tag) =	ssettag $0x1  }
0x1: {  	s0 =	rddreg [dreg:$0x0]  }
0x2: {  	s5 =	rddreg [dreg:$0x1]  }
0x3: {  	s1 =	srdreg.scid;
	s3 =	rddreg [dreg:$0x2]  }
0x4: {  	s2 =	stileid.u32;
	s4 =	simm.s32 $0x0;
	s18 =	simm.s32 $0x1400  }
0x5: {  	s19 =	simm.s32 $0x80;
	s20 =	simm.s32 $0x6800;
	s21 =	simm.s32 $0x1  }
0x6: {  	s22 =	simm.s32 $0x2;
	s23 =	simm.s32 $0x1380;
	s24 =	simm.s32 $0x2700  }
0x7: {  	s25 =	simm.s32 $0x2780;
	s6 =	sand.u32 $0x1, s1;
	s8 =	smul.u32 $0x14000, s2  }
0x8: {  	[smem:$0x7FF] =	sst s4;
	s12 =	sadd.s32 $0x2800, s5;
	s26 =	smul.u32 $0x50000, s2  }
0x9: {  	s13 =	sadd.s32 $0xC800, s5;
	s29 =	sshll.u32 s2, $0x1;
	s7 =	smul.u32 $0x140000, s6  }
0xa: {  	_ =	strace $0x8000004D;
	s28 =	ssub.s32 $0x2, s6;
	s10 =	sor.u32 s6, s29  }
0xb: {  	s9 =	sshrl.u32 s28, $0x1;
	s30 =	sshrl.u32 s26, $0x2;
	s11 =	smul.u32 $0x2800, s10  }
0xc: {  	s16 =	smul.u32 $0x500, s10;
	s26 =	simm.s32 $0x0;
	s7 =	sadd.s32 s8, s7  }
0xd: {  	s15 =	ssub.s32 s28, s9;
	s7 =	sshrl.u32 s7, $0x3;
	s17 =	sshrl.u32 s11, $0x3  }
0xe: {  	s10 =	sadd.s32 s12, s16;
	s11 =	sadd.s32 s13, s16;
	s15 =	smax.u32 s15, $0x1  }
0xf: {  	s16 =	simm.s32 $0x2800;
	s14 =	sadd.s32 s7, s5;
	s5 =	sadd.s32 s30, s3  }
0x10: {  	s31 =	sadd.s32 $0x280, s17;
	s17 =	simm.s32 $0x3;
	s6 =	sadd.s32 $0x4000, s5  }
0x11: {  	s7 =	sadd.s32 $0x8000, s5;
	s8 =	sadd.s32 $0xC000, s5;
	s9 =	sadd.s32 $0x10000, s5  }
0x12: {  	v0 =	vimm.f32 $0.0e+00;
	s12 =	sadd.s32 s12, s31;
	s13 =	sadd.s32 s13, s31;
	s14 =	sadd.s32 $0x16800, s14  }
.LBB2_1:
0x13: {  	s28 =	sand.u32 $0xFE00, s4  }
0x14: {  	s29 =	sand.u32 $0x70, s4;
	s30 =	sshrl.u32 s28, $0x2  }
0x15: {  	s28 =	simm.s32 $0x40;
	s30 =	sor.u32 s29, s30;
	s29 =	simm.s32 $0x0  }
.LBB2_2:
0x16: {  	p0 =	sne.s32 s28, $0xFFC0  }
0x17: {  	[tilespmem:s30+$0x2800] =	vst v0;
	s29 =	sadd.s32 $0x10, s29;
	s30 =	smov.u32 s28;
	s28 =	sadd.s32 $0x40, s28  }
.Ltmp0:
0x18: {  	(pc) =	sbr.rel @p0 .LBB2_2-.Ltmp0, $4  }
0x19: {  	_ = 	snop  }
0x1a: {  	s30 =	sand.u32 $0xFE00, s30  }
0x1b: {  	s31 =	sand.u32 $0x70, s29;
	s30 =	sshrl.u32 s30, $0x2  }
0x1c: {  	s30 =	sor.u32 s31, s30  }
0x1d: {  	[tilespmem:s30+$0x2800] =	vst v0  }
0x1e: {  	[spmem:s5] =	stream.linear.scatter [tilespmem:s16], [sflag:$0x3], $0x4000, $0x38;
	[tilespmem:$0x1E800] =	vst v63  }
0x1f: {  	_ =	swait.ge [sflag:s17], $0x4000  }
0x20: {  	[sflag:s17] =	ssyncset.done $0x0  }
0x21: {  	[sflag:s17] =	ssyncadd.s32 $0xFFFFC000  }
0x22: {  	[spmem:s6] =	stream.linear.scatter [tilespmem:s16], [sflag:$0x3], $0x4000, $0x38;
	[tilespmem:$0x1E800] =	vst v63  }
0x23: {  	_ =	swait.ge [sflag:s17], $0x4000  }
0x24: {  	[sflag:s17] =	ssyncset.done $0x0  }
0x25: {  	[sflag:s17] =	ssyncadd.s32 $0xFFFFC000  }
0x26: {  	[spmem:s7] =	stream.linear.scatter [tilespmem:s16], [sflag:$0x3], $0x4000, $0x38;
	[tilespmem:$0x1E800] =	vst v63  }
0x27: {  	_ =	swait.ge [sflag:s17], $0x4000  }
0x28: {  	[sflag:s17] =	ssyncset.done $0x0  }
0x29: {  	[sflag:s17] =	ssyncadd.s32 $0xFFFFC000  }
0x2a: {  	[spmem:s8] =	stream.linear.scatter [tilespmem:s16], [sflag:$0x3], $0x4000, $0x38;
	[tilespmem:$0x1E800] =	vst v63  }
0x2b: {  	_ =	swait.ge [sflag:s17], $0x4000  }
0x2c: {  	[sflag:s17] =	ssyncset.done $0x0  }
0x2d: {  	[sflag:s17] =	ssyncadd.s32 $0xFFFFC000  }
0x2e: {  	[spmem:s9] =	stream.linear.scatter [tilespmem:s16], [sflag:$0x3], $0x4000, $0x38;
	[tilespmem:$0x1E800] =	vst v63  }
0x2f: {  	_ =	swait.ge [sflag:s17], $0x4000  }
0x30: {  	[sflag:s17] =	ssyncset.done $0x0  }
0x31: {  	[sflag:s17] =	ssyncadd.s32 $0xFFFFC000  }
0x32: {  	s28 =	simm.s32 $0x0;
	[bflag:$0x0] =	sbarrier.arrive $0xFFFF  }
0x33: {  	[tilespmem:s28], [sflag:$0x3] =	stream.linear.gather [hbm4b:s10+s28], $0x1400, $0x38;
	[tilespmem:$0x1E800] =	vst v63  }
0x34: {  	_ =	swait.ge [sflag:s17], $0x1400  }
0x35: {  	[sflag:s17] =	ssyncset.done $0x0  }
0x36: {  	[sflag:s17] =	ssyncadd.s32 $0xFFFFEC00  }
0x37: {  	[tilespmem:s18], [sflag:$0x3] =	stream.linear.gather [hbm4b:s11+s28], $0x1400, $0x38;
	[tilespmem:$0x1E800] =	vst v63  }
0x38: {  	_ =	swait.ge [sflag:s17], $0x1400  }
0x39: {  	[sflag:s17] =	ssyncset.done $0x0  }
0x3a: {  	[sflag:s17] =	ssyncadd.s32 $0xFFFFEC00  }
0x3b: {  	[tilespmem:s16], [sflag:$0x1] =	stream.indirect.gather [hbm4b:s0+s19], $0x80, s28, s19, $0xb8;
	[tilespmem:$0x1E800] =	vst v63  }
0x3c: {  	s28 =	simm.s32 $0x80  }
0x3d: {  	[tilespmem:s20], [sflag:$0x2] =	stream.indirect.gather [hbm4b:s0+s19], $0x80, s28, s19, $0xb8;
	[tilespmem:$0x1E800] =	vst v63  }
0x3e: {  	_ =	swait.ge [sflag:s21], $0x4000  }
0x3f: {  	[sflag:s21] =	ssyncset.done $0x0  }
0x40: {  	s28 =	simm.s32 $0x1400;
	[sflag:s21] =	ssyncadd.s32 $0xFFFFC000  }
0x41: {  	[spmem:s3] =	stream.indirect.scatter.add.f32 [tilespmem:s16], [sflag:$0x3], $0x80, s28, s19, $0xb8;
	[tilespmem:$0x1E800] =	vst v63  }
0x42: {  	_ =	swait.ge [sflag:s17], $0x4000  }
0x43: {  	[sflag:s17] =	ssyncset.done $0x0  }
0x44: {  	s28 =	simm.s32 $0x100;
	[sflag:s17] =	ssyncadd.s32 $0xFFFFC000  }
0x45: {  	[tilespmem:s16], [sflag:$0x1] =	stream.indirect.gather [hbm4b:s0+s19], $0x80, s28, s19, $0xb8;
	[tilespmem:$0x1E800] =	vst v63  }
0x46: {  	_ =	swait.ge [sflag:s22], $0x4000  }
0x47: {  	[sflag:s22] =	ssyncset.done $0x0  }
0x48: {  	s28 =	simm.s32 $0x1480;
	[sflag:s22] =	ssyncadd.s32 $0xFFFFC000  }
0x49: {  	[spmem:s3] =	stream.indirect.scatter.add.f32 [tilespmem:s20], [sflag:$0x3], $0x80, s28, s19, $0xb8;
	[tilespmem:$0x1E800] =	vst v63  }
0x4a: {  	_ =	swait.ge [sflag:s17], $0x4000  }
0x4b: {  	s29 =	simm.s32 $0x800;
	s28 =	simm.s32 $0x100;
	[sflag:s17] =	ssyncset.done $0x0  }
.LBB2_4:
0x4c: {  	s30 =	sadd.s32 $0x80, s28  }
0x4d: {  	[sflag:s17] =	ssyncadd.s32 $0xFFFFC000;
	s31 =	smov.u32 s29;
	s1 =	sadd.s32 $0x400, s29  }
0x4e: {  	[tilespmem:s20], [sflag:$0x2] =	stream.indirect.gather [hbm4b:s0+s19], $0x80, s30, s19, $0xb8;
	[tilespmem:$0x1E800] =	vst v63  }
0x4f: {  	p0 =	sne.s32 s29, $0x4800;
	_ =	swait.ge [sflag:s21], $0x4000  }
0x50: {  	[sflag:s21] =	ssyncset.done $0x0  }
0x51: {  	s29 =	sadd.s32 $0x1400, s28;
	[sflag:s21] =	ssyncadd.s32 $0xFFFFC000  }
0x52: {  	[spmem:s3] =	stream.indirect.scatter.add.f32 [tilespmem:s16], [sflag:$0x3], $0x80, s29, s19, $0xb8;
	[tilespmem:$0x1E800] =	vst v63  }
0x53: {  	_ =	swait.ge [sflag:s17], $0x4000  }
0x54: {  	[sflag:s17] =	ssyncset.done $0x0  }
0x55: {  	s29 =	sadd.s32 $0x100, s28;
	[sflag:s17] =	ssyncadd.s32 $0xFFFFC000  }
0x56: {  	[tilespmem:s16], [sflag:$0x1] =	stream.indirect.gather [hbm4b:s0+s19], $0x80, s29, s19, $0xb8;
	[tilespmem:$0x1E800] =	vst v63  }
0x57: {  	_ =	swait.ge [sflag:s22], $0x4000  }
.Ltmp1:
0x58: {  	[sflag:s22] =	ssyncset.done $0x0;
	(pc) =	sbr.rel @p0 .LBB2_4-.Ltmp1, $4  }
0x59: {  	s28 =	sadd.s32 $0x1480, s28;
	[sflag:s22] =	ssyncadd.s32 $0xFFFFC000  }
0x5a: {  	[spmem:s3] =	stream.indirect.scatter.add.f32 [tilespmem:s20], [sflag:$0x3], $0x80, s28, s19, $0xb8;
	[tilespmem:$0x1E800] =	vst v63  }
0x5b: {  	_ =	swait.ge [sflag:s17], $0x4000  }
0x5c: {  	s29 =	smov.u32 s1;
	s28 =	sshra.s32 s31, $0x2;
	[sflag:s17] =	ssyncset.done $0x0  }
0x5d: {  	s1 =	sadd.s32 $0x80, s28;
	[sflag:s17] =	ssyncadd.s32 $0xFFFFC000  }
0x5e: {  	[tilespmem:s20], [sflag:$0x2] =	stream.indirect.gather [hbm4b:s0+s19], $0x80, s1, s19, $0xb8;
	[tilespmem:$0x1E800] =	vst v63  }
0x5f: {  	_ =	swait.ge [sflag:s21], $0x4000  }
0x60: {  	[sflag:s21] =	ssyncset.done $0x0  }
0x61: {  	s30 =	sadd.s32 $0x1400, s28;
	[sflag:s21] =	ssyncadd.s32 $0xFFFFC000  }
0x62: {  	[spmem:s3] =	stream.indirect.scatter.add.f32 [tilespmem:s16], [sflag:$0x3], $0x80, s30, s19, $0xb8;
	[tilespmem:$0x1E800] =	vst v63  }
0x63: {  	_ =	swait.ge [sflag:s17], $0x4000  }
0x64: {  	[sflag:s17] =	ssyncset.done $0x0  }
0x65: {  	s31 =	sadd.s32 $0x100, s28;
	[sflag:s17] =	ssyncadd.s32 $0xFFFFC000  }
0x66: {  	[tilespmem:s16], [sflag:$0x1] =	stream.indirect.gather [hbm4b:s0+s19], $0x80, s31, s19, $0xb8;
	[tilespmem:$0x1E800] =	vst v63  }
0x67: {  	_ =	swait.ge [sflag:s22], $0x4000  }
0x68: {  	[sflag:s22] =	ssyncset.done $0x0  }
0x69: {  	s30 =	sadd.s32 $0x1480, s28;
	[sflag:s22] =	ssyncadd.s32 $0xFFFFC000  }
0x6a: {  	[spmem:s3] =	stream.indirect.scatter.add.f32 [tilespmem:s20], [sflag:$0x3], $0x80, s30, s19, $0xb8;
	[tilespmem:$0x1E800] =	vst v63  }
0x6b: {  	_ =	swait.ge [sflag:s17], $0x4000  }
0x6c: {  	[sflag:s17] =	ssyncset.done $0x0  }
0x6d: {  	[sflag:s17] =	ssyncadd.s32 $0xFFFFC000  }
0x6e: {  	[tilespmem:s20], [sflag:$0x2] =	stream.indirect.gather [hbm4b:s0+s19], $0x80, s23, s19, $0xb8;
	[tilespmem:$0x1E800] =	vst v63  }
0x6f: {  	_ =	swait.ge [sflag:s21], $0x4000  }
0x70: {  	[sflag:s21] =	ssyncset.done $0x0  }
0x71: {  	[sflag:s21] =	ssyncadd.s32 $0xFFFFC000  }
0x72: {  	[spmem:s3] =	stream.indirect.scatter.add.f32 [tilespmem:s16], [sflag:$0x3], $0x80, s24, s19, $0xb8;
	[tilespmem:$0x1E800] =	vst v63  }
0x73: {  	_ =	swait.ge [sflag:s17], $0x4000  }
0x74: {  	[sflag:s17] =	ssyncset.done $0x0  }
0x75: {  	[sflag:s17] =	ssyncadd.s32 $0xFFFFC000  }
0x76: {  	_ =	swait.ge [sflag:s22], $0x4000  }
0x77: {  	[sflag:s22] =	ssyncset.done $0x0  }
0x78: {  	[sflag:s22] =	ssyncadd.s32 $0xFFFFC000  }
0x79: {  	[spmem:s3] =	stream.indirect.scatter.add.f32 [tilespmem:s20], [sflag:$0x3], $0x80, s25, s19, $0xb8;
	[tilespmem:$0x1E800] =	vst v63  }
0x7a: {  	_ =	swait.ge [sflag:s17], $0x4000  }
0x7b: {  	[sflag:s17] =	ssyncset.done $0x0  }
0x7c: {  	s31 =	simm.s32 $0x0;
	[sflag:s17] =	ssyncadd.s32 $0xFFFFC000  }
0x7d: {  	[tilespmem:s31], [sflag:$0x3] =	stream.linear.gather [hbm4b:s12+s31], $0x1400, $0x38;
	[tilespmem:$0x1E800] =	vst v63  }
0x7e: {  	_ =	swait.ge [sflag:s17], $0x1400  }
0x7f: {  	[sflag:s17] =	ssyncset.done $0x0  }
0x80: {  	[sflag:s17] =	ssyncadd.s32 $0xFFFFEC00  }
0x81: {  	[tilespmem:s18], [sflag:$0x3] =	stream.linear.gather [hbm4b:s13+s31], $0x1400, $0x38;
	[tilespmem:$0x1E800] =	vst v63  }
0x82: {  	_ =	swait.ge [sflag:s17], $0x1400  }
0x83: {  	[sflag:s17] =	ssyncset.done $0x0  }
0x84: {  	[sflag:s17] =	ssyncadd.s32 $0xFFFFEC00  }
0x85: {  	[tilespmem:s16], [sflag:$0x1] =	stream.indirect.gather [hbm4b:s0+s19], $0x80, s31, s19, $0xb8;
	[tilespmem:$0x1E800] =	vst v63  }
0x86: {  	s30 =	simm.s32 $0x80  }
0x87: {  	[tilespmem:s20], [sflag:$0x2] =	stream.indirect.gather [hbm4b:s0+s19], $0x80, s30, s19, $0xb8;
	[tilespmem:$0x1E800] =	vst v63  }
0x88: {  	_ =	swait.ge [sflag:s21], $0x4000  }
0x89: {  	[sflag:s21] =	ssyncset.done $0x0  }
0x8a: {  	s31 =	simm.s32 $0x1400;
	[sflag:s21] =	ssyncadd.s32 $0xFFFFC000  }
0x8b: {  	[spmem:s3] =	stream.indirect.scatter.add.f32 [tilespmem:s16], [sflag:$0x3], $0x80, s31, s19, $0xb8;
	[tilespmem:$0x1E800] =	vst v63  }
0x8c: {  	_ =	swait.ge [sflag:s17], $0x4000  }
0x8d: {  	[sflag:s17] =	ssyncset.done $0x0  }
0x8e: {  	s30 =	simm.s32 $0x100;
	[sflag:s17] =	ssyncadd.s32 $0xFFFFC000  }
0x8f: {  	[tilespmem:s16], [sflag:$0x1] =	stream.indirect.gather [hbm4b:s0+s19], $0x80, s30, s19, $0xb8;
	[tilespmem:$0x1E800] =	vst v63  }
0x90: {  	_ =	swait.ge [sflag:s22], $0x4000  }
0x91: {  	[sflag:s22] =	ssyncset.done $0x0  }
0x92: {  	s31 =	simm.s32 $0x1480;
	[sflag:s22] =	ssyncadd.s32 $0xFFFFC000  }
0x93: {  	[spmem:s3] =	stream.indirect.scatter.add.f32 [tilespmem:s20], [sflag:$0x3], $0x80, s31, s19, $0xb8;
	[tilespmem:$0x1E800] =	vst v63  }
0x94: {  	_ =	swait.ge [sflag:s17], $0x4000  }
0x95: {  	s29 =	simm.s32 $0x800;
	s28 =	simm.s32 $0x100;
	[sflag:s17] =	ssyncset.done $0x0  }
.LBB2_6:
0x96: {  	s1 =	sadd.s32 $0x80, s28  }
0x97: {  	[sflag:s17] =	ssyncadd.s32 $0xFFFFC000;
	s30 =	smov.u32 s29;
	s31 =	sadd.s32 $0x400, s29  }
0x98: {  	[tilespmem:s20], [sflag:$0x2] =	stream.indirect.gather [hbm4b:s0+s19], $0x80, s1, s19, $0xb8;
	[tilespmem:$0x1E800] =	vst v63  }
0x99: {  	p0 =	sne.s32 s29, $0x4800;
	_ =	swait.ge [sflag:s21], $0x4000  }
0x9a: {  	[sflag:s21] =	ssyncset.done $0x0  }
0x9b: {  	s1 =	sadd.s32 $0x1400, s28;
	[sflag:s21] =	ssyncadd.s32 $0xFFFFC000  }
0x9c: {  	[spmem:s3] =	stream.indirect.scatter.add.f32 [tilespmem:s16], [sflag:$0x3], $0x80, s1, s19, $0xb8;
	[tilespmem:$0x1E800] =	vst v63  }
0x9d: {  	_ =	swait.ge [sflag:s17], $0x4000  }
0x9e: {  	[sflag:s17] =	ssyncset.done $0x0  }
0x9f: {  	s1 =	sadd.s32 $0x100, s28;
	[sflag:s17] =	ssyncadd.s32 $0xFFFFC000  }
0xa0: {  	[tilespmem:s16], [sflag:$0x1] =	stream.indirect.gather [hbm4b:s0+s19], $0x80, s1, s19, $0xb8;
	[tilespmem:$0x1E800] =	vst v63  }
0xa1: {  	_ =	swait.ge [sflag:s22], $0x4000  }
.Ltmp2:
0xa2: {  	[sflag:s22] =	ssyncset.done $0x0;
	(pc) =	sbr.rel @p0 .LBB2_6-.Ltmp2, $4  }
0xa3: {  	s1 =	sadd.s32 $0x1480, s28;
	[sflag:s22] =	ssyncadd.s32 $0xFFFFC000  }
0xa4: {  	[spmem:s3] =	stream.indirect.scatter.add.f32 [tilespmem:s20], [sflag:$0x3], $0x80, s1, s19, $0xb8;
	[tilespmem:$0x1E800] =	vst v63  }
0xa5: {  	_ =	swait.ge [sflag:s17], $0x4000  }
0xa6: {  	s29 =	smov.u32 s31;
	s28 =	sshra.s32 s30, $0x2;
	[sflag:s17] =	ssyncset.done $0x0  }
0xa7: {  	s1 =	sadd.s32 $0x80, s28;
	[sflag:s17] =	ssyncadd.s32 $0xFFFFC000  }
0xa8: {  	[tilespmem:s20], [sflag:$0x2] =	stream.indirect.gather [hbm4b:s0+s19], $0x80, s1, s19, $0xb8;
	[tilespmem:$0x1E800] =	vst v63  }
0xa9: {  	_ =	swait.ge [sflag:s21], $0x4000  }
0xaa: {  	[sflag:s21] =	ssyncset.done $0x0  }
0xab: {  	s30 =	sadd.s32 $0x1400, s28;
	[sflag:s21] =	ssyncadd.s32 $0xFFFFC000  }
0xac: {  	[spmem:s3] =	stream.indirect.scatter.add.f32 [tilespmem:s16], [sflag:$0x3], $0x80, s30, s19, $0xb8;
	[tilespmem:$0x1E800] =	vst v63  }
0xad: {  	_ =	swait.ge [sflag:s17], $0x4000  }
0xae: {  	[sflag:s17] =	ssyncset.done $0x0  }
0xaf: {  	s31 =	sadd.s32 $0x100, s28;
	[sflag:s17] =	ssyncadd.s32 $0xFFFFC000  }
0xb0: {  	[tilespmem:s16], [sflag:$0x1] =	stream.indirect.gather [hbm4b:s0+s19], $0x80, s31, s19, $0xb8;
	[tilespmem:$0x1E800] =	vst v63  }
0xb1: {  	_ =	swait.ge [sflag:s22], $0x4000  }
0xb2: {  	[sflag:s22] =	ssyncset.done $0x0  }
0xb3: {  	s29 =	sadd.s32 $0x1480, s28;
	[sflag:s22] =	ssyncadd.s32 $0xFFFFC000  }
0xb4: {  	[spmem:s3] =	stream.indirect.scatter.add.f32 [tilespmem:s20], [sflag:$0x3], $0x80, s29, s19, $0xb8;
	[tilespmem:$0x1E800] =	vst v63  }
0xb5: {  	_ =	swait.ge [sflag:s17], $0x4000  }
0xb6: {  	[sflag:s17] =	ssyncset.done $0x0  }
0xb7: {  	[sflag:s17] =	ssyncadd.s32 $0xFFFFC000  }
0xb8: {  	[tilespmem:s20], [sflag:$0x2] =	stream.indirect.gather [hbm4b:s0+s19], $0x80, s23, s19, $0xb8;
	[tilespmem:$0x1E800] =	vst v63  }
0xb9: {  	_ =	swait.ge [sflag:s21], $0x4000  }
0xba: {  	[sflag:s21] =	ssyncset.done $0x0  }
0xbb: {  	[sflag:s21] =	ssyncadd.s32 $0xFFFFC000  }
0xbc: {  	[spmem:s3] =	stream.indirect.scatter.add.f32 [tilespmem:s16], [sflag:$0x3], $0x80, s24, s19, $0xb8;
	[tilespmem:$0x1E800] =	vst v63  }
0xbd: {  	_ =	swait.ge [sflag:s17], $0x4000  }
0xbe: {  	[sflag:s17] =	ssyncset.done $0x0  }
0xbf: {  	[sflag:s17] =	ssyncadd.s32 $0xFFFFC000  }
0xc0: {  	_ =	swait.ge [sflag:s22], $0x4000  }
0xc1: {  	[sflag:s22] =	ssyncset.done $0x0  }
0xc2: {  	[sflag:s22] =	ssyncadd.s32 $0xFFFFC000  }
0xc3: {  	[spmem:s3] =	stream.indirect.scatter.add.f32 [tilespmem:s20], [sflag:$0x3], $0x80, s25, s19, $0xb8;
	[tilespmem:$0x1E800] =	vst v63  }
0xc4: {  	_ =	swait.ge [sflag:s17], $0x4000  }
0xc5: {  	s26 =	sadd.s32 $0x1, s26;
	s30 =	sshll.u32 s2, $0x6;
	[sflag:s17] =	ssyncset.done $0x0  }
0xc6: {  	p0 =	sne.s32 s26, s15;
	s1 =	sor.u32 $0x1C03, s30;
	[sflag:s17] =	ssyncadd.s32 $0xFFFFC000  }
.Ltmp3:
0xc7: {  	s31 =	sshrl.u32 s5, $0x3;
	[bflag:$0x0] =	sbarrier.arrive $0xFFFF;
	(pc) =	sbr.rel @p0 .LBB2_1-.Ltmp3, $4  }
0xc8: {  	[hbm:s14], [sflag:s1] =	dma.local [spmem:s31], $0x2800  }
0xc9: {  	_ =	swait.ge [sflag:s17], $0x2800  }
0xca: {  	[sflag:s17] =	ssyncset.done $0x0  }
0xcb: {  	[sflag:s17] =	ssyncadd.s32 $0xFFFFD800  }
0xcc: {  	_ =	sfence.sel $0x180000  }
0xcd: {  	[bflag:$0x0] =	sbarrier.arrive $0xFFFF  }
0xce: {  	_ =	strace $0x9000004D  }
0xcf: {  	[bflag:$0x2] =	sbarrier.arrive $0xFFFF  }
0xd0: {  	p0 =	sne.s32 s2, $0x0;
	s0 =	rddreg [dreg:$0x3]  }
0xd1: {  	s0 =	sadd.s32 @!p0 $0x100000, s0  }
0xd2: {  	[sflag:s0] =	ssyncadd.tile.s32 @!p0 $0x1;
	_ =	shalt  }
.Lfunc_end2:
_tile_overlayer_lowered:
.L_overlay_start_2:
0xd3: {  	(tag) =	ssettag $0x2  }
0xd4: {  	s0 =	rddreg [dreg:$0x0];
	s2 =	stileid.u32  }
0xd5: {  	s1 =	rddreg [dreg:$0x1];
	p0 =	sne.s32 s2, $0x0  }
0xd6: {  	s3 =	rddreg [dreg:$0x2];
	[bflag:$0x3] =	sbarrier.arrive $0xFFFF;
	s2 =	simm.s32 @!p0 $0x1C03  }
0xd7: {  	[timem:s3], [sflag:s2] =	dma.local @!p0 [hbm:s0], s1  }
0xd8: {  	s0 =	simm.s32 @!p0 $0x3  }
0xd9: {  	_ =	swait.ge @!p0 [sflag:s0], s1  }
0xda: {  	s1 =	ssub.s32 @!p0 $0x0, s1;
	[sflag:s0] =	ssyncset.done @!p0 $0x0  }
0xdb: {  	[sflag:s0] =	ssyncadd.s32 @!p0 s1  }
0xdc: {  	[bflag:$0x3] =	sbarrier.arrive $0xFFFF  }
0xdd: {  	_ =	shalt  }

// kernel: kernel.14.cloned.1.call-start
scs
__scs_entry_jumppad:
0x0: {  	(pc) =	sbr.rel $0x88, $3  }
0x1: {  	(tag) =	ssettag $0x0;
	lr =	simm.s32 $0x1  }
0x2: {  	[smem:$0x3F93] =	sst lr;
	_ =	strace $0xD0000000  }
0x3: {  	_ = 	snop  }
0x4: {  	_ = 	snop  }
0x5: {  	_ = 	snop  }
0x6: {  	_ = 	snop  }
0x7: {  	_ = 	snop  }
__scs_overlays_trampoline_lowered:
0x8: {  	[smem:$0x3FA2] =	sst s0  }
0x9: {  	[smem:$0x3FA3] =	sst s1  }
0xa: {  	[smem:$0x3FA4] =	sst s2  }
0xb: {  	[smem:$0x3FA5] =	sst s3  }
0xc: {  	[smem:$0x3FA6] =	sst s4  }
0xd: {  	[smem:$0x3FA7] =	sst s5  }
0xe: {  	[smem:$0x3FA8] =	sst s6  }
0xf: {  	[smem:$0x3FA9] =	sst s7  }
0x10: {  	[smem:$0x3FAA] =	sst s8  }
0x11: {  	[smem:$0x3FAB] =	sst s9;
	s0 =	simm.s32 @!p0 $0x0  }
0x12: {  	s1 =	sld [smem:$0x3F91];
	s0 =	simm.s32 @p0 $0x1  }
0x13: {  	[smem:$0x3FAC] =	sst s0;
	s0 =	simm.s32 @!p1 $0x0  }
0x14: {  	s2 =	sld [smem:$0x3F90];
	s0 =	simm.s32 @p1 $0x1  }
0x15: {  	[smem:$0x3FAD] =	sst s0;
	s0 =	simm.s32 @!p2 $0x0  }
0x16: {  	s3 =	sld [smem:$0x3FDB];
	s0 =	simm.s32 @p2 $0x1  }
0x17: {  	s4 =	simm.s32 $0x1BF5;
	[smem:$0x3FAF] =	sst s0  }
0x18: {  	s0 =	sld [smem:$0x3F92];
	_ =	swait.ge [sflag:s4], $0x0  }
0x19: {  	s7 =	sld [smem:$0x3F93]  }
0x1a: {  	s8 =	sadd.s32 $0xFFFFE003, lr  }
0x1b: {  	s9 =	sadd.s32 $0xFFFFFEF7, lr;
	s5 =	simm.s32 $0xFFFFFFFF;
	p2 =	slt.u32 s8, $0xFFFFF086  }
0x1c: {  	p1 =	slt.u32 s9, $0xF7A;
	s5 =	simm.s32 @!p2 $0x0  }
0x1d: {  	s5 =	simm.s32 @p1 $0x1;
	p0 =	seq.s32 s7, s2  }
0x1e: {  	s7 =	smul.u32 @!p0 $0xF7A, s2;
	p2 =	seq.s32 @!p0 s5, $0x0  }
0x1f: {  	s9 =	smul.u32 $0xF7A, s1;
	s8 =	simm.s32 @!p0 $0x1BF5;
	p2 =	por !p2, p0  }
0x20: {  	[sflag:s8] =	ssyncset.s32 @!p0 $0xFFFFF086;
	s6 =	sadd.s32 @!p0 s3, s7;
	s7 =	simm.s32 @!p0 $0x108  }
0x21: {  	s3 =	sadd.s32 s3, s9;
	s6 =	sadd.s32 @!p0 $0x88, s6;
	s7 =	simm.s32 @p2 $0x1082  }
0x22: {  	[simem:s7], [sflag:s8] =	dma.local @!p0 [hbm:s6], $0xF7A  }
0x23: {  	s9 =	sor.u32 $0xD0000000, s2;
	s6 =	simm.s32 $0x108;
	_ =	swait.ge @!p0 [sflag:s8], $0x0  }
0x24: {  	s3 =	sadd.s32 $0x88, s3;
	s6 =	simm.s32 @!p1 $0x1082;
	[sflag:s4] =	ssyncset.s32 $0xFFFFF086  }
0x25: {  	[simem:s6], [sflag:s4] =	dma.local [hbm:s3], $0xF7A  }
0x26: {  	[smem:$0x3F93] =	sst s1;
	(tag) =	ssettag s2;
	_ =	strace s9  }
0x27: {  	s1 =	sld [smem:$0x3FA3]  }
0x28: {  	s2 =	sld [smem:$0x3FA4]  }
0x29: {  	s4 =	sld [smem:$0x3FA6]  }
0x2a: {  	p0 =	seq.s32 s5, $0x0;
	s5 =	sld [smem:$0x3FA7]  }
0x2b: {  	s6 =	sld [smem:$0x3FA8]  }
0x2c: {  	s7 =	sld [smem:$0x3FA9]  }
0x2d: {  	s3 =	simm.s32 $0x108;
	s8 =	sld [smem:$0x3FAA]  }
0x2e: {  	s3 =	simm.s32 @!p0 $0x1082;
	s9 =	sld [smem:$0x3FAB]  }
0x2f: {  	lr =	sadd.s32 s0, s3;
	s0 =	sld [smem:$0x3FA2]  }
0x30: {  	s3 =	sld [smem:$0x3FA5]  }
0x31: {  	[smem:$0x3FAE] =	sst s10  }
0x32: {  	s10 =	sld [smem:$0x3FAC];
	_ =	sdelay $0x3  }
0x33: {  	p0 =	seq.s32 s10, $0x1;
	s10 =	sld [smem:$0x3FAE];
	_ =	sdelay $0x3  }
0x34: {  	[smem:$0x3FAE] =	sst s10  }
0x35: {  	s10 =	sld [smem:$0x3FAD];
	_ =	sdelay $0x3  }
0x36: {  	p1 =	seq.s32 s10, $0x1;
	s10 =	sld [smem:$0x3FAE];
	_ =	sdelay $0x3  }
0x37: {  	[smem:$0x3FAE] =	sst s10  }
0x38: {  	s10 =	sld [smem:$0x3FAF]  }
0x39: {  	_ = 	snop;
	(pc) =	sbr.ind lr, $3  }
0x3a: {  	_ = 	snop  }
0x3b: {  	_ = 	snop  }
0x3c: {  	p2 =	seq.s32 s10, $0x1;
	s10 =	sld [smem:$0x3FAE]  }
0x3d: {  	_ =	shalt  }
0x3e: {  	_ =	shalt  }
0x3f: {  	_ =	shalt  }
0x40: {  	_ =	shalt  }
0x41: {  	_ =	shalt  }
0x42: {  	_ =	shalt  }
0x43: {  	_ =	shalt  }
0x44: {  	_ =	shalt  }
0x45: {  	_ =	shalt  }
0x46: {  	_ =	shalt  }
0x47: {  	_ =	shalt  }
0x48: {  	_ =	shalt  }
0x49: {  	_ =	shalt  }
0x4a: {  	_ =	shalt  }
0x4b: {  	_ =	shalt  }
0x4c: {  	_ =	shalt  }
0x4d: {  	_ =	shalt  }
0x4e: {  	_ =	shalt  }
0x4f: {  	_ =	shalt  }
0x50: {  	_ =	shalt  }
0x51: {  	_ =	shalt  }
0x52: {  	_ =	shalt  }
0x53: {  	_ =	shalt  }
0x54: {  	_ =	shalt  }
0x55: {  	_ =	shalt  }
0x56: {  	_ =	shalt  }
0x57: {  	_ =	shalt  }
0x58: {  	_ =	shalt  }
0x59: {  	_ =	shalt  }
0x5a: {  	_ =	shalt  }
0x5b: {  	_ =	shalt  }
0x5c: {  	_ =	shalt  }
0x5d: {  	_ =	shalt  }
0x5e: {  	_ =	shalt  }
0x5f: {  	_ =	shalt  }
0x60: {  	_ =	shalt  }
0x61: {  	_ =	shalt  }
0x62: {  	_ =	shalt  }
0x63: {  	_ =	shalt  }
0x64: {  	_ =	shalt  }
0x65: {  	_ =	shalt  }
0x66: {  	_ =	shalt  }
0x67: {  	_ =	shalt  }
0x68: {  	_ =	shalt  }
0x69: {  	_ =	shalt  }
0x6a: {  	_ =	shalt  }
0x6b: {  	_ =	shalt  }
0x6c: {  	_ =	shalt  }
0x6d: {  	_ =	shalt  }
0x6e: {  	_ =	shalt  }
0x6f: {  	_ =	shalt  }
0x70: {  	_ =	shalt  }
0x71: {  	_ =	shalt  }
0x72: {  	_ =	shalt  }
0x73: {  	_ =	shalt  }
0x74: {  	_ =	shalt  }
0x75: {  	_ =	shalt  }
0x76: {  	_ =	shalt  }
0x77: {  	_ =	shalt  }
0x78: {  	_ =	shalt  }
0x79: {  	_ =	shalt  }
0x7a: {  	_ =	shalt  }
0x7b: {  	_ =	shalt  }
0x7c: {  	_ =	shalt  }
0x7d: {  	_ =	shalt  }
0x7e: {  	_ =	shalt  }
0x7f: {  	_ =	shalt  }
0x80: {  	_ =	shalt  }
0x81: {  	_ =	shalt  }
0x82: {  	_ =	shalt  }
0x83: {  	_ =	shalt  }
0x84: {  	_ =	shalt  }
0x85: {  	_ =	shalt  }
0x86: {  	_ =	shalt  }
0x87: {  	_ =	shalt  }
.Lfunc_end0:
.L_simem_size_0:
called_computation.2_lowered:
.L_overlay_start_0:
0x88: {  	s2 =	sld [smem:$0x3FD9]  }
0x89: {  	s3 =	sld [smem:$0x3FFE];
	_ =	sdelay $0x1  }
0x8a: {  	s1 =	srdreg.scid  }
0x8b: {  	s0 =	sand.u32 $0x1, s1  }
0x8c: {  	s15 =	sshll.u32 s0, $0xA;
	s2 =	sadd.s32 s3, s2  }
0x8d: {  	s2 =	sadd.s32 s2, s15  }
0x8e: {  	[smem:$0x3FBA] =	sst s2  }
0x8f: {  	_ = 	snop  }
0x90: {  	s2 =	sld [smem:$0x3FD0];
	_ =	sdelay $0x2  }
0x91: {  	s5 =	simm.s32 $0xB;
	s16 =	simm.s32 $0x10  }
0x92: {  	[smem:s16], [sflag:s5] =	dma.local [hbm:s2], $0x1  }
0x93: {  	_ =	swait.eq [sflag:s5], $0x1  }
0x94: {  	s17 =	sld [smem:$0x10];
	[sflag:s5] =	ssyncset.done $0x0  }
0x95: {  	s4 =	sld [smem:$0x13];
	[sflag:s5] =	ssyncadd.s32 $0xFFFFFFFF  }
0x96: {  	s18 =	sld [smem:$0x14];
	(tm) =	ssettm $0x1  }
0x97: {  	s19 =	sld [smem:$0x3FFB];
	_ =	sdelay $0x3  }
0x98: {  	_ =	strace s19  }
0x99: {  	s2 =	sld [smem:$0x3FFC];
	_ =	sdelay $0x3  }
0x9a: {  	_ =	strace s2  }
0x9b: {  	s2 =	sld [smem:$0x3FFD];
	_ =	sdelay $0x3  }
0x9c: {  	_ =	strace s2  }
0x9d: {  	_ =	strace $0x8FFFFFFF  }
0x9e: {  	s20 =	sld [smem:$0x3FDB];
	_ =	sdelay $0x1  }
0x9f: {  	s6 =	simm.s32 $_scs_section_size  }
0xa0: {  	s7 =	simm.s32 $_size__tile_overlayer_lowered;
	s8 =	simm.s32 $_tile_overlayer_lowered  }
0xa1: {  	s9 =	simm.s32 $0x1BFF;
	s21 =	sshll.u32 s8, $0x1;
	s6 =	sadd.s32 s6, s20  }
0xa2: {  	s22 =	simm.s32 $0x0;
	s7 =	sshll.u32 s7, $0x1;
	s8 =	sadd.s32 s21, s6  }
0xa3: {  	[timem:s22], [sflag:s9] =	dma.local [hbm:s8], s7  }
0xa4: {  	_ =	swait.ge [sflag:s9], s7  }
0xa5: {  	s7 =	ssub.s32 $0x0, s7;
	[sflag:s9] =	ssyncset.done $0x0  }
0xa6: {  	[sflag:s9] =	ssyncadd.s32 s7;
	_ =	sdelay $0x1  }
0xa7: {  	s23 =	simm.s32 $0x1B8B  }
0xa8: {  	_ =	swait.ge [sflag:s23], $0x1  }
0xa9: {  	[sflag:s23] =	ssyncset.done $0x0  }
0xaa: {  	[sflag:s23] =	ssyncadd.s32 $0xFFFFFFFF  }
0xab: {  	s7 =	sld [smem:$0x0]  }
0xac: {  	s8 =	sand.u32 $0xFFFFFFFE, s1  }
0xad: {  	p0 =	sne.s32 s1, s8  }
0xae: {  	s8 =	sshll.u32 @p0 s8, $0xE  }
0xaf: {  	s8 =	sadd.s32 @p0 $0x11B8D, s8;
	s9 =	sshll.u32 @p0 s7, $0x11  }
0xb0: {  	s8 =	sor.u32 @p0 s9, s8  }
0xb1: {  	[sflag:s8] =	ssyncadd.remote.s32 @p0 $0x1;
	_ =	sdelay $0x1  }
0xb2: {  	s8 =	simm.s32 @p0 $0x1B8D  }
0xb3: {  	_ =	swait.eq @p0 [sflag:s8], $0x1  }
0xb4: {  	[sflag:s8] =	ssyncadd.s32 @p0 $0xFFFFFFFF  }
0xb5: {  	s9 =	sshll.u32 @!p0 s1, $0xE  }
0xb6: {  	s9 =	sor.u32 @!p0 $0x4000, s9;
	s8 =	simm.s32 @!p0 $0x1B8D  }
0xb7: {  	s7 =	sshll.u32 @!p0 s7, $0x11;
	s9 =	sadd.s32 @!p0 $0x11B8D, s9;
	_ =	swait.eq @!p0 [sflag:s8], $0x1  }
0xb8: {  	s7 =	sor.u32 @!p0 s7, s9;
	[sflag:s8] =	ssyncadd.s32 @!p0 $0xFFFFFFFF  }
0xb9: {  	s25 =	simm.s32 $0x1B8E;
	s24 =	sld [smem:$0x3FFE];
	[sflag:s7] =	ssyncadd.remote.s32 @!p0 $0x1  }
0xba: {  	s26 =	simm.s32 $execute0_lowered;
	[smem:$0x3FD2] =	sst s25  }
0xbb: {  	s8 =	sshll.u32 s26, $0x1;
	_ =	strace $0x80000049;
	[dreg:$0x1] =	wrdreg $0xFFFFFFFF  }
0xbc: {  	s28 =	simm.s32 $_size_execute0_lowered;
	s6 =	sadd.s32 s6, s8;
	[dreg:$0x0] =	wrdreg $0x0  }
0xbd: {  	s8 =	sshll.u32 s28, $0x1;
	[dreg:$0x2] =	wrdreg s6  }
0xbe: {  	[dreg:$0x3] =	wrdreg s8  }
0xbf: {  	[dreg:$0x4] =	wrdreg $0xC0  }
0xc0: {  	_ =	task [dreg:s22], $0x5FFFF  }
0xc1: {  	[dreg:$0x1] =	wrdreg $0xFFFFFFFF  }
0xc2: {  	[dreg:$0x0] =	wrdreg $0x60  }
0xc3: {  	[dreg:$0x2] =	wrdreg s4  }
0xc4: {  	[dreg:$0x3] =	wrdreg s24  }
0xc5: {  	[dreg:$0x4] =	wrdreg s18  }
0xc6: {  	[dreg:$0x5] =	wrdreg s17  }
0xc7: {  	[dreg:$0x6] =	wrdreg $0x9A800  }
0xc8: {  	[dreg:$0x7] =	wrdreg $0x9  }
0xc9: {  	_ =	task.clear_ibuf [dreg:s22], $0x8FFFF;
	_ =	strace $0x90000049  }
0xca: {  	s29 =	simm.s32 $0x9;
	_ =	strace $0x8000004B  }
0xcb: {  	_ =	swait.ge [sflag:s29], $0x1  }
0xcc: {  	[sflag:s29] =	ssyncadd.s32 $0xFFFFFFFF  }
0xcd: {  	_ =	strace $0x9000004B  }
0xce: {  	_ =	sfence  }
0xcf: {  	s30 =	sld [smem:$0x0];
	_ =	sdelay $0x2  }
0xd0: {  	s31 =	sshll.u32 s1, $0xD;
	s1 =	sshrl.u32 s1, $0x2  }
0xd1: {  	s4 =	sand.u32 $0x4000, s31;
	s1 =	sadd.s32 s1, s30  }
0xd2: {  	s0 =	sor.u32 s4, s0;
	s1 =	sshll.u32 s1, $0x11  }
0xd3: {  	s0 =	sor.u32 s1, s0  }
0xd4: {  	s0 =	sadd.s32 $0x8F2B, s0  }
0xd5: {  	[sflag:s0] =	ssyncadd.remote.s32 $0x1  }
0xd6: {  	_ =	sfence.sel $0xFFFF  }
0xd7: {  	[dreg:$0x0] =	wrdreg $0xFFFFFFFF;
	(pc) =	sbr.abs _section_cstart, $3  }
0xd8: {  	[dreg:$0x1] =	wrdreg $0xFFFFFFFF  }
0xd9: {  	_ =	task.clear_ibuf [dreg:s22], $0x2FFFF;
	_ =	strace $0x9FFFFFFF  }
0xda: {  	(tm) =	ssettm $0x7FFFFFFF  }
0xdb: {  	_ =	shalt  }
tec
execute0_lowered:
.L_overlay_start_1:
0x0: {  	(tag) =	ssettag $0x1  }
0x1: {  	s1 =	rddreg [dreg:$0x0]  }
0x2: {  	s0 =	rddreg [dreg:$0x1]  }
0x3: {  	s5 =	rddreg [dreg:$0x2]  }
0x4: {  	s2 =	rddreg [dreg:$0x3]  }
0x5: {  	s3 =	rddreg [dreg:$0x4];
	s4 =	simm.s32 $0x0;
	s7 =	srdreg.scid  }
0x6: {  	s12 =	stileid.u32;
	s29 =	simm.s32 $0x4280;
	s30 =	simm.s32 $0x4A80  }
0x7: {  	[smem:$0x7FF] =	sst s4;
	s6 =	sadd.s32 $0x8E200, s0;
	s8 =	sadd.s32 $0x8E000, s0  }
0x8: {  	s7 =	sand.u32 $0x1, s7;
	s18 =	smul.u32 $0x13A00, s12;
	s9 =	sadd.s32 $0x98000, s0  }
0x9: {  	_ =	strace $0x8000004A;
	[dreg:$0x6] =	wrdreg s8;
	s19 =	ssub.s32 $0x2, s7  }
0xa: {  	[dreg:$0x7] =	wrdreg s9;
	s10 =	sshrl.u32 s19, $0x1;
	s8 =	sshrl.u32 s18, $0x2  }
0xb: {  	s9 =	sadd.s32 $0x98200, s0;
	s0 =	ssub.s32 s19, s10;
	s10 =	sadd.s32 s8, s3  }
0xc: {  	s31 =	simm.s32 $0x8980;
	s28 =	simm.s32 $0x0;
	s8 =	sadd.s32 $0x9D0, s10  }
0xd: {  	s11 =	sshll.u32 s12, $0x1;
	s20 =	sadd.s32 $0x13A0, s10;
	[dreg:$0x8] =	wrdreg s8  }
0xe: {  	s21 =	smul.u32 $0x700, s12;
	s22 =	sadd.s32 $0x1D70, s10;
	[dreg:$0x9] =	wrdreg s20  }
0xf: {  	s7 =	sor.u32 s7, s11;
	s23 =	sadd.s32 $0x2740, s10;
	[dreg:$0xa] =	wrdreg s22  }
0x10: {  	s18 =	sadd.s32 s5, s21;
	s24 =	sadd.s32 $0x3110, s10;
	[dreg:$0xb] =	wrdreg s23  }
0x11: {  	s21 =	simm.s32 $0x3880;
	s25 =	sadd.s32 $0x3AE0, s10;
	[dreg:$0xc] =	wrdreg s24  }
0x12: {  	s5 =	simm.s32 $0x9180;
	s26 =	sadd.s32 $0x44B0, s10;
	[dreg:$0xd] =	wrdreg s25  }
0x13: {  	v2 =	vlaneseq.u32;
	s19 =	smul.u32 $0x2710, s7;
	[dreg:$0xe] =	wrdreg s26;
	s20 =	smax.u32 s0, $0x1  }
0x14: {  	v0 =	vimm.s32 $0x0;
	v1 =	vimm.s32 $0x1;
	v2 =	vshrl.u32 v2, $0x2;
	s22 =	simm.s32 $0x2;
	s23 =	simm.s32 $0x80;
	s24 =	simm.s32 $0x3800  }
0x15: {  	v3 =	vor.u32 $0x4, v2;
	v4 =	vor.u32 $0x8, v2;
	v5 =	vor.u32 $0xC, v2;
	s25 =	simm.s32 $0x1;
	s0 =	simm.s32 $0x6A00;
	s26 =	simm.s32 $0x0  }
.LBB2_1:
0x16: {  	s7 =	simm.s32 $0x40;
	s8 =	simm.s32 $0x0  }
.LBB2_2:
0x17: {  	p0 =	sne.s32 s7, $0x2700;
	[tilespmem:s8+$0x3880] =	vst v0;
	s8 =	smov.u32 s7;
	s7 =	sadd.s32 $0x40, s7  }
.Ltmp0:
0x18: {  	(pc) =	sbr.rel @p0 .LBB2_2-.Ltmp0, $2  }
0x19: {  	_ =	sdelay $0x2  }
0x1a: {  	s8 =	sshra.s32 s8, $0x2  }
0x1b: {  	[tilespmem:s8+$0x3880] =	vst v0  }
0x1c: {  	[tilespmem:$0x3800] =	vst v1  }
0x1d: {  	[tilespmem:$0x3810] =	vst v1  }
0x1e: {  	[tilespmem:$0x3820] =	vst v1  }
0x1f: {  	[tilespmem:$0x3830] =	vst v1  }
0x20: {  	[tilespmem:$0x3840] =	vst v1  }
0x21: {  	[tilespmem:$0x3850] =	vst v1  }
0x22: {  	[tilespmem:$0x3860] =	vst v1  }
0x23: {  	[tilespmem:$0x3870] =	vst v1  }
0x24: {  	[spmem:s10] =	stream.linear.scatter [tilespmem:s21], [sflag:$0x2], $0x9D0, $0x38;
	[tilespmem:$0xE900] =	vst v63  }
0x25: {  	_ =	swait.ge [sflag:s22], $0x9D0  }
0x26: {  	[sflag:s22] =	ssyncset.done $0x0  }
0x27: {  	s7 =	rddreg [dreg:$0x8];
	[sflag:s22] =	ssyncadd.s32 $0xFFFFF630  }
0x28: {  	[spmem:s7] =	stream.linear.scatter [tilespmem:s21], [sflag:$0x2], $0x9D0, $0x38;
	[tilespmem:$0xE900] =	vst v63  }
0x29: {  	_ =	swait.ge [sflag:s22], $0x9D0  }
0x2a: {  	[sflag:s22] =	ssyncset.done $0x0  }
0x2b: {  	s12 =	rddreg [dreg:$0x9];
	[sflag:s22] =	ssyncadd.s32 $0xFFFFF630  }
0x2c: {  	[spmem:s12] =	stream.linear.scatter [tilespmem:s21], [sflag:$0x2], $0x9D0, $0x38;
	[tilespmem:$0xE900] =	vst v63  }
0x2d: {  	_ =	swait.ge [sflag:s22], $0x9D0  }
0x2e: {  	[sflag:s22] =	ssyncset.done $0x0  }
0x2f: {  	s13 =	rddreg [dreg:$0xa];
	[sflag:s22] =	ssyncadd.s32 $0xFFFFF630  }
0x30: {  	[spmem:s13] =	stream.linear.scatter [tilespmem:s21], [sflag:$0x2], $0x9D0, $0x38;
	[tilespmem:$0xE900] =	vst v63  }
0x31: {  	_ =	swait.ge [sflag:s22], $0x9D0  }
0x32: {  	[sflag:s22] =	ssyncset.done $0x0  }
0x33: {  	s14 =	rddreg [dreg:$0xb];
	[sflag:s22] =	ssyncadd.s32 $0xFFFFF630  }
0x34: {  	[spmem:s14] =	stream.linear.scatter [tilespmem:s21], [sflag:$0x2], $0x9D0, $0x38;
	[tilespmem:$0xE900] =	vst v63  }
0x35: {  	_ =	swait.ge [sflag:s22], $0x9D0  }
0x36: {  	[sflag:s22] =	ssyncset.done $0x0  }
0x37: {  	s15 =	rddreg [dreg:$0xc];
	[sflag:s22] =	ssyncadd.s32 $0xFFFFF630  }
0x38: {  	[spmem:s15] =	stream.linear.scatter [tilespmem:s21], [sflag:$0x2], $0x9D0, $0x38;
	[tilespmem:$0xE900] =	vst v63  }
0x39: {  	_ =	swait.ge [sflag:s22], $0x9D0  }
0x3a: {  	[sflag:s22] =	ssyncset.done $0x0  }
0x3b: {  	s16 =	rddreg [dreg:$0xd];
	[sflag:s22] =	ssyncadd.s32 $0xFFFFF630  }
0x3c: {  	[spmem:s16] =	stream.linear.scatter [tilespmem:s21], [sflag:$0x2], $0x9D0, $0x38;
	[tilespmem:$0xE900] =	vst v63  }
0x3d: {  	_ =	swait.ge [sflag:s22], $0x9D0  }
0x3e: {  	[sflag:s22] =	ssyncset.done $0x0  }
0x3f: {  	s17 =	rddreg [dreg:$0xe];
	[sflag:s22] =	ssyncadd.s32 $0xFFFFF630  }
0x40: {  	[spmem:s17] =	stream.linear.scatter [tilespmem:s21], [sflag:$0x2], $0x9D0, $0x38;
	[tilespmem:$0xE900] =	vst v63  }
0x41: {  	_ =	swait.ge [sflag:s22], $0x9D0  }
0x42: {  	[sflag:s22] =	ssyncset.done $0x0  }
0x43: {  	[sflag:s22] =	ssyncadd.s32 $0xFFFFF630  }
0x44: {  	s7 =	simm.s32 $0x0;
	[bflag:$0x0] =	sbarrier.arrive $0xFFFF  }
0x45: {  	[tilespmem:s7], [sflag:$0x2] =	stream.linear.gather [hbm4b:s18+s7], $0x3800, $0x38;
	[tilespmem:$0xE900] =	vst v63  }
0x46: {  	_ =	swait.ge [sflag:s22], $0x3800  }
0x47: {  	[sflag:s22] =	ssyncset.done $0x0  }
0x48: {  	[sflag:s22] =	ssyncadd.s32 $0xFFFFC800  }
.LBB2_4:
0x49: {  	p0 =	sne.s32 s7, $0xDE00  }
.Ltmp1:
0x4a: {  	_ = 	snop;
	(pc) =	sbr.rel @p0 .LBB2_4-.Ltmp1, $3  }
0x4b: {  	_ =	sdelay $0x1  }
0x4c: {  	s8 =	sshra.s32 s7, $0x2;
	s7 =	sadd.s32 $0x200, s7  }
0x4d: {  	[spmem:s3] =	stream.indirect.scatter [tilespmem:s24], [sflag:$0x1], $0x1, s8, s23, $0xb8;
	[tilespmem:$0xE900] =	vst v63  }
0x4e: {  	_ =	swait.ge [sflag:s25], $0x80  }
0x4f: {  	s7 =	simm.s32 $0x6F;
	[sflag:s25] =	ssyncset.done $0x0  }
.LBB2_6:
0x50: {  	p0 =	sne.s32 s7, $0x1;
	s7 =	sadd.s32 $0xFFFFFFFF, s7;
	[sflag:s25] =	ssyncadd.s32 $0xFFFFFF80  }
.Ltmp2:
0x51: {  	(pc) =	sbr.rel @p0 .LBB2_6-.Ltmp2, $3  }
0x52: {  	_ =	sdelay $0x1  }
0x53: {  	_ =	swait.ge [sflag:s25], $0x80  }
0x54: {  	[sflag:s25] =	ssyncset.done $0x0  }
0x55: {  	[sflag:s25] =	ssyncadd.s32 $0xFFFFFF80  }
0x56: {  	[bflag:$0x0] =	sbarrier.arrive $0xFFFF  }
0x57: {  	s8 =	simm.s32 $0x9980;
	s7 =	rddreg [dreg:$0x6]  }
0x58: {  	[tilespmem:s8], [sflag:$0x2] =	stream.linear.gather [hbm4b:s7+s28], $0x80, $0x38;
	[tilespmem:$0xE900] =	vst v63  }
0x59: {  	_ =	swait.ge [sflag:s22], $0x80  }
0x5a: {  	[sflag:s22] =	ssyncset.done $0x0  }
0x5b: {  	s17 =	simm.s32 $0x9A00;
	s16 =	rddreg [dreg:$0x7];
	[sflag:s22] =	ssyncadd.s32 $0xFFFFFF80  }
0x5c: {  	[tilespmem:s17], [sflag:$0x2] =	stream.linear.gather [hbm4b:s16+s28], $0x80, $0x38;
	[tilespmem:$0xE900] =	vst v63  }
0x5d: {  	_ =	swait.ge [sflag:s22], $0x80  }
0x5e: {  	[sflag:s22] =	ssyncset.done $0x0  }
0x5f: {  	[sflag:s22] =	ssyncadd.s32 $0xFFFFFF80  }
0x60: {  	v6 =	vld [tilespmem:$0x9980]  }
0x61: {  	s7 =	simm.s32 $0x0;
	v7 =	vld [tilespmem:$0x9A00]  }
.LBB2_8:
0x62: {  	s8 =	smul.u32 $0x7D0, s7;
	_ =	sdelay $0x1  }
0x63: {  	s11 =	sadd.s32 s19, s8  }
0x64: {  	s8 =	sadd.s32 s11, s3  }
0x65: {  	[tilespmem:s29], [sflag:$0x2] =	stream.linear.gather [spmem:s8], $0x7D0, $0x38;
	[tilespmem:$0xE900] =	vst v63  }
0x66: {  	_ =	swait.ge [sflag:s22], $0x7D0  }
0x67: {  	s8 =	sshrl.u32 s11, $0x1;
	[sflag:s22] =	ssyncset.done $0x0  }
0x68: {  	s12 =	sadd.s32 s1, s8;
	[sflag:s22] =	ssyncadd.s32 $0xFFFFF830  }
0x69: {  	[tilespmem:s30], [sflag:$0x2] =	stream.linear.gather [hbm4b:s12+s28], $0x1F40, $0x38;
	[tilespmem:$0xE900] =	vst v63  }
0x6a: {  	_ =	swait.ge [sflag:s22], $0x1F40  }
0x6b: {  	s11 =	sshrl.u32 s11, $0x3;
	[sflag:s22] =	ssyncset.done $0x0  }
0x6c: {  	s16 =	sadd.s32 s6, s11;
	[sflag:s22] =	ssyncadd.s32 $0xFFFFE0C0  }
0x6d: {  	[tilespmem:s31], [sflag:$0x2] =	stream.linear.gather [hbm4b:s16+s28], $0x7D0, $0x38;
	[tilespmem:$0xE900] =	vst v63  }
0x6e: {  	_ =	swait.ge [sflag:s22], $0x7D0  }
0x6f: {  	[sflag:s22] =	ssyncset.done $0x0  }
0x70: {  	s17 =	simm.s32 $0x0;
	[sflag:s22] =	ssyncadd.s32 $0xFFFFF830  }
0x71: {  	v8 =	vld [tilespmem:s17+$0x4280]  }
0x72: {  	v9 =	vld [tilespmem:s17+$0x8980];
	_ =	sdelay $0x3  }
0x73: {  	vm0 =	vgt.s32 v8, $0x0  }
0x74: {  	v9 =	vsel vm0, v7, v9  }
0x75: {  	s13 =	simm.s32 $0x4AA0;
	[tilespmem:s17+$0x9180] =	vst v9  }
0x76: {  	v9 =	vld [tilespmem:s13+$0xFFFFFFE0];
	_ =	sdelay $0x1  }
0x77: {  	v10 =	vperm.xlane v8, v2;
	_ =	sdelay $0x1  }
0x78: {  	vm12 =	vgt.s32 v10, $0x0  }
0x79: {  	s12 =	simm.s32 $0x6A20;
	v9 =	vsel vm12, v6, v9  }
0x7a: {  	[tilespmem:s12+$0xFFFFFFE0] =	vst v9  }
0x7b: {  	v9 =	vld [tilespmem:s13+$0xFFFFFFF0];
	_ =	sdelay $0x1  }
0x7c: {  	v10 =	vperm.xlane v8, v3;
	_ =	sdelay $0x1  }
0x7d: {  	vm13 =	vgt.s32 v10, $0x0  }
0x7e: {  	v9 =	vsel vm13, v6, v9  }
0x7f: {  	[tilespmem:s12+$0xFFFFFFF0] =	vst v9  }
0x80: {  	v9 =	vld [tilespmem:s13+$0x0];
	_ =	sdelay $0x1  }
0x81: {  	v10 =	vperm.xlane v8, v4;
	_ =	sdelay $0x1  }
0x82: {  	vm14 =	vgt.s32 v10, $0x0  }
0x83: {  	v9 =	vsel vm14, v6, v9  }
0x84: {  	[tilespmem:s12+$0x0] =	vst v9  }
0x85: {  	v9 =	vld [tilespmem:s13+$0x10];
	_ =	sdelay $0x1  }
0x86: {  	v8 =	vperm.xlane v8, v5;
	_ =	sdelay $0x1  }
0x87: {  	vm15 =	vgt.s32 v8, $0x0  }
0x88: {  	s14 =	simm.s32 $0x40;
	s15 =	simm.s32 $0x80;
	s13 =	simm.s32 $0x4AE0;
	v8 =	vsel vm15, v6, v9  }
.LBB2_9:
0x89: {  	s16 =	sshra.s32 s14, $0x2  }
0x8a: {  	[tilespmem:s12+$0x10] =	vst v8;
	s12 =	sadd.s32 $0x40, s12;
	s14 =	smov.u32 s15;
	s17 =	sadd.s32 $0x40, s15  }
0x8b: {  	p0 =	sne.s32 s15, $0x1F00;
	v8 =	vld [tilespmem:s16+$0x4280]  }
0x8c: {  	v9 =	vld [tilespmem:s16+$0x8980];
	_ =	sdelay $0x3  }
0x8d: {  	vm0 =	vgt.s32 v8, $0x0;
	v10 =	vperm.xlane v8, v2;
	v11 =	vperm.xlane v8, v3  }
0x8e: {  	v12 =	vperm.xlane v8, v4;
	v8 =	vperm.xlane v8, v5;
	v9 =	vsel vm0, v7, v9  }
0x8f: {  	[tilespmem:s16+$0x9180] =	vst v9  }
0x90: {  	v9 =	vld [tilespmem:s13+$0xFFFFFFE0];
	_ =	sdelay $0x3  }
0x91: {  	vm0 =	vgt.s32 v10, $0x0  }
0x92: {  	v9 =	vsel vm0, v6, v9  }
0x93: {  	[tilespmem:s12+$0xFFFFFFE0] =	vst v9  }
0x94: {  	v9 =	vld [tilespmem:s13+$0xFFFFFFF0];
	_ =	sdelay $0x3  }
0x95: {  	vm0 =	vgt.s32 v11, $0x0  }
0x96: {  	v9 =	vsel vm0, v6, v9  }
0x97: {  	[tilespmem:s12+$0xFFFFFFF0] =	vst v9  }
0x98: {  	v9 =	vld [tilespmem:s13+$0x0];
	_ =	sdelay $0x3  }
0x99: {  	vm0 =	vgt.s32 v12, $0x0  }
0x9a: {  	v9 =	vsel vm0, v6, v9  }
0x9b: {  	[tilespmem:s12+$0x0] =	vst v9  }
0x9c: {  	v9 =	vld [tilespmem:s13+$0x10]  }
.Ltmp3:
0x9d: {  	(pc) =	sbr.rel @p0 .LBB2_9-.Ltmp3, $3  }
0x9e: {  	_ =	sdelay $0x1  }
0x9f: {  	vm0 =	vgt.s32 v8, $0x0  }
0xa0: {  	s15 =	smov.u32 s17;
	s13 =	sadd.s32 $0x40, s13;
	v8 =	vsel vm0, v6, v9  }
0xa1: {  	s14 =	sshra.s32 s14, $0x2;
	[tilespmem:s12+$0x10] =	vst v8  }
0xa2: {  	v8 =	vld [tilespmem:s14+$0x4280]  }
0xa3: {  	v9 =	vld [tilespmem:s14+$0x8980];
	_ =	sdelay $0x3  }
0xa4: {  	vm0 =	vgt.s32 v8, $0x0  }
0xa5: {  	v9 =	vsel vm0, v7, v9  }
0xa6: {  	[tilespmem:s14+$0x9180] =	vst v9  }
0xa7: {  	v9 =	vld [tilespmem:s13+$0xFFFFFFE0];
	_ =	sdelay $0x1  }
0xa8: {  	v10 =	vperm.xlane v8, v2;
	_ =	sdelay $0x1  }
0xa9: {  	vm12 =	vgt.s32 v10, $0x0  }
0xaa: {  	s16 =	sadd.s32 $0x40, s12;
	v9 =	vsel vm12, v6, v9  }
0xab: {  	[tilespmem:s16+$0xFFFFFFE0] =	vst v9  }
0xac: {  	v9 =	vld [tilespmem:s13+$0xFFFFFFF0];
	_ =	sdelay $0x1  }
0xad: {  	v62 =	vperm.xlane v8, v3;
	_ =	sdelay $0x1  }
0xae: {  	vm13 =	vgt.s32 v62, $0x0  }
0xaf: {  	v9 =	vsel vm13, v6, v9  }
0xb0: {  	[tilespmem:s16+$0xFFFFFFF0] =	vst v9  }
0xb1: {  	v9 =	vld [tilespmem:s13+$0x0];
	_ =	sdelay $0x1  }
0xb2: {  	v63 =	vperm.xlane v8, v4;
	_ =	sdelay $0x1  }
0xb3: {  	vm14 =	vgt.s32 v63, $0x0  }
0xb4: {  	v9 =	vsel vm14, v6, v9  }
0xb5: {  	[tilespmem:s16+$0x0] =	vst v9  }
0xb6: {  	v9 =	vld [tilespmem:s13+$0x10];
	_ =	sdelay $0x1  }
0xb7: {  	v8 =	vperm.xlane v8, v5;
	_ =	sdelay $0x1  }
0xb8: {  	vm15 =	vgt.s32 v8, $0x0  }
0xb9: {  	v8 =	vsel vm15, v6, v9  }
0xba: {  	s8 =	sadd.s32 s2, s8;
	[tilespmem:s16+$0x10] =	vst v8  }
0xbb: {  	[hbm4b:s8+s4] =	stream.linear.scatter [tilespmem:s0], [sflag:$0x2], $0x1F40, $0x38;
	[tilespmem:$0xE900] =	vst v63  }
0xbc: {  	s7 =	sadd.s32 $0x1, s7;
	_ =	swait.ge [sflag:s22], $0x1F40  }
0xbd: {  	p0 =	sne.s32 s7, $0x5;
	[sflag:s22] =	ssyncset.done $0x0  }
.Ltmp4:
0xbe: {  	s17 =	sadd.s32 s9, s11;
	[sflag:s22] =	ssyncadd.s32 $0xFFFFE0C0;
	(pc) =	sbr.rel @p0 .LBB2_8-.Ltmp4, $4  }
0xbf: {  	[hbm4b:s17+s4] =	stream.linear.scatter [tilespmem:s5], [sflag:$0x2], $0x7D0, $0x38;
	[tilespmem:$0xE900] =	vst v63  }
0xc0: {  	_ =	swait.ge [sflag:s22], $0x7D0  }
0xc1: {  	[sflag:s22] =	ssyncset.done $0x0  }
0xc2: {  	[sflag:s22] =	ssyncadd.s32 $0xFFFFF830  }
0xc3: {  	s26 =	sadd.s32 $0x1, s26  }
0xc4: {  	p0 =	sne.s32 s26, s20  }
.Ltmp5:
0xc5: {  	_ = 	snop;
	(pc) =	sbr.rel @p0 .LBB2_1-.Ltmp5, $1  }
0xc6: {  	_ =	sdelay $0x3  }
0xc7: {  	_ =	sfence.sel $0x180000  }
0xc8: {  	[bflag:$0x0] =	sbarrier.arrive $0xFFFF  }
0xc9: {  	_ =	strace $0x9000004A  }
0xca: {  	s0 =	stileid.u32;
	[bflag:$0x2] =	sbarrier.arrive $0xFFFF  }
0xcb: {  	p0 =	sne.s32 s0, $0x0;
	s0 =	rddreg [dreg:$0x5]  }
0xcc: {  	s0 =	sadd.s32 @!p0 $0x100000, s0  }
0xcd: {  	[sflag:s0] =	ssyncadd.tile.s32 @!p0 $0x1;
	_ =	shalt  }
.Lfunc_end2:
_tile_overlayer_lowered:
.L_overlay_start_2:
0xce: {  	(tag) =	ssettag $0x2  }
0xcf: {  	s0 =	rddreg [dreg:$0x0];
	s2 =	stileid.u32  }
0xd0: {  	s1 =	rddreg [dreg:$0x1];
	p0 =	sne.s32 s2, $0x0  }
0xd1: {  	s3 =	rddreg [dreg:$0x2];
	[bflag:$0x3] =	sbarrier.arrive $0xFFFF;
	s2 =	simm.s32 @!p0 $0x1C02  }
0xd2: {  	[timem:s3], [sflag:s2] =	dma.local @!p0 [hbm:s0], s1  }
0xd3: {  	s0 =	simm.s32 @!p0 $0x2  }
0xd4: {  	_ =	swait.ge @!p0 [sflag:s0], s1  }
0xd5: {  	s1 =	ssub.s32 @!p0 $0x0, s1;
	[sflag:s0] =	ssyncset.done @!p0 $0x0  }
0xd6: {  	[sflag:s0] =	ssyncadd.s32 @!p0 s1  }
0xd7: {  	[bflag:$0x3] =	sbarrier.arrive $0xFFFF  }
0xd8: {  	_ =	shalt  }

// kernel: kernel.8.cloned.1.call-start
scs
__scs_entry_jumppad:
0x0: {  	(pc) =	sbr.rel $0x88, $3  }
0x1: {  	(tag) =	ssettag $0x0;
	lr =	simm.s32 $0x1  }
0x2: {  	[smem:$0x3F93] =	sst lr;
	_ =	strace $0xD0000000  }
0x3: {  	_ = 	snop  }
0x4: {  	_ = 	snop  }
0x5: {  	_ = 	snop  }
0x6: {  	_ = 	snop  }
0x7: {  	_ = 	snop  }
__scs_overlays_trampoline_lowered:
0x8: {  	[smem:$0x3FA2] =	sst s0  }
0x9: {  	[smem:$0x3FA3] =	sst s1  }
0xa: {  	[smem:$0x3FA4] =	sst s2  }
0xb: {  	[smem:$0x3FA5] =	sst s3  }
0xc: {  	[smem:$0x3FA6] =	sst s4  }
0xd: {  	[smem:$0x3FA7] =	sst s5  }
0xe: {  	[smem:$0x3FA8] =	sst s6  }
0xf: {  	[smem:$0x3FA9] =	sst s7  }
0x10: {  	[smem:$0x3FAA] =	sst s8  }
0x11: {  	[smem:$0x3FAB] =	sst s9;
	s0 =	simm.s32 @!p0 $0x0  }
0x12: {  	s1 =	sld [smem:$0x3F91];
	s0 =	simm.s32 @p0 $0x1  }
0x13: {  	[smem:$0x3FAC] =	sst s0;
	s0 =	simm.s32 @!p1 $0x0  }
0x14: {  	s2 =	sld [smem:$0x3F90];
	s0 =	simm.s32 @p1 $0x1  }
0x15: {  	[smem:$0x3FAD] =	sst s0;
	s0 =	simm.s32 @!p2 $0x0  }
0x16: {  	s3 =	sld [smem:$0x3FDB];
	s0 =	simm.s32 @p2 $0x1  }
0x17: {  	s4 =	simm.s32 $0x1BF5;
	[smem:$0x3FAF] =	sst s0  }
0x18: {  	s0 =	sld [smem:$0x3F92];
	_ =	swait.ge [sflag:s4], $0x0  }
0x19: {  	s7 =	sld [smem:$0x3F93]  }
0x1a: {  	s8 =	sadd.s32 $0xFFFFE003, lr  }
0x1b: {  	s9 =	sadd.s32 $0xFFFFFEF7, lr;
	s5 =	simm.s32 $0xFFFFFFFF;
	p2 =	slt.u32 s8, $0xFFFFF086  }
0x1c: {  	p1 =	slt.u32 s9, $0xF7A;
	s5 =	simm.s32 @!p2 $0x0  }
0x1d: {  	s5 =	simm.s32 @p1 $0x1;
	p0 =	seq.s32 s7, s2  }
0x1e: {  	s7 =	smul.u32 @!p0 $0xF7A, s2;
	p2 =	seq.s32 @!p0 s5, $0x0  }
0x1f: {  	s9 =	smul.u32 $0xF7A, s1;
	s8 =	simm.s32 @!p0 $0x1BF5;
	p2 =	por !p2, p0  }
0x20: {  	[sflag:s8] =	ssyncset.s32 @!p0 $0xFFFFF086;
	s6 =	sadd.s32 @!p0 s3, s7;
	s7 =	simm.s32 @!p0 $0x108  }
0x21: {  	s3 =	sadd.s32 s3, s9;
	s6 =	sadd.s32 @!p0 $0x88, s6;
	s7 =	simm.s32 @p2 $0x1082  }
0x22: {  	[simem:s7], [sflag:s8] =	dma.local @!p0 [hbm:s6], $0xF7A  }
0x23: {  	s9 =	sor.u32 $0xD0000000, s2;
	s6 =	simm.s32 $0x108;
	_ =	swait.ge @!p0 [sflag:s8], $0x0  }
0x24: {  	s3 =	sadd.s32 $0x88, s3;
	s6 =	simm.s32 @!p1 $0x1082;
	[sflag:s4] =	ssyncset.s32 $0xFFFFF086  }
0x25: {  	[simem:s6], [sflag:s4] =	dma.local [hbm:s3], $0xF7A  }
0x26: {  	[smem:$0x3F93] =	sst s1;
	(tag) =	ssettag s2;
	_ =	strace s9  }
0x27: {  	s1 =	sld [smem:$0x3FA3]  }
0x28: {  	s2 =	sld [smem:$0x3FA4]  }
0x29: {  	s4 =	sld [smem:$0x3FA6]  }
0x2a: {  	p0 =	seq.s32 s5, $0x0;
	s5 =	sld [smem:$0x3FA7]  }
0x2b: {  	s6 =	sld [smem:$0x3FA8]  }
0x2c: {  	s7 =	sld [smem:$0x3FA9]  }
0x2d: {  	s3 =	simm.s32 $0x108;
	s8 =	sld [smem:$0x3FAA]  }
0x2e: {  	s3 =	simm.s32 @!p0 $0x1082;
	s9 =	sld [smem:$0x3FAB]  }
0x2f: {  	lr =	sadd.s32 s0, s3;
	s0 =	sld [smem:$0x3FA2]  }
0x30: {  	s3 =	sld [smem:$0x3FA5]  }
0x31: {  	[smem:$0x3FAE] =	sst s10  }
0x32: {  	s10 =	sld [smem:$0x3FAC];
	_ =	sdelay $0x3  }
0x33: {  	p0 =	seq.s32 s10, $0x1;
	s10 =	sld [smem:$0x3FAE];
	_ =	sdelay $0x3  }
0x34: {  	[smem:$0x3FAE] =	sst s10  }
0x35: {  	s10 =	sld [smem:$0x3FAD];
	_ =	sdelay $0x3  }
0x36: {  	p1 =	seq.s32 s10, $0x1;
	s10 =	sld [smem:$0x3FAE];
	_ =	sdelay $0x3  }
0x37: {  	[smem:$0x3FAE] =	sst s10  }
0x38: {  	s10 =	sld [smem:$0x3FAF]  }
0x39: {  	_ = 	snop;
	(pc) =	sbr.ind lr, $3  }
0x3a: {  	_ = 	snop  }
0x3b: {  	_ = 	snop  }
0x3c: {  	p2 =	seq.s32 s10, $0x1;
	s10 =	sld [smem:$0x3FAE]  }
0x3d: {  	_ =	shalt  }
0x3e: {  	_ =	shalt  }
0x3f: {  	_ =	shalt  }
0x40: {  	_ =	shalt  }
0x41: {  	_ =	shalt  }
0x42: {  	_ =	shalt  }
0x43: {  	_ =	shalt  }
0x44: {  	_ =	shalt  }
0x45: {  	_ =	shalt  }
0x46: {  	_ =	shalt  }
0x47: {  	_ =	shalt  }
0x48: {  	_ =	shalt  }
0x49: {  	_ =	shalt  }
0x4a: {  	_ =	shalt  }
0x4b: {  	_ =	shalt  }
0x4c: {  	_ =	shalt  }
0x4d: {  	_ =	shalt  }
0x4e: {  	_ =	shalt  }
0x4f: {  	_ =	shalt  }
0x50: {  	_ =	shalt  }
0x51: {  	_ =	shalt  }
0x52: {  	_ =	shalt  }
0x53: {  	_ =	shalt  }
0x54: {  	_ =	shalt  }
0x55: {  	_ =	shalt  }
0x56: {  	_ =	shalt  }
0x57: {  	_ =	shalt  }
0x58: {  	_ =	shalt  }
0x59: {  	_ =	shalt  }
0x5a: {  	_ =	shalt  }
0x5b: {  	_ =	shalt  }
0x5c: {  	_ =	shalt  }
0x5d: {  	_ =	shalt  }
0x5e: {  	_ =	shalt  }
0x5f: {  	_ =	shalt  }
0x60: {  	_ =	shalt  }
0x61: {  	_ =	shalt  }
0x62: {  	_ =	shalt  }
0x63: {  	_ =	shalt  }
0x64: {  	_ =	shalt  }
0x65: {  	_ =	shalt  }
0x66: {  	_ =	shalt  }
0x67: {  	_ =	shalt  }
0x68: {  	_ =	shalt  }
0x69: {  	_ =	shalt  }
0x6a: {  	_ =	shalt  }
0x6b: {  	_ =	shalt  }
0x6c: {  	_ =	shalt  }
0x6d: {  	_ =	shalt  }
0x6e: {  	_ =	shalt  }
0x6f: {  	_ =	shalt  }
0x70: {  	_ =	shalt  }
0x71: {  	_ =	shalt  }
0x72: {  	_ =	shalt  }
0x73: {  	_ =	shalt  }
0x74: {  	_ =	shalt  }
0x75: {  	_ =	shalt  }
0x76: {  	_ =	shalt  }
0x77: {  	_ =	shalt  }
0x78: {  	_ =	shalt  }
0x79: {  	_ =	shalt  }
0x7a: {  	_ =	shalt  }
0x7b: {  	_ =	shalt  }
0x7c: {  	_ =	shalt  }
0x7d: {  	_ =	shalt  }
0x7e: {  	_ =	shalt  }
0x7f: {  	_ =	shalt  }
0x80: {  	_ =	shalt  }
0x81: {  	_ =	shalt  }
0x82: {  	_ =	shalt  }
0x83: {  	_ =	shalt  }
0x84: {  	_ =	shalt  }
0x85: {  	_ =	shalt  }
0x86: {  	_ =	shalt  }
0x87: {  	_ =	shalt  }
.Lfunc_end0:
.L_simem_size_0:
called_computation_lowered:
.L_overlay_start_0:
0x88: {  	s2 =	sld [smem:$0x3FD9]  }
0x89: {  	s3 =	sld [smem:$0x3FFE];
	_ =	sdelay $0x1  }
0x8a: {  	s1 =	srdreg.scid  }
0x8b: {  	s0 =	sand.u32 $0x1, s1  }
0x8c: {  	s16 =	sshll.u32 s0, $0xA;
	s2 =	sadd.s32 s3, s2  }
0x8d: {  	s2 =	sadd.s32 s2, s16  }
0x8e: {  	[smem:$0x3FBA] =	sst s2  }
0x8f: {  	_ = 	snop  }
0x90: {  	(tm) =	ssettm $0x1  }
0x91: {  	s17 =	sld [smem:$0x3FFB];
	_ =	sdelay $0x3  }
0x92: {  	_ =	strace s17  }
0x93: {  	s2 =	sld [smem:$0x3FFC];
	_ =	sdelay $0x3  }
0x94: {  	_ =	strace s2  }
0x95: {  	s2 =	sld [smem:$0x3FFD];
	_ =	sdelay $0x3  }
0x96: {  	_ =	strace s2  }
0x97: {  	_ =	strace $0x8FFFFFFF  }
0x98: {  	s18 =	sld [smem:$0x3FDB];
	_ =	sdelay $0x1  }
0x99: {  	s19 =	simm.s32 $_scs_section_size  }
0x9a: {  	s4 =	simm.s32 $_size__tile_overlayer_lowered;
	s5 =	simm.s32 $_tile_overlayer_lowered  }
0x9b: {  	s22 =	simm.s32 $0x1BFF;
	s21 =	sshll.u32 s5, $0x1;
	s2 =	sadd.s32 s19, s18  }
0x9c: {  	s6 =	simm.s32 $0x0;
	s20 =	sshll.u32 s4, $0x1;
	s4 =	sadd.s32 s21, s2  }
0x9d: {  	[timem:s6], [sflag:s22] =	dma.local [hbm:s4], s20  }
0x9e: {  	_ =	swait.ge [sflag:s22], s20  }
0x9f: {  	s3 =	ssub.s32 $0x0, s20;
	[sflag:s22] =	ssyncset.done $0x0  }
0xa0: {  	[sflag:s22] =	ssyncadd.s32 s3;
	_ =	sdelay $0x1  }
0xa1: {  	s23 =	simm.s32 $0x1B8B  }
0xa2: {  	_ =	swait.ge [sflag:s23], $0x1  }
0xa3: {  	[sflag:s23] =	ssyncset.done $0x0  }
0xa4: {  	s25 =	simm.s32 $0x1B8E;
	s24 =	sld [smem:$0x3FFE];
	[sflag:s23] =	ssyncadd.s32 $0xFFFFFFFF  }
0xa5: {  	s26 =	simm.s32 $execute0_lowered;
	[smem:$0x3FD2] =	sst s25  }
0xa6: {  	s4 =	sshll.u32 s26, $0x1;
	_ =	strace $0x80000046;
	[dreg:$0x1] =	wrdreg $0xFFFFFFFF  }
0xa7: {  	s28 =	simm.s32 $_size_execute0_lowered;
	s2 =	sadd.s32 s2, s4;
	[dreg:$0x0] =	wrdreg $0x0  }
0xa8: {  	s4 =	sshll.u32 s28, $0x1;
	[dreg:$0x2] =	wrdreg s2  }
0xa9: {  	[dreg:$0x3] =	wrdreg s4  }
0xaa: {  	[dreg:$0x4] =	wrdreg $0xC0  }
0xab: {  	_ =	task [dreg:s6], $0x5FFFF  }
0xac: {  	[dreg:$0x1] =	wrdreg $0xFFFFFFFF  }
0xad: {  	[dreg:$0x0] =	wrdreg $0x60  }
0xae: {  	[dreg:$0x2] =	wrdreg s24  }
0xaf: {  	[dreg:$0x3] =	wrdreg $0xA8000  }
0xb0: {  	[dreg:$0x4] =	wrdreg $0xA  }
0xb1: {  	_ =	task.clear_ibuf [dreg:s6], $0x5FFFF;
	_ =	strace $0x90000046  }
0xb2: {  	s29 =	simm.s32 $0xA;
	_ =	strace $0x80000048  }
0xb3: {  	_ =	swait.ge [sflag:s29], $0x1  }
0xb4: {  	[sflag:s29] =	ssyncadd.s32 $0xFFFFFFFF  }
0xb5: {  	_ =	strace $0x90000048  }
0xb6: {  	_ =	sfence  }
0xb7: {  	s30 =	sld [smem:$0x0];
	_ =	sdelay $0x2  }
0xb8: {  	s31 =	sshll.u32 s1, $0xD;
	s1 =	sshrl.u32 s1, $0x2  }
0xb9: {  	s3 =	sand.u32 $0x4000, s31;
	s1 =	sadd.s32 s1, s30  }
0xba: {  	s0 =	sor.u32 s3, s0;
	s1 =	sshll.u32 s1, $0x11  }
0xbb: {  	s0 =	sor.u32 s1, s0  }
0xbc: {  	s0 =	sadd.s32 $0x8F2B, s0  }
0xbd: {  	[sflag:s0] =	ssyncadd.remote.s32 $0x1  }
0xbe: {  	_ =	sfence.sel $0xFFFF  }
0xbf: {  	[dreg:$0x0] =	wrdreg $0xFFFFFFFF;
	(pc) =	sbr.abs _section_cstart, $3  }
0xc0: {  	[dreg:$0x1] =	wrdreg $0xFFFFFFFF  }
0xc1: {  	_ =	task.clear_ibuf [dreg:s6], $0x2FFFF;
	_ =	strace $0x9FFFFFFF  }
0xc2: {  	(tm) =	ssettm $0x7FFFFFFF  }
0xc3: {  	_ =	shalt  }
tec
execute0_lowered:
.L_overlay_start_1:
0x0: {  	(tag) =	ssettag $0x1  }
0x1: {  	s5 =	rddreg [dreg:$0x0]  }
0x2: {  	s1 =	rddreg [dreg:$0x1];
	s2 =	srdreg.scid;
	s3 =	simm.s32 $0x0  }
0x3: {  	s18 =	simm.s32 $0x1400;
	s19 =	simm.s32 $0x80;
	s20 =	simm.s32 $0x6800  }
0x4: {  	s21 =	simm.s32 $0x1;
	s22 =	simm.s32 $0x2;
	s23 =	simm.s32 $0x1380  }
0x5: {  	s24 =	simm.s32 $0x2700;
	s25 =	simm.s32 $0x2780;
	s6 =	sand.u32 $0x1, s2  }
0x6: {  	s2 =	stileid.u32;
	[smem:$0x7FF] =	sst s3;
	s4 =	sadd.s32 $0x16800, s5  }
0x7: {  	s12 =	sadd.s32 $0x2800, s5;
	s13 =	sadd.s32 $0xC800, s5;
	s7 =	smul.u32 $0x140000, s6  }
0x8: {  	s8 =	smul.u32 $0x14000, s2;
	_ =	strace $0x80000047;
	s29 =	sshll.u32 s2, $0x1  }
0x9: {  	s26 =	smul.u32 $0x50000, s2;
	s28 =	ssub.s32 $0x2, s6;
	s10 =	sor.u32 s6, s29  }
0xa: {  	s9 =	sshrl.u32 s28, $0x1;
	s7 =	sadd.s32 s8, s7;
	s11 =	smul.u32 $0x2800, s10  }
0xb: {  	s30 =	sshrl.u32 s26, $0x2;
	s15 =	ssub.s32 s28, s9;
	s16 =	smul.u32 $0x500, s10  }
0xc: {  	s26 =	simm.s32 $0x0;
	s7 =	sshrl.u32 s7, $0x3;
	s15 =	smax.u32 s15, $0x1  }
0xd: {  	s14 =	sadd.s32 s7, s5;
	s5 =	sadd.s32 s30, s1;
	s17 =	sshrl.u32 s11, $0x3  }
0xe: {  	s10 =	sadd.s32 s12, s16;
	s11 =	sadd.s32 s13, s16;
	s16 =	simm.s32 $0x2800  }
0xf: {  	s6 =	sadd.s32 $0x4000, s5;
	s7 =	sadd.s32 $0x8000, s5;
	s8 =	sadd.s32 $0xC000, s5  }
0x10: {  	s9 =	sadd.s32 $0x10000, s5;
	s31 =	sadd.s32 $0x280, s17;
	s14 =	sadd.s32 $0x3E000, s14  }
0x11: {  	v0 =	vimm.f32 $0.0e+00;
	s17 =	simm.s32 $0x3;
	s12 =	sadd.s32 s12, s31;
	s13 =	sadd.s32 s13, s31  }
.LBB2_1:
0x12: {  	s28 =	sand.u32 $0xFE00, s3  }
0x13: {  	s29 =	sand.u32 $0x70, s3;
	s30 =	sshrl.u32 s28, $0x2  }
0x14: {  	s28 =	simm.s32 $0x40;
	s30 =	sor.u32 s29, s30;
	s29 =	simm.s32 $0x0  }
.LBB2_2:
0x15: {  	p0 =	sne.s32 s28, $0xFFC0  }
0x16: {  	[tilespmem:s30+$0x2800] =	vst v0;
	s29 =	sadd.s32 $0x10, s29;
	s30 =	smov.u32 s28;
	s28 =	sadd.s32 $0x40, s28  }
.Ltmp0:
0x17: {  	(pc) =	sbr.rel @p0 .LBB2_2-.Ltmp0, $4  }
0x18: {  	_ = 	snop  }
0x19: {  	s30 =	sand.u32 $0xFE00, s30  }
0x1a: {  	s31 =	sand.u32 $0x70, s29;
	s30 =	sshrl.u32 s30, $0x2  }
0x1b: {  	s30 =	sor.u32 s31, s30  }
0x1c: {  	[tilespmem:s30+$0x2800] =	vst v0  }
0x1d: {  	[spmem:s5] =	stream.linear.scatter [tilespmem:s16], [sflag:$0x3], $0x4000, $0x38;
	[tilespmem:$0x1E800] =	vst v63  }
0x1e: {  	_ =	swait.ge [sflag:s17], $0x4000  }
0x1f: {  	[sflag:s17] =	ssyncset.done $0x0  }
0x20: {  	[sflag:s17] =	ssyncadd.s32 $0xFFFFC000  }
0x21: {  	[spmem:s6] =	stream.linear.scatter [tilespmem:s16], [sflag:$0x3], $0x4000, $0x38;
	[tilespmem:$0x1E800] =	vst v63  }
0x22: {  	_ =	swait.ge [sflag:s17], $0x4000  }
0x23: {  	[sflag:s17] =	ssyncset.done $0x0  }
0x24: {  	[sflag:s17] =	ssyncadd.s32 $0xFFFFC000  }
0x25: {  	[spmem:s7] =	stream.linear.scatter [tilespmem:s16], [sflag:$0x3], $0x4000, $0x38;
	[tilespmem:$0x1E800] =	vst v63  }
0x26: {  	_ =	swait.ge [sflag:s17], $0x4000  }
0x27: {  	[sflag:s17] =	ssyncset.done $0x0  }
0x28: {  	[sflag:s17] =	ssyncadd.s32 $0xFFFFC000  }
0x29: {  	[spmem:s8] =	stream.linear.scatter [tilespmem:s16], [sflag:$0x3], $0x4000, $0x38;
	[tilespmem:$0x1E800] =	vst v63  }
0x2a: {  	_ =	swait.ge [sflag:s17], $0x4000  }
0x2b: {  	[sflag:s17] =	ssyncset.done $0x0  }
0x2c: {  	[sflag:s17] =	ssyncadd.s32 $0xFFFFC000  }
0x2d: {  	[spmem:s9] =	stream.linear.scatter [tilespmem:s16], [sflag:$0x3], $0x4000, $0x38;
	[tilespmem:$0x1E800] =	vst v63  }
0x2e: {  	_ =	swait.ge [sflag:s17], $0x4000  }
0x2f: {  	[sflag:s17] =	ssyncset.done $0x0  }
0x30: {  	[sflag:s17] =	ssyncadd.s32 $0xFFFFC000  }
0x31: {  	s28 =	simm.s32 $0x0;
	[bflag:$0x0] =	sbarrier.arrive $0xFFFF  }
0x32: {  	[tilespmem:s28], [sflag:$0x3] =	stream.linear.gather [hbm4b:s10+s28], $0x1400, $0x38;
	[tilespmem:$0x1E800] =	vst v63  }
0x33: {  	_ =	swait.ge [sflag:s17], $0x1400  }
0x34: {  	[sflag:s17] =	ssyncset.done $0x0  }
0x35: {  	[sflag:s17] =	ssyncadd.s32 $0xFFFFEC00  }
0x36: {  	[tilespmem:s18], [sflag:$0x3] =	stream.linear.gather [hbm4b:s11+s28], $0x1400, $0x38;
	[tilespmem:$0x1E800] =	vst v63  }
0x37: {  	_ =	swait.ge [sflag:s17], $0x1400  }
0x38: {  	[sflag:s17] =	ssyncset.done $0x0  }
0x39: {  	[sflag:s17] =	ssyncadd.s32 $0xFFFFEC00  }
0x3a: {  	[tilespmem:s16], [sflag:$0x1] =	stream.indirect.gather [hbm4b:s4+s19], $0x80, s28, s19, $0xb8;
	[tilespmem:$0x1E800] =	vst v63  }
0x3b: {  	s28 =	simm.s32 $0x80  }
0x3c: {  	[tilespmem:s20], [sflag:$0x2] =	stream.indirect.gather [hbm4b:s4+s19], $0x80, s28, s19, $0xb8;
	[tilespmem:$0x1E800] =	vst v63  }
0x3d: {  	_ =	swait.ge [sflag:s21], $0x4000  }
0x3e: {  	[sflag:s21] =	ssyncset.done $0x0  }
0x3f: {  	s28 =	simm.s32 $0x1400;
	[sflag:s21] =	ssyncadd.s32 $0xFFFFC000  }
0x40: {  	[spmem:s1] =	stream.indirect.scatter.add.f32 [tilespmem:s16], [sflag:$0x3], $0x80, s28, s19, $0xb8;
	[tilespmem:$0x1E800] =	vst v63  }
0x41: {  	_ =	swait.ge [sflag:s17], $0x4000  }
0x42: {  	[sflag:s17] =	ssyncset.done $0x0  }
0x43: {  	s28 =	simm.s32 $0x100;
	[sflag:s17] =	ssyncadd.s32 $0xFFFFC000  }
0x44: {  	[tilespmem:s16], [sflag:$0x1] =	stream.indirect.gather [hbm4b:s4+s19], $0x80, s28, s19, $0xb8;
	[tilespmem:$0x1E800] =	vst v63  }
0x45: {  	_ =	swait.ge [sflag:s22], $0x4000  }
0x46: {  	[sflag:s22] =	ssyncset.done $0x0  }
0x47: {  	s28 =	simm.s32 $0x1480;
	[sflag:s22] =	ssyncadd.s32 $0xFFFFC000  }
0x48: {  	[spmem:s1] =	stream.indirect.scatter.add.f32 [tilespmem:s20], [sflag:$0x3], $0x80, s28, s19, $0xb8;
	[tilespmem:$0x1E800] =	vst v63  }
0x49: {  	_ =	swait.ge [sflag:s17], $0x4000  }
0x4a: {  	s29 =	simm.s32 $0x800;
	s28 =	simm.s32 $0x100;
	[sflag:s17] =	ssyncset.done $0x0  }
.LBB2_4:
0x4b: {  	s30 =	sadd.s32 $0x80, s28  }
0x4c: {  	[sflag:s17] =	ssyncadd.s32 $0xFFFFC000;
	s31 =	smov.u32 s29;
	s0 =	sadd.s32 $0x400, s29  }
0x4d: {  	[tilespmem:s20], [sflag:$0x2] =	stream.indirect.gather [hbm4b:s4+s19], $0x80, s30, s19, $0xb8;
	[tilespmem:$0x1E800] =	vst v63  }
0x4e: {  	p0 =	sne.s32 s29, $0x4800;
	_ =	swait.ge [sflag:s21], $0x4000  }
0x4f: {  	[sflag:s21] =	ssyncset.done $0x0  }
0x50: {  	s29 =	sadd.s32 $0x1400, s28;
	[sflag:s21] =	ssyncadd.s32 $0xFFFFC000  }
0x51: {  	[spmem:s1] =	stream.indirect.scatter.add.f32 [tilespmem:s16], [sflag:$0x3], $0x80, s29, s19, $0xb8;
	[tilespmem:$0x1E800] =	vst v63  }
0x52: {  	_ =	swait.ge [sflag:s17], $0x4000  }
0x53: {  	[sflag:s17] =	ssyncset.done $0x0  }
0x54: {  	s29 =	sadd.s32 $0x100, s28;
	[sflag:s17] =	ssyncadd.s32 $0xFFFFC000  }
0x55: {  	[tilespmem:s16], [sflag:$0x1] =	stream.indirect.gather [hbm4b:s4+s19], $0x80, s29, s19, $0xb8;
	[tilespmem:$0x1E800] =	vst v63  }
0x56: {  	_ =	swait.ge [sflag:s22], $0x4000  }
.Ltmp1:
0x57: {  	[sflag:s22] =	ssyncset.done $0x0;
	(pc) =	sbr.rel @p0 .LBB2_4-.Ltmp1, $4  }
0x58: {  	s28 =	sadd.s32 $0x1480, s28;
	[sflag:s22] =	ssyncadd.s32 $0xFFFFC000  }
0x59: {  	[spmem:s1] =	stream.indirect.scatter.add.f32 [tilespmem:s20], [sflag:$0x3], $0x80, s28, s19, $0xb8;
	[tilespmem:$0x1E800] =	vst v63  }
0x5a: {  	_ =	swait.ge [sflag:s17], $0x4000  }
0x5b: {  	s29 =	smov.u32 s0;
	s28 =	sshra.s32 s31, $0x2;
	[sflag:s17] =	ssyncset.done $0x0  }
0x5c: {  	s0 =	sadd.s32 $0x80, s28;
	[sflag:s17] =	ssyncadd.s32 $0xFFFFC000  }
0x5d: {  	[tilespmem:s20], [sflag:$0x2] =	stream.indirect.gather [hbm4b:s4+s19], $0x80, s0, s19, $0xb8;
	[tilespmem:$0x1E800] =	vst v63  }
0x5e: {  	_ =	swait.ge [sflag:s21], $0x4000  }
0x5f: {  	[sflag:s21] =	ssyncset.done $0x0  }
0x60: {  	s30 =	sadd.s32 $0x1400, s28;
	[sflag:s21] =	ssyncadd.s32 $0xFFFFC000  }
0x61: {  	[spmem:s1] =	stream.indirect.scatter.add.f32 [tilespmem:s16], [sflag:$0x3], $0x80, s30, s19, $0xb8;
	[tilespmem:$0x1E800] =	vst v63  }
0x62: {  	_ =	swait.ge [sflag:s17], $0x4000  }
0x63: {  	[sflag:s17] =	ssyncset.done $0x0  }
0x64: {  	s31 =	sadd.s32 $0x100, s28;
	[sflag:s17] =	ssyncadd.s32 $0xFFFFC000  }
0x65: {  	[tilespmem:s16], [sflag:$0x1] =	stream.indirect.gather [hbm4b:s4+s19], $0x80, s31, s19, $0xb8;
	[tilespmem:$0x1E800] =	vst v63  }
0x66: {  	_ =	swait.ge [sflag:s22], $0x4000  }
0x67: {  	[sflag:s22] =	ssyncset.done $0x0  }
0x68: {  	s30 =	sadd.s32 $0x1480, s28;
	[sflag:s22] =	ssyncadd.s32 $0xFFFFC000  }
0x69: {  	[spmem:s1] =	stream.indirect.scatter.add.f32 [tilespmem:s20], [sflag:$0x3], $0x80, s30, s19, $0xb8;
	[tilespmem:$0x1E800] =	vst v63  }
0x6a: {  	_ =	swait.ge [sflag:s17], $0x4000  }
0x6b: {  	[sflag:s17] =	ssyncset.done $0x0  }
0x6c: {  	[sflag:s17] =	ssyncadd.s32 $0xFFFFC000  }
0x6d: {  	[tilespmem:s20], [sflag:$0x2] =	stream.indirect.gather [hbm4b:s4+s19], $0x80, s23, s19, $0xb8;
	[tilespmem:$0x1E800] =	vst v63  }
0x6e: {  	_ =	swait.ge [sflag:s21], $0x4000  }
0x6f: {  	[sflag:s21] =	ssyncset.done $0x0  }
0x70: {  	[sflag:s21] =	ssyncadd.s32 $0xFFFFC000  }
0x71: {  	[spmem:s1] =	stream.indirect.scatter.add.f32 [tilespmem:s16], [sflag:$0x3], $0x80, s24, s19, $0xb8;
	[tilespmem:$0x1E800] =	vst v63  }
0x72: {  	_ =	swait.ge [sflag:s17], $0x4000  }
0x73: {  	[sflag:s17] =	ssyncset.done $0x0  }
0x74: {  	[sflag:s17] =	ssyncadd.s32 $0xFFFFC000  }
0x75: {  	_ =	swait.ge [sflag:s22], $0x4000  }
0x76: {  	[sflag:s22] =	ssyncset.done $0x0  }
0x77: {  	[sflag:s22] =	ssyncadd.s32 $0xFFFFC000  }
0x78: {  	[spmem:s1] =	stream.indirect.scatter.add.f32 [tilespmem:s20], [sflag:$0x3], $0x80, s25, s19, $0xb8;
	[tilespmem:$0x1E800] =	vst v63  }
0x79: {  	_ =	swait.ge [sflag:s17], $0x4000  }
0x7a: {  	[sflag:s17] =	ssyncset.done $0x0  }
0x7b: {  	s31 =	simm.s32 $0x0;
	[sflag:s17] =	ssyncadd.s32 $0xFFFFC000  }
0x7c: {  	[tilespmem:s31], [sflag:$0x3] =	stream.linear.gather [hbm4b:s12+s31], $0x1400, $0x38;
	[tilespmem:$0x1E800] =	vst v63  }
0x7d: {  	_ =	swait.ge [sflag:s17], $0x1400  }
0x7e: {  	[sflag:s17] =	ssyncset.done $0x0  }
0x7f: {  	[sflag:s17] =	ssyncadd.s32 $0xFFFFEC00  }
0x80: {  	[tilespmem:s18], [sflag:$0x3] =	stream.linear.gather [hbm4b:s13+s31], $0x1400, $0x38;
	[tilespmem:$0x1E800] =	vst v63  }
0x81: {  	_ =	swait.ge [sflag:s17], $0x1400  }
0x82: {  	[sflag:s17] =	ssyncset.done $0x0  }
0x83: {  	[sflag:s17] =	ssyncadd.s32 $0xFFFFEC00  }
0x84: {  	[tilespmem:s16], [sflag:$0x1] =	stream.indirect.gather [hbm4b:s4+s19], $0x80, s31, s19, $0xb8;
	[tilespmem:$0x1E800] =	vst v63  }
0x85: {  	s30 =	simm.s32 $0x80  }
0x86: {  	[tilespmem:s20], [sflag:$0x2] =	stream.indirect.gather [hbm4b:s4+s19], $0x80, s30, s19, $0xb8;
	[tilespmem:$0x1E800] =	vst v63  }
0x87: {  	_ =	swait.ge [sflag:s21], $0x4000  }
0x88: {  	[sflag:s21] =	ssyncset.done $0x0  }
0x89: {  	s31 =	simm.s32 $0x1400;
	[sflag:s21] =	ssyncadd.s32 $0xFFFFC000  }
0x8a: {  	[spmem:s1] =	stream.indirect.scatter.add.f32 [tilespmem:s16], [sflag:$0x3], $0x80, s31, s19, $0xb8;
	[tilespmem:$0x1E800] =	vst v63  }
0x8b: {  	_ =	swait.ge [sflag:s17], $0x4000  }
0x8c: {  	[sflag:s17] =	ssyncset.done $0x0  }
0x8d: {  	s30 =	simm.s32 $0x100;
	[sflag:s17] =	ssyncadd.s32 $0xFFFFC000  }
0x8e: {  	[tilespmem:s16], [sflag:$0x1] =	stream.indirect.gather [hbm4b:s4+s19], $0x80, s30, s19, $0xb8;
	[tilespmem:$0x1E800] =	vst v63  }
0x8f: {  	_ =	swait.ge [sflag:s22], $0x4000  }
0x90: {  	[sflag:s22] =	ssyncset.done $0x0  }
0x91: {  	s31 =	simm.s32 $0x1480;
	[sflag:s22] =	ssyncadd.s32 $0xFFFFC000  }
0x92: {  	[spmem:s1] =	stream.indirect.scatter.add.f32 [tilespmem:s20], [sflag:$0x3], $0x80, s31, s19, $0xb8;
	[tilespmem:$0x1E800] =	vst v63  }
0x93: {  	_ =	swait.ge [sflag:s17], $0x4000  }
0x94: {  	s29 =	simm.s32 $0x800;
	s28 =	simm.s32 $0x100;
	[sflag:s17] =	ssyncset.done $0x0  }
.LBB2_6:
0x95: {  	s0 =	sadd.s32 $0x80, s28  }
0x96: {  	[sflag:s17] =	ssyncadd.s32 $0xFFFFC000;
	s30 =	smov.u32 s29;
	s31 =	sadd.s32 $0x400, s29  }
0x97: {  	[tilespmem:s20], [sflag:$0x2] =	stream.indirect.gather [hbm4b:s4+s19], $0x80, s0, s19, $0xb8;
	[tilespmem:$0x1E800] =	vst v63  }
0x98: {  	p0 =	sne.s32 s29, $0x4800;
	_ =	swait.ge [sflag:s21], $0x4000  }
0x99: {  	[sflag:s21] =	ssyncset.done $0x0  }
0x9a: {  	s0 =	sadd.s32 $0x1400, s28;
	[sflag:s21] =	ssyncadd.s32 $0xFFFFC000  }
0x9b: {  	[spmem:s1] =	stream.indirect.scatter.add.f32 [tilespmem:s16], [sflag:$0x3], $0x80, s0, s19, $0xb8;
	[tilespmem:$0x1E800] =	vst v63  }
0x9c: {  	_ =	swait.ge [sflag:s17], $0x4000  }
0x9d: {  	[sflag:s17] =	ssyncset.done $0x0  }
0x9e: {  	s0 =	sadd.s32 $0x100, s28;
	[sflag:s17] =	ssyncadd.s32 $0xFFFFC000  }
0x9f: {  	[tilespmem:s16], [sflag:$0x1] =	stream.indirect.gather [hbm4b:s4+s19], $0x80, s0, s19, $0xb8;
	[tilespmem:$0x1E800] =	vst v63  }
0xa0: {  	_ =	swait.ge [sflag:s22], $0x4000  }
.Ltmp2:
0xa1: {  	[sflag:s22] =	ssyncset.done $0x0;
	(pc) =	sbr.rel @p0 .LBB2_6-.Ltmp2, $4  }
0xa2: {  	s0 =	sadd.s32 $0x1480, s28;
	[sflag:s22] =	ssyncadd.s32 $0xFFFFC000  }
0xa3: {  	[spmem:s1] =	stream.indirect.scatter.add.f32 [tilespmem:s20], [sflag:$0x3], $0x80, s0, s19, $0xb8;
	[tilespmem:$0x1E800] =	vst v63  }
0xa4: {  	_ =	swait.ge [sflag:s17], $0x4000  }
0xa5: {  	s29 =	smov.u32 s31;
	s28 =	sshra.s32 s30, $0x2;
	[sflag:s17] =	ssyncset.done $0x0  }
0xa6: {  	s0 =	sadd.s32 $0x80, s28;
	[sflag:s17] =	ssyncadd.s32 $0xFFFFC000  }
0xa7: {  	[tilespmem:s20], [sflag:$0x2] =	stream.indirect.gather [hbm4b:s4+s19], $0x80, s0, s19, $0xb8;
	[tilespmem:$0x1E800] =	vst v63  }
0xa8: {  	_ =	swait.ge [sflag:s21], $0x4000  }
0xa9: {  	[sflag:s21] =	ssyncset.done $0x0  }
0xaa: {  	s30 =	sadd.s32 $0x1400, s28;
	[sflag:s21] =	ssyncadd.s32 $0xFFFFC000  }
0xab: {  	[spmem:s1] =	stream.indirect.scatter.add.f32 [tilespmem:s16], [sflag:$0x3], $0x80, s30, s19, $0xb8;
	[tilespmem:$0x1E800] =	vst v63  }
0xac: {  	_ =	swait.ge [sflag:s17], $0x4000  }
0xad: {  	[sflag:s17] =	ssyncset.done $0x0  }
0xae: {  	s31 =	sadd.s32 $0x100, s28;
	[sflag:s17] =	ssyncadd.s32 $0xFFFFC000  }
0xaf: {  	[tilespmem:s16], [sflag:$0x1] =	stream.indirect.gather [hbm4b:s4+s19], $0x80, s31, s19, $0xb8;
	[tilespmem:$0x1E800] =	vst v63  }
0xb0: {  	_ =	swait.ge [sflag:s22], $0x4000  }
0xb1: {  	[sflag:s22] =	ssyncset.done $0x0  }
0xb2: {  	s29 =	sadd.s32 $0x1480, s28;
	[sflag:s22] =	ssyncadd.s32 $0xFFFFC000  }
0xb3: {  	[spmem:s1] =	stream.indirect.scatter.add.f32 [tilespmem:s20], [sflag:$0x3], $0x80, s29, s19, $0xb8;
	[tilespmem:$0x1E800] =	vst v63  }
0xb4: {  	_ =	swait.ge [sflag:s17], $0x4000  }
0xb5: {  	[sflag:s17] =	ssyncset.done $0x0  }
0xb6: {  	[sflag:s17] =	ssyncadd.s32 $0xFFFFC000  }
0xb7: {  	[tilespmem:s20], [sflag:$0x2] =	stream.indirect.gather [hbm4b:s4+s19], $0x80, s23, s19, $0xb8;
	[tilespmem:$0x1E800] =	vst v63  }
0xb8: {  	_ =	swait.ge [sflag:s21], $0x4000  }
0xb9: {  	[sflag:s21] =	ssyncset.done $0x0  }
0xba: {  	[sflag:s21] =	ssyncadd.s32 $0xFFFFC000  }
0xbb: {  	[spmem:s1] =	stream.indirect.scatter.add.f32 [tilespmem:s16], [sflag:$0x3], $0x80, s24, s19, $0xb8;
	[tilespmem:$0x1E800] =	vst v63  }
0xbc: {  	_ =	swait.ge [sflag:s17], $0x4000  }
0xbd: {  	[sflag:s17] =	ssyncset.done $0x0  }
0xbe: {  	[sflag:s17] =	ssyncadd.s32 $0xFFFFC000  }
0xbf: {  	_ =	swait.ge [sflag:s22], $0x4000  }
0xc0: {  	[sflag:s22] =	ssyncset.done $0x0  }
0xc1: {  	[sflag:s22] =	ssyncadd.s32 $0xFFFFC000  }
0xc2: {  	[spmem:s1] =	stream.indirect.scatter.add.f32 [tilespmem:s20], [sflag:$0x3], $0x80, s25, s19, $0xb8;
	[tilespmem:$0x1E800] =	vst v63  }
0xc3: {  	_ =	swait.ge [sflag:s17], $0x4000  }
0xc4: {  	s26 =	sadd.s32 $0x1, s26;
	s30 =	sshll.u32 s2, $0x6;
	[sflag:s17] =	ssyncset.done $0x0  }
0xc5: {  	p0 =	sne.s32 s26, s15;
	s0 =	sor.u32 $0x1C03, s30;
	[sflag:s17] =	ssyncadd.s32 $0xFFFFC000  }
.Ltmp3:
0xc6: {  	s31 =	sshrl.u32 s5, $0x3;
	[bflag:$0x0] =	sbarrier.arrive $0xFFFF;
	(pc) =	sbr.rel @p0 .LBB2_1-.Ltmp3, $4  }
0xc7: {  	[hbm:s14], [sflag:s0] =	dma.local [spmem:s31], $0x2800  }
0xc8: {  	_ =	swait.ge [sflag:s17], $0x2800  }
0xc9: {  	[sflag:s17] =	ssyncset.done $0x0  }
0xca: {  	[sflag:s17] =	ssyncadd.s32 $0xFFFFD800  }
0xcb: {  	_ =	sfence.sel $0x180000  }
0xcc: {  	[bflag:$0x0] =	sbarrier.arrive $0xFFFF  }
0xcd: {  	_ =	strace $0x90000047  }
0xce: {  	[bflag:$0x2] =	sbarrier.arrive $0xFFFF  }
0xcf: {  	p0 =	sne.s32 s2, $0x0;
	s0 =	rddreg [dreg:$0x2]  }
0xd0: {  	s0 =	sadd.s32 @!p0 $0x100000, s0  }
0xd1: {  	[sflag:s0] =	ssyncadd.tile.s32 @!p0 $0x1;
	_ =	shalt  }
.Lfunc_end2:
_tile_overlayer_lowered:
.L_overlay_start_2:
0xd2: {  	(tag) =	ssettag $0x2  }
0xd3: {  	s0 =	rddreg [dreg:$0x0];
	s2 =	stileid.u32  }
0xd4: {  	s1 =	rddreg [dreg:$0x1];
	p0 =	sne.s32 s2, $0x0  }
0xd5: {  	s3 =	rddreg [dreg:$0x2];
	[bflag:$0x3] =	sbarrier.arrive $0xFFFF;
	s2 =	simm.s32 @!p0 $0x1C03  }
0xd6: {  	[timem:s3], [sflag:s2] =	dma.local @!p0 [hbm:s0], s1  }
0xd7: {  	s0 =	simm.s32 @!p0 $0x3  }
0xd8: {  	_ =	swait.ge @!p0 [sflag:s0], s1  }
0xd9: {  	s1 =	ssub.s32 @!p0 $0x0, s1;
	[sflag:s0] =	ssyncset.done @!p0 $0x0  }
0xda: {  	[sflag:s0] =	ssyncadd.s32 @!p0 s1  }
0xdb: {  	[bflag:$0x3] =	sbarrier.arrive $0xFFFF  }
0xdc: {  	_ =	shalt  }

</sc_bundles>
